<compile_context>
chip_gen: v7x
topology: tpu7x:2x2x1
jax: 0.10.2.dev20260603
libtpu: 0.0.44.dev20260713+nightly
codegen_flags: <defaults>
</compile_context>

<pallas_src>
import jax
import jax.numpy as jnp
from jax import lax
from jax.experimental import pallas as pl
from jax.experimental.pallas import tpu as pltpu
from jax.experimental.pallas import tpu_sc as plsc

N_SUB = 16
N_CORES = 2
CHUNK = 64
DH = 128
RB = 1000


def _make_sc_agg(n_nodes, ep, compute_deg):
    kt = ep // (N_SUB * CHUNK)
    kth = kt // 2
    np_rows = -(-(n_nodes + 1) // (N_SUB * 8)) * (N_SUB * 8)
    zrows = np_rows // N_SUB
    orows = (n_nodes // N_SUB) & ~7
    oextra = n_nodes - orows * N_SUB
    assert oextra % 8 == 0 and oextra <= CHUNK

    mesh = plsc.VectorSubcoreMesh(core_axis_name="c", subcore_axis_name="s",
                                  num_cores=N_CORES, num_subcores=N_SUB)
    assert kt % 2 == 0
    out_types = [jax.ShapeDtypeStruct((2 * n_nodes, DH), jnp.float32)]
    scratch = [
        pltpu.VMEM((2, CHUNK), jnp.int32),
        pltpu.VMEM((2, CHUNK), jnp.int32),
        pltpu.VMEM((CHUNK, DH), jnp.float32),
        pltpu.VMEM((CHUNK, DH), jnp.float32),
        pltpu.VMEM_SHARED((np_rows, DH), jnp.float32),
        pltpu.SemaphoreType.DMA,
        pltpu.SemaphoreType.DMA,
    ]
    dstg_len = -(-max(zrows, orows + 8) // 16) * 16
    if compute_deg:
        out_types.append(jax.ShapeDtypeStruct((2 * n_nodes,), jnp.float32))
        scratch += [
            pltpu.VMEM((CHUNK,), jnp.float32),
            pltpu.VMEM((dstg_len,), jnp.float32),
            pltpu.VMEM_SHARED((np_rows,), jnp.float32),
        ]

    def body(x_hbm, eidx_hbm, *rest):
        if compute_deg:
            (agg_hbm, deg_hbm, idx0, idx1, rows0, rows1, acc, gsem0, gsem1,
             ones, dstg, dacc) = rest
        else:
            agg_hbm, idx0, idx1, rows0, rows1, acc, gsem0, gsem1 = rest
        stage = rows0
        c = lax.axis_index("c")
        s = lax.axis_index("s")
        coff = c * n_nodes

        @pl.loop(0, CHUNK)
        def _(i):
            @pl.loop(0, DH, step=16)
            def _(j):
                stage[i, pl.ds(j, 16)] = jnp.zeros((16,), jnp.float32)

        if compute_deg:
            @pl.loop(0, CHUNK, step=16)
            def _(i):
                ones[pl.ds(i, 16)] = jnp.ones((16,), jnp.float32)

            @pl.loop(0, dstg_len, step=16)
            def _(i):
                dstg[pl.ds(i, 16)] = jnp.zeros((16,), jnp.float32)

        zbase = s * zrows
        znf = zrows // CHUNK
        zrem = zrows - znf * CHUNK

        @pl.loop(0, znf)
        def _(i):
            pltpu.sync_copy(stage, acc.at[pl.ds(zbase + i * CHUNK, CHUNK)])
        if zrem:
            pltpu.sync_copy(stage.at[pl.ds(0, zrem)],
                            acc.at[pl.ds(zbase + znf * CHUNK, zrem)])
        if compute_deg:
            pltpu.sync_copy(dstg.at[pl.ds(0, zrows)],
                            dacc.at[pl.ds(zbase, zrows)])
        plsc.subcore_barrier()

        ebase = s * kt

        def load_adjust(k, idx):
            pltpu.sync_copy(eidx_hbm.at[ebase + k], idx)

            @pl.loop(0, CHUNK, step=16)
            def _(j):
                idx[0, pl.ds(j, 16)] = idx[0, pl.ds(j, 16)] + coff

            if compute_deg:
                @pl.when(jnp.logical_xor(k >= kth, c == 0))
                def _():
                    pltpu.sync_copy(ones, dacc.at[idx.at[1]], add=True)

        def start_gather(idx, rows, sem):
            pltpu.async_copy(x_hbm.at[idx.at[0]], rows, sem)

        def wait_gather(idx, rows, sem):
            pltpu.make_async_copy(x_hbm.at[idx.at[0]], rows, sem).wait()

        def scatter(idx, rows):
            pltpu.sync_copy(rows, acc.at[idx.at[1]], add=True)

        load_adjust(0, idx0)
        start_gather(idx0, rows0, gsem0)
        load_adjust(1, idx1)
        start_gather(idx1, rows1, gsem1)

        @pl.loop(0, kt // 2 - 1)
        def _(p):
            k0 = 2 * p
            wait_gather(idx0, rows0, gsem0)
            scatter(idx0, rows0)
            load_adjust(k0 + 2, idx0)
            start_gather(idx0, rows0, gsem0)
            wait_gather(idx1, rows1, gsem1)
            scatter(idx1, rows1)
            load_adjust(k0 + 3, idx1)
            start_gather(idx1, rows1, gsem1)

        wait_gather(idx0, rows0, gsem0)
        scatter(idx0, rows0)
        wait_gather(idx1, rows1, gsem1)
        scatter(idx1, rows1)

        plsc.subcore_barrier()

        obase = s * orows
        onf = orows // CHUNK
        orem = orows - onf * CHUNK

        def copy_rows(r0, cnt, src_sh, stg, out_hbm):
            pltpu.sync_copy(src_sh.at[pl.ds(r0, cnt)], stg.at[pl.ds(0, cnt)])
            pltpu.sync_copy(stg.at[pl.ds(0, cnt)],
                            out_hbm.at[pl.ds(coff + r0, cnt)])

        @pl.loop(0, onf)
        def _(i):
            copy_rows(obase + i * CHUNK, CHUNK, acc, stage, agg_hbm)
        if orem:
            copy_rows(obase + onf * CHUNK, orem, acc, stage, agg_hbm)
        if oextra:
            @pl.when(s == N_SUB - 1)
            def _():
                copy_rows(N_SUB * orows, oextra, acc, stage, agg_hbm)
        if compute_deg:
            copy_rows(obase, orows, dacc, dstg, deg_hbm)
            if oextra:
                @pl.when(s == N_SUB - 1)
                def _():
                    copy_rows(N_SUB * orows, oextra, dacc, dstg, deg_hbm)

    out_type = out_types if compute_deg else out_types[0]
    return pl.kernel(body, out_type=out_type, mesh=mesh, scratch_types=scratch)


def _make_tc_dense(n_nodes, split_out):
    grid = (n_nodes // RB,)

    def body(agg_ref, deg_ref, xs_ref, wl_ref, wr_ref, b_ref, out_ref):
        deg = deg_ref[0, 0, 0, :] + deg_ref[1, 0, 0, :]
        inv = 1.0 / jnp.maximum(deg, 1.0)
        a = jnp.concatenate([agg_ref[0], agg_ref[1]], axis=1) * inv[:, None]
        xf = jnp.concatenate([xs_ref[0], xs_ref[1]], axis=1)
        h = (jnp.dot(a, wl_ref[...], preferred_element_type=jnp.float32)
             + b_ref[...]
             + jnp.dot(xf, wr_ref[...], preferred_element_type=jnp.float32))
        h = jnp.maximum(h, 0.0)
        if split_out:
            out_ref[0] = h[:, :DH]
            out_ref[1] = h[:, DH:]
        else:
            out_ref[...] = h

    in_specs = [
        pl.BlockSpec((2, RB, DH), lambda i: (0, i, 0)),
        pl.BlockSpec((2, 1, 1, RB), lambda i: (0, i, 0, 0)),
        pl.BlockSpec((2, RB, DH), lambda i: (0, i, 0)),
        pl.BlockSpec((2 * DH, 2 * DH), lambda i: (0, 0)),
        pl.BlockSpec((2 * DH, 2 * DH), lambda i: (0, 0)),
        pl.BlockSpec((1, 2 * DH), lambda i: (0, 0)),
    ]
    if split_out:
        out_spec = pl.BlockSpec((2, RB, DH), lambda i: (0, i, 0))
        out_shape = jax.ShapeDtypeStruct((2, n_nodes, DH), jnp.float32)
    else:
        out_spec = pl.BlockSpec((RB, 2 * DH), lambda i: (i, 0))
        out_shape = jax.ShapeDtypeStruct((n_nodes, 2 * DH), jnp.float32)
    return pl.pallas_call(body, grid=grid, in_specs=in_specs,
                          out_specs=out_spec, out_shape=out_shape)


def kernel(x, edge_index, W1_l, W1_r, b1, W2_l, W2_r, b2):
    n, d = x.shape
    e = edge_index.shape[1]
    assert d == 2 * DH

    ep = -(-e // (2 * N_SUB * CHUNK)) * (2 * N_SUB * CHUNK)
    src = edge_index[0]
    dst = edge_index[1]
    if ep != e:
        pad = ep - e
        src = jnp.concatenate([src, jnp.zeros((pad,), jnp.int32)])
        dst = jnp.concatenate([dst, jnp.full((pad,), n, jnp.int32)])
    eidx = jnp.stack([src.reshape(-1, CHUNK), dst.reshape(-1, CHUNK)], axis=1)

    x_split = jnp.stack([x[:, :DH], x[:, DH:]])
    x_flat = x_split.reshape(2 * n, DH)

    sc1 = _make_sc_agg(n, ep, True)
    agg1, deg = sc1(x_flat, eidx)

    deg4 = deg.reshape(2, n // RB, 1, RB)
    tc1 = _make_tc_dense(n, True)
    h1_split = tc1(agg1.reshape(2, n, DH), deg4, x_split,
                   W1_l.T, W1_r.T, b1.reshape(1, 2 * DH))

    sc2 = _make_sc_agg(n, ep, False)
    agg2 = sc2(h1_split.reshape(2 * n, DH), eidx)

    tc2 = _make_tc_dense(n, False)
    out = tc2(agg2.reshape(2, n, DH), deg4, h1_split,
              W2_l.T, W2_r.T, b2.reshape(1, 2 * DH))
    return out

# --- scband reference (transcript-rebuilt; emitter-appended) ---
"""Pipeline reference for scband-stacked-sagelayers-28896539968210 (READ-ONLY COPY).

The authoritative reference and input builder live on the scoring server;
editing this copy changes nothing except your own understanding.
"""

import jax, jax.numpy as jnp
import numpy as np

N = 10000
E = 160000
D = 256
H = 256


def _glorot(key, shape):
    fan_in = shape[1]
    scale = 1.0 / np.sqrt(fan_in)
    return jax.random.uniform(key, shape, dtype=jnp.float32, minval=-scale, maxval=scale)


def setup_inputs(seed: int = 0) -> dict:
    key = jax.random.key(seed)
    ks = jax.random.split(key, 9)
    x = jax.random.normal(ks[0], (N, D), dtype=jnp.float32)
    edge_index = jax.random.randint(ks[1], (2, E), 0, N, dtype=jnp.int32)
    W1_l = _glorot(ks[2], (H, D))
    W1_r = _glorot(ks[3], (H, D))
    b1 = jnp.zeros((H,), dtype=jnp.float32)
    W2_l = _glorot(ks[4], (H, H))
    W2_r = _glorot(ks[5], (H, H))
    b2 = jnp.zeros((H,), dtype=jnp.float32)
    return {"x": x, "edge_index": edge_index, "W1_l": W1_l, "W1_r": W1_r, "b1": b1, "W2_l": W2_l, "W2_r": W2_r, "b2": b2}


def _sage_conv(x, src, dst, W_l, W_r, b):
    # message passing: gather source node features along each edge
    msgs = jnp.take(x, src, axis=0)
    # mean aggregation onto destination nodes
    agg_sum = jax.ops.segment_sum(msgs, dst, num_segments=N)
    deg = jax.ops.segment_sum(jnp.ones((src.shape[0],), dtype=jnp.float32), dst, num_segments=N)
    agg = agg_sum / jnp.clip(deg, 1.0)[:, None]
    # PyG SAGEConv: lin_l(aggregated) + lin_r(root), bias on lin_l
    return agg @ W_l.T + b + x @ W_r.T


def reference(x, edge_index, W1_l, W1_r, b1, W2_l, W2_r, b2):
    src = edge_index[0]
    dst = edge_index[1]
    h = jax.nn.relu(_sage_conv(x, src, dst, W1_l, W1_r, b1))
    h = jax.nn.relu(_sage_conv(h, src, dst, W2_l, W2_r, b2))
    return h

if __name__ == "__main__":
    import jax
    _d = setup_inputs()
    print(jax.jit(kernel)(*tuple(_d.values())))

</pallas_src>

<mosaic_0001>
#map = affine_map<(d0, d1) -> (0, 0)>
#map1 = affine_map<(d0, d1) -> (0, 0, 0)>
module attributes {stable_mosaic.version = 14 : i64} {
  func.func @body(%arg0: i32, %arg1: i32, %arg2: memref<20000x128xf32, #tpu.memory_space<hbm>>, %arg3: memref<2528x2x64xi32, #tpu.memory_space<hbm>>, %arg4: memref<20000x128xf32, #tpu.memory_space<hbm>>, %arg5: memref<2x64xi32, #tpu.memory_space<vmem>>, %arg6: memref<2x64xi32, #tpu.memory_space<vmem>>, %arg7: memref<64x128xf32, #tpu.memory_space<vmem>>, %arg8: memref<64x128xf32, #tpu.memory_space<vmem>>, %arg9: memref<10112x128xf32, #tpu.memory_space<vmem_shared>>, %arg10: memref<!tpu.dma_semaphore, #tpu.memory_space<semaphore_mem>>, %arg11: memref<!tpu.dma_semaphore, #tpu.memory_space<semaphore_mem>>) attributes {dimension_semantics = [#tpu.dimension_semantics<core_parallel>, #tpu.dimension_semantics<subcore_parallel>], iteration_bounds = array<i64: 2, 16>, scalar_prefetch = 0 : i64, scratch_operands = 7 : i64, tpu.core_type = #tpu.core_type<sc_vector_subcore>, window_params = [{transform_indices = #map}, {transform_indices = #map1}, {transform_indices = #map}]} {
    %mul3A = arith.constant 10000 : i32
    %mul3A_0 = arith.muli %arg0, %mul3A : i32
    %scan3A = arith.constant 0 : i32
    %scan3A_1 = arith.constant 64 : i32
    %scan3A_2 = arith.addi %scan3A, %scan3A_1 : i32
    %scan3A_3 = arith.constant 1 : i32
    scf.for %scan3A_74 = %scan3A to %scan3A_2 step %scan3A_3  : i32 {
      %mul3A_75 = arith.constant 1 : i32
      %mul3A_76 = arith.muli %scan3A_74, %mul3A_75 : i32
      %add3A_77 = arith.constant 0 : i32
      %add3A_78 = arith.addi %add3A_77, %mul3A_76 : i32
      %scan3A_79 = arith.constant 0 : i32
      %scan3A_80 = arith.constant 8 : i32
      %scan3A_81 = arith.addi %scan3A_79, %scan3A_80 : i32
      %scan3A_82 = arith.constant 1 : i32
      scf.for %scan3A_84 = %scan3A_79 to %scan3A_81 step %scan3A_82  : i32 {
        %mul3A_85 = arith.constant 16 : i32
        %mul3A_86 = arith.muli %scan3A_84, %mul3A_85 : i32
        %add3A_87 = arith.constant 0 : i32
        %add3A_88 = arith.addi %add3A_87, %mul3A_86 : i32
        %broadcast_in_dim3A = arith.constant 0.000000e+00 : f32
        %broadcast_in_dim3A_89 = vector.broadcast %broadcast_in_dim3A : f32 to vector<16xf32>
        %swap3A = arith.index_cast %add3A_78 : i32 to index
        %swap3A_90 = arith.index_cast %add3A_88 : i32 to index
        %swap3A_91 = tpu.vector_load %arg7[%swap3A, %swap3A_90] {strides = array<i32>} : memref<64x128xf32, #tpu.memory_space<vmem>>, vector<1x16xf32>,
        %swap3A_92 = vector.shape_cast %swap3A_91 : vector<1x16xf32> to vector<16xf32>
        %swap3A_93 = vector.shape_cast %broadcast_in_dim3A_89 : vector<16xf32> to vector<1x16xf32>
        tpu.vector_store %arg7[%swap3A, %swap3A_90], %swap3A_93 {strides = array<i32>} : memref<64x128xf32, #tpu.memory_space<vmem>>, vector<1x16xf32>,
      }
      %scan3A_83 = arith.constant 8 : i32
    }
    %scan3A_4 = arith.constant 64 : i32
    %mul3A_5 = arith.constant 632 : i32
    %mul3A_6 = arith.muli %arg1, %mul3A_5 : i32
    %scan3A_7 = arith.constant 0 : i32
    %scan3A_8 = arith.constant 9 : i32
    %scan3A_9 = arith.addi %scan3A_7, %scan3A_8 : i32
    %scan3A_10 = arith.constant 1 : i32
    scf.for %scan3A_74 = %scan3A_7 to %scan3A_9 step %scan3A_10  : i32 {
      %mul3A_75 = arith.constant 1 : i32
      %mul3A_76 = arith.muli %scan3A_74, %mul3A_75 : i32
      %add3A_77 = arith.constant 0 : i32
      %add3A_78 = arith.addi %add3A_77, %mul3A_76 : i32
      %mul3A_79 = arith.constant 64 : i32
      %mul3A_80 = arith.muli %add3A_78, %mul3A_79 : i32
      %add3A_81 = arith.addi %mul3A_6, %mul3A_80 : i32
      "tpu.region"() ({
        %run_scoped3A_82 = tpu.sem_alloc : memref<!tpu.dma_semaphore, #tpu.memory_space<semaphore_mem>>
        %dma_start3A_83 = arith.constant 0 : i32
        %dma_start3A_84 = tpu.memref_slice %arg9[%add3A_81, %dma_start3A_83] : memref<10112x128xf32, #tpu.memory_space<vmem_shared>> -> memref<64x128xf32, #tpu.memory_space<vmem_shared>>
        %dma_start3A_85 = arith.constant 0 : i32
        %dma_start3A_86 = tpu.memref_slice %arg9[%add3A_81, %dma_start3A_85] : memref<10112x128xf32, #tpu.memory_space<vmem_shared>> -> memref<64x128xf32, #tpu.memory_space<vmem_shared>>
        tpu.enqueue_dma source(%arg7 : memref<64x128xf32, #tpu.memory_space<vmem>>) target(%dma_start3A_86 : memref<64x128xf32, #tpu.memory_space<vmem_shared>>) target_semaphore(%run_scoped3A_82 : memref<!tpu.dma_semaphore, #tpu.memory_space<semaphore_mem>>)
        %dma_wait3A_87 = arith.constant 0 : i32
        %dma_wait3A_88 = tpu.memref_slice %arg9[%add3A_81, %dma_wait3A_87] : memref<10112x128xf32, #tpu.memory_space<vmem_shared>> -> memref<64x128xf32, #tpu.memory_space<vmem_shared>>
        %dma_wait3A_89 = arith.constant 0 : i32
        %dma_wait3A_90 = tpu.memref_slice %arg9[%add3A_81, %dma_wait3A_89] : memref<10112x128xf32, #tpu.memory_space<vmem_shared>> -> memref<64x128xf32, #tpu.memory_space<vmem_shared>>
        tpu.wait_dma2 semaphore(%run_scoped3A_82 : memref<!tpu.dma_semaphore, #tpu.memory_space<semaphore_mem>>) src(%arg7 : memref<64x128xf32, #tpu.memory_space<vmem>>) dst(%dma_wait3A_90 : memref<64x128xf32, #tpu.memory_space<vmem_shared>>)
        tpu.yield
      }) : () -> ()
    }
    %scan3A_11 = arith.constant 9 : i32
    %add3A = arith.constant 576 : i32
    %add3A_12 = arith.addi %mul3A_6, %add3A : i32
    "tpu.region"() ({
      %run_scoped3A_74 = tpu.sem_alloc : memref<!tpu.dma_semaphore, #tpu.memory_space<semaphore_mem>>
      %dma_start3A_75 = arith.constant 0 : i32
      %dma_start3A_76 = arith.constant 0 : i32
      %dma_start3A_77 = tpu.memref_slice %arg7[%dma_start3A_75, %dma_start3A_76] : memref<64x128xf32, #tpu.memory_space<vmem>> -> memref<56x128xf32, #tpu.memory_space<vmem>>
      %dma_start3A_78 = arith.constant 0 : i32
      %dma_start3A_79 = tpu.memref_slice %arg9[%add3A_12, %dma_start3A_78] : memref<10112x128xf32, #tpu.memory_space<vmem_shared>> -> memref<56x128xf32, #tpu.memory_space<vmem_shared>>
      %dma_start3A_80 = arith.constant 0 : i32
      %dma_start3A_81 = tpu.memref_slice %arg9[%add3A_12, %dma_start3A_80] : memref<10112x128xf32, #tpu.memory_space<vmem_shared>> -> memref<56x128xf32, #tpu.memory_space<vmem_shared>>
      %dma_start3A_82 = arith.constant 0 : i32
      %dma_start3A_83 = arith.constant 0 : i32
      %dma_start3A_84 = tpu.memref_slice %arg7[%dma_start3A_82, %dma_start3A_83] : memref<64x128xf32, #tpu.memory_space<vmem>> -> memref<56x128xf32, #tpu.memory_space<vmem>>
      tpu.enqueue_dma source(%dma_start3A_84 : memref<56x128xf32, #tpu.memory_space<vmem>>) target(%dma_start3A_81 : memref<56x128xf32, #tpu.memory_space<vmem_shared>>) target_semaphore(%run_scoped3A_74 : memref<!tpu.dma_semaphore, #tpu.memory_space<semaphore_mem>>)
      %dma_wait3A_85 = arith.constant 0 : i32
      %dma_wait3A_86 = arith.constant 0 : i32
      %dma_wait3A_87 = tpu.memref_slice %arg7[%dma_wait3A_85, %dma_wait3A_86] : memref<64x128xf32, #tpu.memory_space<vmem>> -> memref<56x128xf32, #tpu.memory_space<vmem>>
      %dma_wait3A_88 = arith.constant 0 : i32
      %dma_wait3A_89 = tpu.memref_slice %arg9[%add3A_12, %dma_wait3A_88] : memref<10112x128xf32, #tpu.memory_space<vmem_shared>> -> memref<56x128xf32, #tpu.memory_space<vmem_shared>>
      %dma_wait3A_90 = arith.constant 0 : i32
      %dma_wait3A_91 = tpu.memref_slice %arg9[%add3A_12, %dma_wait3A_90] : memref<10112x128xf32, #tpu.memory_space<vmem_shared>> -> memref<56x128xf32, #tpu.memory_space<vmem_shared>>
      %dma_wait3A_92 = arith.constant 0 : i32
      %dma_wait3A_93 = arith.constant 0 : i32
      %dma_wait3A_94 = tpu.memref_slice %arg7[%dma_wait3A_92, %dma_wait3A_93] : memref<64x128xf32, #tpu.memory_space<vmem>> -> memref<56x128xf32, #tpu.memory_space<vmem>>
      tpu.wait_dma2 semaphore(%run_scoped3A_74 : memref<!tpu.dma_semaphore, #tpu.memory_space<semaphore_mem>>) src(%dma_wait3A_94 : memref<56x128xf32, #tpu.memory_space<vmem>>) dst(%dma_wait3A_91 : memref<56x128xf32, #tpu.memory_space<vmem_shared>>)
      tpu.yield
    }) : () -> ()
    %barrier3A = arith.constant 0 : index
    tpu.barrier barrier_id(%barrier3A)
    %mul3A_13 = arith.constant 158 : i32
    %mul3A_14 = arith.muli %arg1, %mul3A_13 : i32
    %add3A_15 = arith.constant 0 : i32
    %add3A_16 = arith.addi %mul3A_14, %add3A_15 : i32
    "tpu.region"() ({
      %run_scoped3A_74 = tpu.sem_alloc : memref<!tpu.dma_semaphore, #tpu.memory_space<semaphore_mem>>
      %dma_start3A_75 = arith.constant 0 : i32
      %dma_start3A_76 = arith.constant 0 : i32
      %dma_start3A_77 = tpu.memref_slice %arg3[%add3A_16, %dma_start3A_75, %dma_start3A_76] : memref<2528x2x64xi32, #tpu.memory_space<hbm>> -> memref<1x2x64xi32, #tpu.memory_space<hbm>>
      %dma_start3A_78 = tpu.memref_squeeze %dma_start3A_77 : memref<1x2x64xi32, #tpu.memory_space<hbm>> -> memref<2x64xi32, #tpu.memory_space<hbm>>
      %dma_start3A_79 = arith.constant 0 : i32
      %dma_start3A_80 = arith.constant 0 : i32
      %dma_start3A_81 = tpu.memref_slice %arg3[%add3A_16, %dma_start3A_79, %dma_start3A_80] : memref<2528x2x64xi32, #tpu.memory_space<hbm>> -> memref<1x2x64xi32, #tpu.memory_space<hbm>>
      %dma_start3A_82 = tpu.memref_squeeze %dma_start3A_81 : memref<1x2x64xi32, #tpu.memory_space<hbm>> -> memref<2x64xi32, #tpu.memory_space<hbm>>
      tpu.enqueue_dma source(%dma_start3A_82 : memref<2x64xi32, #tpu.memory_space<hbm>>) target(%arg5 : memref<2x64xi32, #tpu.memory_space<vmem>>) target_semaphore(%run_scoped3A_74 : memref<!tpu.dma_semaphore, #tpu.memory_space<semaphore_mem>>)
      %dma_wait3A_83 = arith.constant 0 : i32
      %dma_wait3A_84 = arith.constant 0 : i32
      %dma_wait3A_85 = tpu.memref_slice %arg3[%add3A_16, %dma_wait3A_83, %dma_wait3A_84] : memref<2528x2x64xi32, #tpu.memory_space<hbm>> -> memref<1x2x64xi32, #tpu.memory_space<hbm>>
      %dma_wait3A_86 = tpu.memref_squeeze %dma_wait3A_85 : memref<1x2x64xi32, #tpu.memory_space<hbm>> -> memref<2x64xi32, #tpu.memory_space<hbm>>
      %dma_wait3A_87 = arith.constant 0 : i32
      %dma_wait3A_88 = arith.constant 0 : i32
      %dma_wait3A_89 = tpu.memref_slice %arg3[%add3A_16, %dma_wait3A_87, %dma_wait3A_88] : memref<2528x2x64xi32, #tpu.memory_space<hbm>> -> memref<1x2x64xi32, #tpu.memory_space<hbm>>
      %dma_wait3A_90 = tpu.memref_squeeze %dma_wait3A_89 : memref<1x2x64xi32, #tpu.memory_space<hbm>> -> memref<2x64xi32, #tpu.memory_space<hbm>>
      tpu.wait_dma2 semaphore(%run_scoped3A_74 : memref<!tpu.dma_semaphore, #tpu.memory_space<semaphore_mem>>) src(%dma_wait3A_90 : memref<2x64xi32, #tpu.memory_space<hbm>>) dst(%arg5 : memref<2x64xi32, #tpu.memory_space<vmem>>)
      tpu.yield
    }) : () -> ()
    %scan3A_17 = arith.constant 0 : i32
    %scan3A_18 = arith.constant 4 : i32
    %scan3A_19 = arith.addi %scan3A_17, %scan3A_18 : i32
    %scan3A_20 = arith.constant 1 : i32
    scf.for %scan3A_74 = %scan3A_17 to %scan3A_19 step %scan3A_20  : i32 {
      %mul3A_75 = arith.constant 16 : i32
      %mul3A_76 = arith.muli %scan3A_74, %mul3A_75 : i32
      %add3A_77 = arith.constant 0 : i32
      %add3A_78 = arith.addi %add3A_77, %mul3A_76 : i32
      %get3A = arith.constant 0 : i32
      %get3A_79 = arith.index_cast %get3A : i32 to index
      %get3A_80 = arith.index_cast %add3A_78 : i32 to index
      %get3A_81 = tpu.vector_load %arg5[%get3A_79, %get3A_80] {strides = array<i32>} : memref<2x64xi32, #tpu.memory_space<vmem>>, vector<1x16xi32>,
      %get3A_82 = vector.shape_cast %get3A_81 : vector<1x16xi32> to vector<16xi32>
      %add3A_83 = vector.broadcast %mul3A_0 : i32 to vector<16xi32>
      %add3A_84 = arith.addi %get3A_82, %add3A_83 : vector<16xi32>
      %swap3A = arith.constant 0 : i32
      %swap3A_85 = arith.index_cast %swap3A : i32 to index
      %swap3A_86 = arith.index_cast %add3A_78 : i32 to index
      %swap3A_87 = tpu.vector_load %arg5[%swap3A_85, %swap3A_86] {strides = array<i32>} : memref<2x64xi32, #tpu.memory_space<vmem>>, vector<1x16xi32>,
      %swap3A_88 = vector.shape_cast %swap3A_87 : vector<1x16xi32> to vector<16xi32>
      %swap3A_89 = vector.shape_cast %add3A_84 : vector<16xi32> to vector<1x16xi32>
      tpu.vector_store %arg5[%swap3A_85, %swap3A_86], %swap3A_89 {strides = array<i32>} : memref<2x64xi32, #tpu.memory_space<vmem>>, vector<1x16xi32>,
    }
    %scan3A_21 = arith.constant 4 : i32
    %dma_start3A = arith.constant 0 : i32
    %dma_start3A_22 = arith.constant 0 : i32
    %dma_start3A_23 = tpu.memref_slice %arg5[%dma_start3A, %dma_start3A_22] : memref<2x64xi32, #tpu.memory_space<vmem>> -> memref<1x64xi32, #tpu.memory_space<vmem>>
    %dma_start3A_24 = tpu.memref_squeeze %dma_start3A_23 : memref<1x64xi32, #tpu.memory_space<vmem>> -> memref<64xi32, #tpu.memory_space<vmem>>
    %dma_start3A_25 = arith.constant 0 : i32
    %dma_start3A_26 = arith.constant 0 : i32
    %dma_start3A_27 = tpu.memref_slice %arg2[%dma_start3A_25, %dma_start3A_26] : memref<20000x128xf32, #tpu.memory_space<hbm>> -> memref<20000x128xf32, #tpu.memory_space<hbm>>
    tpu.enqueue_indirect_dma source(%dma_start3A_27 : memref<20000x128xf32, #tpu.memory_space<hbm>>) target(%arg7 : memref<64x128xf32, #tpu.memory_space<vmem>>) offsets(%dma_start3A_24 : memref<64xi32, #tpu.memory_space<vmem>>) semaphore(%arg10 : memref<!tpu.dma_semaphore, #tpu.memory_space<semaphore_mem>>)
    %add3A_28 = arith.constant 1 : i32
    %add3A_29 = arith.addi %mul3A_14, %add3A_28 : i32
    "tpu.region"() ({
      %run_scoped3A_74 = tpu.sem_alloc : memref<!tpu.dma_semaphore, #tpu.memory_space<semaphore_mem>>
      %dma_start3A_75 = arith.constant 0 : i32
      %dma_start3A_76 = arith.constant 0 : i32
      %dma_start3A_77 = tpu.memref_slice %arg3[%add3A_29, %dma_start3A_75, %dma_start3A_76] : memref<2528x2x64xi32, #tpu.memory_space<hbm>> -> memref<1x2x64xi32, #tpu.memory_space<hbm>>
      %dma_start3A_78 = tpu.memref_squeeze %dma_start3A_77 : memref<1x2x64xi32, #tpu.memory_space<hbm>> -> memref<2x64xi32, #tpu.memory_space<hbm>>
      %dma_start3A_79 = arith.constant 0 : i32
      %dma_start3A_80 = arith.constant 0 : i32
      %dma_start3A_81 = tpu.memref_slice %arg3[%add3A_29, %dma_start3A_79, %dma_start3A_80] : memref<2528x2x64xi32, #tpu.memory_space<hbm>> -> memref<1x2x64xi32, #tpu.memory_space<hbm>>
      %dma_start3A_82 = tpu.memref_squeeze %dma_start3A_81 : memref<1x2x64xi32, #tpu.memory_space<hbm>> -> memref<2x64xi32, #tpu.memory_space<hbm>>
      tpu.enqueue_dma source(%dma_start3A_82 : memref<2x64xi32, #tpu.memory_space<hbm>>) target(%arg6 : memref<2x64xi32, #tpu.memory_space<vmem>>) target_semaphore(%run_scoped3A_74 : memref<!tpu.dma_semaphore, #tpu.memory_space<semaphore_mem>>)
      %dma_wait3A_83 = arith.constant 0 : i32
      %dma_wait3A_84 = arith.constant 0 : i32
      %dma_wait3A_85 = tpu.memref_slice %arg3[%add3A_29, %dma_wait3A_83, %dma_wait3A_84] : memref<2528x2x64xi32, #tpu.memory_space<hbm>> -> memref<1x2x64xi32, #tpu.memory_space<hbm>>
      %dma_wait3A_86 = tpu.memref_squeeze %dma_wait3A_85 : memref<1x2x64xi32, #tpu.memory_space<hbm>> -> memref<2x64xi32, #tpu.memory_space<hbm>>
      %dma_wait3A_87 = arith.constant 0 : i32
      %dma_wait3A_88 = arith.constant 0 : i32
      %dma_wait3A_89 = tpu.memref_slice %arg3[%add3A_29, %dma_wait3A_87, %dma_wait3A_88] : memref<2528x2x64xi32, #tpu.memory_space<hbm>> -> memref<1x2x64xi32, #tpu.memory_space<hbm>>
      %dma_wait3A_90 = tpu.memref_squeeze %dma_wait3A_89 : memref<1x2x64xi32, #tpu.memory_space<hbm>> -> memref<2x64xi32, #tpu.memory_space<hbm>>
      tpu.wait_dma2 semaphore(%run_scoped3A_74 : memref<!tpu.dma_semaphore, #tpu.memory_space<semaphore_mem>>) src(%dma_wait3A_90 : memref<2x64xi32, #tpu.memory_space<hbm>>) dst(%arg6 : memref<2x64xi32, #tpu.memory_space<vmem>>)
      tpu.yield
    }) : () -> ()
    %scan3A_30 = arith.constant 0 : i32
    %scan3A_31 = arith.constant 4 : i32
    %scan3A_32 = arith.addi %scan3A_30, %scan3A_31 : i32
    %scan3A_33 = arith.constant 1 : i32
    scf.for %scan3A_74 = %scan3A_30 to %scan3A_32 step %scan3A_33  : i32 {
      %mul3A_75 = arith.constant 16 : i32
      %mul3A_76 = arith.muli %scan3A_74, %mul3A_75 : i32
      %add3A_77 = arith.constant 0 : i32
      %add3A_78 = arith.addi %add3A_77, %mul3A_76 : i32
      %get3A = arith.constant 0 : i32
      %get3A_79 = arith.index_cast %get3A : i32 to index
      %get3A_80 = arith.index_cast %add3A_78 : i32 to index
      %get3A_81 = tpu.vector_load %arg6[%get3A_79, %get3A_80] {strides = array<i32>} : memref<2x64xi32, #tpu.memory_space<vmem>>, vector<1x16xi32>,
      %get3A_82 = vector.shape_cast %get3A_81 : vector<1x16xi32> to vector<16xi32>
      %add3A_83 = vector.broadcast %mul3A_0 : i32 to vector<16xi32>
      %add3A_84 = arith.addi %get3A_82, %add3A_83 : vector<16xi32>
      %swap3A = arith.constant 0 : i32
      %swap3A_85 = arith.index_cast %swap3A : i32 to index
      %swap3A_86 = arith.index_cast %add3A_78 : i32 to index
      %swap3A_87 = tpu.vector_load %arg6[%swap3A_85, %swap3A_86] {strides = array<i32>} : memref<2x64xi32, #tpu.memory_space<vmem>>, vector<1x16xi32>,
      %swap3A_88 = vector.shape_cast %swap3A_87 : vector<1x16xi32> to vector<16xi32>
      %swap3A_89 = vector.shape_cast %add3A_84 : vector<16xi32> to vector<1x16xi32>
      tpu.vector_store %arg6[%swap3A_85, %swap3A_86], %swap3A_89 {strides = array<i32>} : memref<2x64xi32, #tpu.memory_space<vmem>>, vector<1x16xi32>,
    }
    %scan3A_34 = arith.constant 4 : i32
    %dma_start3A_35 = arith.constant 0 : i32
    %dma_start3A_36 = arith.constant 0 : i32
    %dma_start3A_37 = tpu.memref_slice %arg6[%dma_start3A_35, %dma_start3A_36] : memref<2x64xi32, #tpu.memory_space<vmem>> -> memref<1x64xi32, #tpu.memory_space<vmem>>
    %dma_start3A_38 = tpu.memref_squeeze %dma_start3A_37 : memref<1x64xi32, #tpu.memory_space<vmem>> -> memref<64xi32, #tpu.memory_space<vmem>>
    %dma_start3A_39 = arith.constant 0 : i32
    %dma_start3A_40 = arith.constant 0 : i32
    %dma_start3A_41 = tpu.memref_slice %arg2[%dma_start3A_39, %dma_start3A_40] : memref<20000x128xf32, #tpu.memory_space<hbm>> -> memref<20000x128xf32, #tpu.memory_space<hbm>>
    tpu.enqueue_indirect_dma source(%dma_start3A_41 : memref<20000x128xf32, #tpu.memory_space<hbm>>) target(%arg8 : memref<64x128xf32, #tpu.memory_space<vmem>>) offsets(%dma_start3A_38 : memref<64xi32, #tpu.memory_space<vmem>>) semaphore(%arg11 : memref<!tpu.dma_semaphore, #tpu.memory_space<semaphore_mem>>)
    %scan3A_42 = arith.constant 0 : i32
    %scan3A_43 = arith.constant 78 : i32
    %scan3A_44 = arith.addi %scan3A_42, %scan3A_43 : i32
    %scan3A_45 = arith.constant 1 : i32
    scf.for %scan3A_74 = %scan3A_42 to %scan3A_44 step %scan3A_45  : i32 {
      %mul3A_75 = arith.constant 1 : i32
      %mul3A_76 = arith.muli %scan3A_74, %mul3A_75 : i32
      %add3A_77 = arith.constant 0 : i32
      %add3A_78 = arith.addi %add3A_77, %mul3A_76 : i32
      %mul3A_79 = arith.constant 2 : i32
      %mul3A_80 = arith.muli %mul3A_79, %add3A_78 : i32
      %dma_wait3A_81 = arith.constant 0 : i32
      %dma_wait3A_82 = arith.constant 0 : i32
      %dma_wait3A_83 = tpu.memref_slice %arg5[%dma_wait3A_81, %dma_wait3A_82] : memref<2x64xi32, #tpu.memory_space<vmem>> -> memref<1x64xi32, #tpu.memory_space<vmem>>
      %dma_wait3A_84 = tpu.memref_squeeze %dma_wait3A_83 : memref<1x64xi32, #tpu.memory_space<vmem>> -> memref<64xi32, #tpu.memory_space<vmem>>
      %dma_wait3A_85 = arith.constant 0 : i32
      %dma_wait3A_86 = arith.constant 0 : i32
      %dma_wait3A_87 = tpu.memref_slice %arg2[%dma_wait3A_85, %dma_wait3A_86] : memref<20000x128xf32, #tpu.memory_space<hbm>> -> memref<20000x128xf32, #tpu.memory_space<hbm>>
      tpu.wait_indirect_dma semaphore(%arg10 : memref<!tpu.dma_semaphore, #tpu.memory_space<semaphore_mem>>) src(%dma_wait3A_87 : memref<20000x128xf32, #tpu.memory_space<hbm>>) dst(%arg7 : memref<64x128xf32, #tpu.memory_space<vmem>>)
      %run_scoped3A_88 = arith.constant 1 : i32
      "tpu.region"() ({
        %run_scoped3A_127 = tpu.sem_alloc : memref<!tpu.dma_semaphore, #tpu.memory_space<semaphore_mem>>
        %dma_start3A_128 = arith.constant 0 : i32
        %dma_start3A_129 = tpu.memref_slice %arg5[%run_scoped3A_88, %dma_start3A_128] : memref<2x64xi32, #tpu.memory_space<vmem>> -> memref<1x64xi32, #tpu.memory_space<vmem>>
        %dma_start3A_130 = tpu.memref_squeeze %dma_start3A_129 : memref<1x64xi32, #tpu.memory_space<vmem>> -> memref<64xi32, #tpu.memory_space<vmem>>
        %dma_start3A_131 = arith.constant 0 : i32
        %dma_start3A_132 = arith.constant 0 : i32
        %dma_start3A_133 = tpu.memref_slice %arg9[%dma_start3A_131, %dma_start3A_132] : memref<10112x128xf32, #tpu.memory_space<vmem_shared>> -> memref<10112x128xf32, #tpu.memory_space<vmem_shared>>
        tpu.enqueue_indirect_dma source(%arg7 : memref<64x128xf32, #tpu.memory_space<vmem>>) target(%dma_start3A_133 : memref<10112x128xf32, #tpu.memory_space<vmem_shared>>) offsets(%dma_start3A_130 : memref<64xi32, #tpu.memory_space<vmem>>) semaphore(%run_scoped3A_127 : memref<!tpu.dma_semaphore, #tpu.memory_space<semaphore_mem>>) {add = true}
        %dma_wait3A_134 = arith.constant 0 : i32
        %dma_wait3A_135 = tpu.memref_slice %arg5[%run_scoped3A_88, %dma_wait3A_134] : memref<2x64xi32, #tpu.memory_space<vmem>> -> memref<1x64xi32, #tpu.memory_space<vmem>>
        %dma_wait3A_136 = tpu.memref_squeeze %dma_wait3A_135 : memref<1x64xi32, #tpu.memory_space<vmem>> -> memref<64xi32, #tpu.memory_space<vmem>>
        %dma_wait3A_137 = arith.constant 0 : i32
        %dma_wait3A_138 = arith.constant 0 : i32
        %dma_wait3A_139 = tpu.memref_slice %arg9[%dma_wait3A_137, %dma_wait3A_138] : memref<10112x128xf32, #tpu.memory_space<vmem_shared>> -> memref<10112x128xf32, #tpu.memory_space<vmem_shared>>
        tpu.wait_indirect_dma semaphore(%run_scoped3A_127 : memref<!tpu.dma_semaphore, #tpu.memory_space<semaphore_mem>>) src(%arg7 : memref<64x128xf32, #tpu.memory_space<vmem>>) dst(%dma_wait3A_139 : memref<10112x128xf32, #tpu.memory_space<vmem_shared>>)
        tpu.yield
      }) : () -> ()
      %add3A_89 = arith.constant 2 : i32
      %add3A_90 = arith.addi %mul3A_80, %add3A_89 : i32
      %add3A_91 = arith.addi %mul3A_14, %add3A_90 : i32
      "tpu.region"() ({
        %run_scoped3A_127 = tpu.sem_alloc : memref<!tpu.dma_semaphore, #tpu.memory_space<semaphore_mem>>
        %dma_start3A_128 = arith.constant 0 : i32
        %dma_start3A_129 = arith.constant 0 : i32
        %dma_start3A_130 = tpu.memref_slice %arg3[%add3A_91, %dma_start3A_128, %dma_start3A_129] : memref<2528x2x64xi32, #tpu.memory_space<hbm>> -> memref<1x2x64xi32, #tpu.memory_space<hbm>>
        %dma_start3A_131 = tpu.memref_squeeze %dma_start3A_130 : memref<1x2x64xi32, #tpu.memory_space<hbm>> -> memref<2x64xi32, #tpu.memory_space<hbm>>
        %dma_start3A_132 = arith.constant 0 : i32
        %dma_start3A_133 = arith.constant 0 : i32
        %dma_start3A_134 = tpu.memref_slice %arg3[%add3A_91, %dma_start3A_132, %dma_start3A_133] : memref<2528x2x64xi32, #tpu.memory_space<hbm>> -> memref<1x2x64xi32, #tpu.memory_space<hbm>>
        %dma_start3A_135 = tpu.memref_squeeze %dma_start3A_134 : memref<1x2x64xi32, #tpu.memory_space<hbm>> -> memref<2x64xi32, #tpu.memory_space<hbm>>
        tpu.enqueue_dma source(%dma_start3A_135 : memref<2x64xi32, #tpu.memory_space<hbm>>) target(%arg5 : memref<2x64xi32, #tpu.memory_space<vmem>>) target_semaphore(%run_scoped3A_127 : memref<!tpu.dma_semaphore, #tpu.memory_space<semaphore_mem>>)
        %dma_wait3A_136 = arith.constant 0 : i32
        %dma_wait3A_137 = arith.constant 0 : i32
        %dma_wait3A_138 = tpu.memref_slice %arg3[%add3A_91, %dma_wait3A_136, %dma_wait3A_137] : memref<2528x2x64xi32, #tpu.memory_space<hbm>> -> memref<1x2x64xi32, #tpu.memory_space<hbm>>
        %dma_wait3A_139 = tpu.memref_squeeze %dma_wait3A_138 : memref<1x2x64xi32, #tpu.memory_space<hbm>> -> memref<2x64xi32, #tpu.memory_space<hbm>>
        %dma_wait3A_140 = arith.constant 0 : i32
        %dma_wait3A_141 = arith.constant 0 : i32
        %dma_wait3A_142 = tpu.memref_slice %arg3[%add3A_91, %dma_wait3A_140, %dma_wait3A_141] : memref<2528x2x64xi32, #tpu.memory_space<hbm>> -> memref<1x2x64xi32, #tpu.memory_space<hbm>>
        %dma_wait3A_143 = tpu.memref_squeeze %dma_wait3A_142 : memref<1x2x64xi32, #tpu.memory_space<hbm>> -> memref<2x64xi32, #tpu.memory_space<hbm>>
        tpu.wait_dma2 semaphore(%run_scoped3A_127 : memref<!tpu.dma_semaphore, #tpu.memory_space<semaphore_mem>>) src(%dma_wait3A_143 : memref<2x64xi32, #tpu.memory_space<hbm>>) dst(%arg5 : memref<2x64xi32, #tpu.memory_space<vmem>>)
        tpu.yield
      }) : () -> ()
      %scan3A_92 = arith.constant 0 : i32
      %scan3A_93 = arith.constant 4 : i32
      %scan3A_94 = arith.addi %scan3A_92, %scan3A_93 : i32
      %scan3A_95 = arith.constant 1 : i32
      scf.for %scan3A_127 = %scan3A_92 to %scan3A_94 step %scan3A_95  : i32 {
        %mul3A_128 = arith.constant 16 : i32
        %mul3A_129 = arith.muli %scan3A_127, %mul3A_128 : i32
        %add3A_130 = arith.constant 0 : i32
        %add3A_131 = arith.addi %add3A_130, %mul3A_129 : i32
        %get3A = arith.constant 0 : i32
        %get3A_132 = arith.index_cast %get3A : i32 to index
        %get3A_133 = arith.index_cast %add3A_131 : i32 to index
        %get3A_134 = tpu.vector_load %arg5[%get3A_132, %get3A_133] {strides = array<i32>} : memref<2x64xi32, #tpu.memory_space<vmem>>, vector<1x16xi32>,
        %get3A_135 = vector.shape_cast %get3A_134 : vector<1x16xi32> to vector<16xi32>
        %add3A_136 = vector.broadcast %mul3A_0 : i32 to vector<16xi32>
        %add3A_137 = arith.addi %get3A_135, %add3A_136 : vector<16xi32>
        %swap3A = arith.constant 0 : i32
        %swap3A_138 = arith.index_cast %swap3A : i32 to index
        %swap3A_139 = arith.index_cast %add3A_131 : i32 to index
        %swap3A_140 = tpu.vector_load %arg5[%swap3A_138, %swap3A_139] {strides = array<i32>} : memref<2x64xi32, #tpu.memory_space<vmem>>, vector<1x16xi32>,
        %swap3A_141 = vector.shape_cast %swap3A_140 : vector<1x16xi32> to vector<16xi32>
        %swap3A_142 = vector.shape_cast %add3A_137 : vector<16xi32> to vector<1x16xi32>
        tpu.vector_store %arg5[%swap3A_138, %swap3A_139], %swap3A_142 {strides = array<i32>} : memref<2x64xi32, #tpu.memory_space<vmem>>, vector<1x16xi32>,
      }
      %scan3A_96 = arith.constant 4 : i32
      %dma_start3A_97 = arith.constant 0 : i32
      %dma_start3A_98 = arith.constant 0 : i32
      %dma_start3A_99 = tpu.memref_slice %arg5[%dma_start3A_97, %dma_start3A_98] : memref<2x64xi32, #tpu.memory_space<vmem>> -> memref<1x64xi32, #tpu.memory_space<vmem>>
      %dma_start3A_100 = tpu.memref_squeeze %dma_start3A_99 : memref<1x64xi32, #tpu.memory_space<vmem>> -> memref<64xi32, #tpu.memory_space<vmem>>
      %dma_start3A_101 = arith.constant 0 : i32
      %dma_start3A_102 = arith.constant 0 : i32
      %dma_start3A_103 = tpu.memref_slice %arg2[%dma_start3A_101, %dma_start3A_102] : memref<20000x128xf32, #tpu.memory_space<hbm>> -> memref<20000x128xf32, #tpu.memory_space<hbm>>
      tpu.enqueue_indirect_dma source(%dma_start3A_103 : memref<20000x128xf32, #tpu.memory_space<hbm>>) target(%arg7 : memref<64x128xf32, #tpu.memory_space<vmem>>) offsets(%dma_start3A_100 : memref<64xi32, #tpu.memory_space<vmem>>) semaphore(%arg10 : memref<!tpu.dma_semaphore, #tpu.memory_space<semaphore_mem>>)
      %dma_wait3A_104 = arith.constant 0 : i32
      %dma_wait3A_105 = arith.constant 0 : i32
      %dma_wait3A_106 = tpu.memref_slice %arg6[%dma_wait3A_104, %dma_wait3A_105] : memref<2x64xi32, #tpu.memory_space<vmem>> -> memref<1x64xi32, #tpu.memory_space<vmem>>
      %dma_wait3A_107 = tpu.memref_squeeze %dma_wait3A_106 : memref<1x64xi32, #tpu.memory_space<vmem>> -> memref<64xi32, #tpu.memory_space<vmem>>
      %dma_wait3A_108 = arith.constant 0 : i32
      %dma_wait3A_109 = arith.constant 0 : i32
      %dma_wait3A_110 = tpu.memref_slice %arg2[%dma_wait3A_108, %dma_wait3A_109] : memref<20000x128xf32, #tpu.memory_space<hbm>> -> memref<20000x128xf32, #tpu.memory_space<hbm>>
      tpu.wait_indirect_dma semaphore(%arg11 : memref<!tpu.dma_semaphore, #tpu.memory_space<semaphore_mem>>) src(%dma_wait3A_110 : memref<20000x128xf32, #tpu.memory_space<hbm>>) dst(%arg8 : memref<64x128xf32, #tpu.memory_space<vmem>>)
      %run_scoped3A_111 = arith.constant 1 : i32
      "tpu.region"() ({
        %run_scoped3A_127 = tpu.sem_alloc : memref<!tpu.dma_semaphore, #tpu.memory_space<semaphore_mem>>
        %dma_start3A_128 = arith.constant 0 : i32
        %dma_start3A_129 = tpu.memref_slice %arg6[%run_scoped3A_111, %dma_start3A_128] : memref<2x64xi32, #tpu.memory_space<vmem>> -> memref<1x64xi32, #tpu.memory_space<vmem>>
        %dma_start3A_130 = tpu.memref_squeeze %dma_start3A_129 : memref<1x64xi32, #tpu.memory_space<vmem>> -> memref<64xi32, #tpu.memory_space<vmem>>
        %dma_start3A_131 = arith.constant 0 : i32
        %dma_start3A_132 = arith.constant 0 : i32
        %dma_start3A_133 = tpu.memref_slice %arg9[%dma_start3A_131, %dma_start3A_132] : memref<10112x128xf32, #tpu.memory_space<vmem_shared>> -> memref<10112x128xf32, #tpu.memory_space<vmem_shared>>
        tpu.enqueue_indirect_dma source(%arg8 : memref<64x128xf32, #tpu.memory_space<vmem>>) target(%dma_start3A_133 : memref<10112x128xf32, #tpu.memory_space<vmem_shared>>) offsets(%dma_start3A_130 : memref<64xi32, #tpu.memory_space<vmem>>) semaphore(%run_scoped3A_127 : memref<!tpu.dma_semaphore, #tpu.memory_space<semaphore_mem>>) {add = true}
        %dma_wait3A_134 = arith.constant 0 : i32
        %dma_wait3A_135 = tpu.memref_slice %arg6[%run_scoped3A_111, %dma_wait3A_134] : memref<2x64xi32, #tpu.memory_space<vmem>> -> memref<1x64xi32, #tpu.memory_space<vmem>>
        %dma_wait3A_136 = tpu.memref_squeeze %dma_wait3A_135 : memref<1x64xi32, #tpu.memory_space<vmem>> -> memref<64xi32, #tpu.memory_space<vmem>>
        %dma_wait3A_137 = arith.constant 0 : i32
        %dma_wait3A_138 = arith.constant 0 : i32
        %dma_wait3A_139 = tpu.memref_slice %arg9[%dma_wait3A_137, %dma_wait3A_138] : memref<10112x128xf32, #tpu.memory_space<vmem_shared>> -> memref<10112x128xf32, #tpu.memory_space<vmem_shared>>
        tpu.wait_indirect_dma semaphore(%run_scoped3A_127 : memref<!tpu.dma_semaphore, #tpu.memory_space<semaphore_mem>>) src(%arg8 : memref<64x128xf32, #tpu.memory_space<vmem>>) dst(%dma_wait3A_139 : memref<10112x128xf32, #tpu.memory_space<vmem_shared>>)
        tpu.yield
      }) : () -> ()
      %add3A_112 = arith.constant 3 : i32
      %add3A_113 = arith.addi %mul3A_80, %add3A_112 : i32
      %add3A_114 = arith.addi %mul3A_14, %add3A_113 : i32
      "tpu.region"() ({
        %run_scoped3A_127 = tpu.sem_alloc : memref<!tpu.dma_semaphore, #tpu.memory_space<semaphore_mem>>
        %dma_start3A_128 = arith.constant 0 : i32
        %dma_start3A_129 = arith.constant 0 : i32
        %dma_start3A_130 = tpu.memref_slice %arg3[%add3A_114, %dma_start3A_128, %dma_start3A_129] : memref<2528x2x64xi32, #tpu.memory_space<hbm>> -> memref<1x2x64xi32, #tpu.memory_space<hbm>>
        %dma_start3A_131 = tpu.memref_squeeze %dma_start3A_130 : memref<1x2x64xi32, #tpu.memory_space<hbm>> -> memref<2x64xi32, #tpu.memory_space<hbm>>
        %dma_start3A_132 = arith.constant 0 : i32
        %dma_start3A_133 = arith.constant 0 : i32
        %dma_start3A_134 = tpu.memref_slice %arg3[%add3A_114, %dma_start3A_132, %dma_start3A_133] : memref<2528x2x64xi32, #tpu.memory_space<hbm>> -> memref<1x2x64xi32, #tpu.memory_space<hbm>>
        %dma_start3A_135 = tpu.memref_squeeze %dma_start3A_134 : memref<1x2x64xi32, #tpu.memory_space<hbm>> -> memref<2x64xi32, #tpu.memory_space<hbm>>
        tpu.enqueue_dma source(%dma_start3A_135 : memref<2x64xi32, #tpu.memory_space<hbm>>) target(%arg6 : memref<2x64xi32, #tpu.memory_space<vmem>>) target_semaphore(%run_scoped3A_127 : memref<!tpu.dma_semaphore, #tpu.memory_space<semaphore_mem>>)
        %dma_wait3A_136 = arith.constant 0 : i32
        %dma_wait3A_137 = arith.constant 0 : i32
        %dma_wait3A_138 = tpu.memref_slice %arg3[%add3A_114, %dma_wait3A_136, %dma_wait3A_137] : memref<2528x2x64xi32, #tpu.memory_space<hbm>> -> memref<1x2x64xi32, #tpu.memory_space<hbm>>
        %dma_wait3A_139 = tpu.memref_squeeze %dma_wait3A_138 : memref<1x2x64xi32, #tpu.memory_space<hbm>> -> memref<2x64xi32, #tpu.memory_space<hbm>>
        %dma_wait3A_140 = arith.constant 0 : i32
        %dma_wait3A_141 = arith.constant 0 : i32
        %dma_wait3A_142 = tpu.memref_slice %arg3[%add3A_114, %dma_wait3A_140, %dma_wait3A_141] : memref<2528x2x64xi32, #tpu.memory_space<hbm>> -> memref<1x2x64xi32, #tpu.memory_space<hbm>>
        %dma_wait3A_143 = tpu.memref_squeeze %dma_wait3A_142 : memref<1x2x64xi32, #tpu.memory_space<hbm>> -> memref<2x64xi32, #tpu.memory_space<hbm>>
        tpu.wait_dma2 semaphore(%run_scoped3A_127 : memref<!tpu.dma_semaphore, #tpu.memory_space<semaphore_mem>>) src(%dma_wait3A_143 : memref<2x64xi32, #tpu.memory_space<hbm>>) dst(%arg6 : memref<2x64xi32, #tpu.memory_space<vmem>>)
        tpu.yield
      }) : () -> ()
      %scan3A_115 = arith.constant 0 : i32
      %scan3A_116 = arith.constant 4 : i32
      %scan3A_117 = arith.addi %scan3A_115, %scan3A_116 : i32
      %scan3A_118 = arith.constant 1 : i32
      scf.for %scan3A_127 = %scan3A_115 to %scan3A_117 step %scan3A_118  : i32 {
        %mul3A_128 = arith.constant 16 : i32
        %mul3A_129 = arith.muli %scan3A_127, %mul3A_128 : i32
        %add3A_130 = arith.constant 0 : i32
        %add3A_131 = arith.addi %add3A_130, %mul3A_129 : i32
        %get3A = arith.constant 0 : i32
        %get3A_132 = arith.index_cast %get3A : i32 to index
        %get3A_133 = arith.index_cast %add3A_131 : i32 to index
        %get3A_134 = tpu.vector_load %arg6[%get3A_132, %get3A_133] {strides = array<i32>} : memref<2x64xi32, #tpu.memory_space<vmem>>, vector<1x16xi32>,
        %get3A_135 = vector.shape_cast %get3A_134 : vector<1x16xi32> to vector<16xi32>
        %add3A_136 = vector.broadcast %mul3A_0 : i32 to vector<16xi32>
        %add3A_137 = arith.addi %get3A_135, %add3A_136 : vector<16xi32>
        %swap3A = arith.constant 0 : i32
        %swap3A_138 = arith.index_cast %swap3A : i32 to index
        %swap3A_139 = arith.index_cast %add3A_131 : i32 to index
        %swap3A_140 = tpu.vector_load %arg6[%swap3A_138, %swap3A_139] {strides = array<i32>} : memref<2x64xi32, #tpu.memory_space<vmem>>, vector<1x16xi32>,
        %swap3A_141 = vector.shape_cast %swap3A_140 : vector<1x16xi32> to vector<16xi32>
        %swap3A_142 = vector.shape_cast %add3A_137 : vector<16xi32> to vector<1x16xi32>
        tpu.vector_store %arg6[%swap3A_138, %swap3A_139], %swap3A_142 {strides = array<i32>} : memref<2x64xi32, #tpu.memory_space<vmem>>, vector<1x16xi32>,
      }
      %scan3A_119 = arith.constant 4 : i32
      %dma_start3A_120 = arith.constant 0 : i32
      %dma_start3A_121 = arith.constant 0 : i32
      %dma_start3A_122 = tpu.memref_slice %arg6[%dma_start3A_120, %dma_start3A_121] : memref<2x64xi32, #tpu.memory_space<vmem>> -> memref<1x64xi32, #tpu.memory_space<vmem>>
      %dma_start3A_123 = tpu.memref_squeeze %dma_start3A_122 : memref<1x64xi32, #tpu.memory_space<vmem>> -> memref<64xi32, #tpu.memory_space<vmem>>
      %dma_start3A_124 = arith.constant 0 : i32
      %dma_start3A_125 = arith.constant 0 : i32
      %dma_start3A_126 = tpu.memref_slice %arg2[%dma_start3A_124, %dma_start3A_125] : memref<20000x128xf32, #tpu.memory_space<hbm>> -> memref<20000x128xf32, #tpu.memory_space<hbm>>
      tpu.enqueue_indirect_dma source(%dma_start3A_126 : memref<20000x128xf32, #tpu.memory_space<hbm>>) target(%arg8 : memref<64x128xf32, #tpu.memory_space<vmem>>) offsets(%dma_start3A_123 : memref<64xi32, #tpu.memory_space<vmem>>) semaphore(%arg11 : memref<!tpu.dma_semaphore, #tpu.memory_space<semaphore_mem>>)
    }
    %scan3A_46 = arith.constant 78 : i32
    %dma_wait3A = arith.constant 0 : i32
    %dma_wait3A_47 = arith.constant 0 : i32
    %dma_wait3A_48 = tpu.memref_slice %arg5[%dma_wait3A, %dma_wait3A_47] : memref<2x64xi32, #tpu.memory_space<vmem>> -> memref<1x64xi32, #tpu.memory_space<vmem>>
    %dma_wait3A_49 = tpu.memref_squeeze %dma_wait3A_48 : memref<1x64xi32, #tpu.memory_space<vmem>> -> memref<64xi32, #tpu.memory_space<vmem>>
    %dma_wait3A_50 = arith.constant 0 : i32
    %dma_wait3A_51 = arith.constant 0 : i32
    %dma_wait3A_52 = tpu.memref_slice %arg2[%dma_wait3A_50, %dma_wait3A_51] : memref<20000x128xf32, #tpu.memory_space<hbm>> -> memref<20000x128xf32, #tpu.memory_space<hbm>>
    tpu.wait_indirect_dma semaphore(%arg10 : memref<!tpu.dma_semaphore, #tpu.memory_space<semaphore_mem>>) src(%dma_wait3A_52 : memref<20000x128xf32, #tpu.memory_space<hbm>>) dst(%arg7 : memref<64x128xf32, #tpu.memory_space<vmem>>)
    %run_scoped3A = arith.constant 1 : i32
    "tpu.region"() ({
      %run_scoped3A_74 = tpu.sem_alloc : memref<!tpu.dma_semaphore, #tpu.memory_space<semaphore_mem>>
      %dma_start3A_75 = arith.constant 0 : i32
      %dma_start3A_76 = tpu.memref_slice %arg5[%run_scoped3A, %dma_start3A_75] : memref<2x64xi32, #tpu.memory_space<vmem>> -> memref<1x64xi32, #tpu.memory_space<vmem>>
      %dma_start3A_77 = tpu.memref_squeeze %dma_start3A_76 : memref<1x64xi32, #tpu.memory_space<vmem>> -> memref<64xi32, #tpu.memory_space<vmem>>
      %dma_start3A_78 = arith.constant 0 : i32
      %dma_start3A_79 = arith.constant 0 : i32
      %dma_start3A_80 = tpu.memref_slice %arg9[%dma_start3A_78, %dma_start3A_79] : memref<10112x128xf32, #tpu.memory_space<vmem_shared>> -> memref<10112x128xf32, #tpu.memory_space<vmem_shared>>
      tpu.enqueue_indirect_dma source(%arg7 : memref<64x128xf32, #tpu.memory_space<vmem>>) target(%dma_start3A_80 : memref<10112x128xf32, #tpu.memory_space<vmem_shared>>) offsets(%dma_start3A_77 : memref<64xi32, #tpu.memory_space<vmem>>) semaphore(%run_scoped3A_74 : memref<!tpu.dma_semaphore, #tpu.memory_space<semaphore_mem>>) {add = true}
      %dma_wait3A_81 = arith.constant 0 : i32
      %dma_wait3A_82 = tpu.memref_slice %arg5[%run_scoped3A, %dma_wait3A_81] : memref<2x64xi32, #tpu.memory_space<vmem>> -> memref<1x64xi32, #tpu.memory_space<vmem>>
      %dma_wait3A_83 = tpu.memref_squeeze %dma_wait3A_82 : memref<1x64xi32, #tpu.memory_space<vmem>> -> memref<64xi32, #tpu.memory_space<vmem>>
      %dma_wait3A_84 = arith.constant 0 : i32
      %dma_wait3A_85 = arith.constant 0 : i32
      %dma_wait3A_86 = tpu.memref_slice %arg9[%dma_wait3A_84, %dma_wait3A_85] : memref<10112x128xf32, #tpu.memory_space<vmem_shared>> -> memref<10112x128xf32, #tpu.memory_space<vmem_shared>>
      tpu.wait_indirect_dma semaphore(%run_scoped3A_74 : memref<!tpu.dma_semaphore, #tpu.memory_space<semaphore_mem>>) src(%arg7 : memref<64x128xf32, #tpu.memory_space<vmem>>) dst(%dma_wait3A_86 : memref<10112x128xf32, #tpu.memory_space<vmem_shared>>)
      tpu.yield
    }) : () -> ()
    %dma_wait3A_53 = arith.constant 0 : i32
    %dma_wait3A_54 = arith.constant 0 : i32
    %dma_wait3A_55 = tpu.memref_slice %arg6[%dma_wait3A_53, %dma_wait3A_54] : memref<2x64xi32, #tpu.memory_space<vmem>> -> memref<1x64xi32, #tpu.memory_space<vmem>>
    %dma_wait3A_56 = tpu.memref_squeeze %dma_wait3A_55 : memref<1x64xi32, #tpu.memory_space<vmem>> -> memref<64xi32, #tpu.memory_space<vmem>>
    %dma_wait3A_57 = arith.constant 0 : i32
    %dma_wait3A_58 = arith.constant 0 : i32
    %dma_wait3A_59 = tpu.memref_slice %arg2[%dma_wait3A_57, %dma_wait3A_58] : memref<20000x128xf32, #tpu.memory_space<hbm>> -> memref<20000x128xf32, #tpu.memory_space<hbm>>
    tpu.wait_indirect_dma semaphore(%arg11 : memref<!tpu.dma_semaphore, #tpu.memory_space<semaphore_mem>>) src(%dma_wait3A_59 : memref<20000x128xf32, #tpu.memory_space<hbm>>) dst(%arg8 : memref<64x128xf32, #tpu.memory_space<vmem>>)
    %run_scoped3A_60 = arith.constant 1 : i32
    "tpu.region"() ({
      %run_scoped3A_74 = tpu.sem_alloc : memref<!tpu.dma_semaphore, #tpu.memory_space<semaphore_mem>>
      %dma_start3A_75 = arith.constant 0 : i32
      %dma_start3A_76 = tpu.memref_slice %arg6[%run_scoped3A_60, %dma_start3A_75] : memref<2x64xi32, #tpu.memory_space<vmem>> -> memref<1x64xi32, #tpu.memory_space<vmem>>
      %dma_start3A_77 = tpu.memref_squeeze %dma_start3A_76 : memref<1x64xi32, #tpu.memory_space<vmem>> -> memref<64xi32, #tpu.memory_space<vmem>>
      %dma_start3A_78 = arith.constant 0 : i32
      %dma_start3A_79 = arith.constant 0 : i32
      %dma_start3A_80 = tpu.memref_slice %arg9[%dma_start3A_78, %dma_start3A_79] : memref<10112x128xf32, #tpu.memory_space<vmem_shared>> -> memref<10112x128xf32, #tpu.memory_space<vmem_shared>>
      tpu.enqueue_indirect_dma source(%arg8 : memref<64x128xf32, #tpu.memory_space<vmem>>) target(%dma_start3A_80 : memref<10112x128xf32, #tpu.memory_space<vmem_shared>>) offsets(%dma_start3A_77 : memref<64xi32, #tpu.memory_space<vmem>>) semaphore(%run_scoped3A_74 : memref<!tpu.dma_semaphore, #tpu.memory_space<semaphore_mem>>) {add = true}
      %dma_wait3A_81 = arith.constant 0 : i32
      %dma_wait3A_82 = tpu.memref_slice %arg6[%run_scoped3A_60, %dma_wait3A_81] : memref<2x64xi32, #tpu.memory_space<vmem>> -> memref<1x64xi32, #tpu.memory_space<vmem>>
      %dma_wait3A_83 = tpu.memref_squeeze %dma_wait3A_82 : memref<1x64xi32, #tpu.memory_space<vmem>> -> memref<64xi32, #tpu.memory_space<vmem>>
      %dma_wait3A_84 = arith.constant 0 : i32
      %dma_wait3A_85 = arith.constant 0 : i32
      %dma_wait3A_86 = tpu.memref_slice %arg9[%dma_wait3A_84, %dma_wait3A_85] : memref<10112x128xf32, #tpu.memory_space<vmem_shared>> -> memref<10112x128xf32, #tpu.memory_space<vmem_shared>>
      tpu.wait_indirect_dma semaphore(%run_scoped3A_74 : memref<!tpu.dma_semaphore, #tpu.memory_space<semaphore_mem>>) src(%arg8 : memref<64x128xf32, #tpu.memory_space<vmem>>) dst(%dma_wait3A_86 : memref<10112x128xf32, #tpu.memory_space<vmem_shared>>)
      tpu.yield
    }) : () -> ()
    %barrier3A_61 = arith.constant 0 : index
    tpu.barrier barrier_id(%barrier3A_61)
    %mul3A_62 = arith.constant 624 : i32
    %mul3A_63 = arith.muli %arg1, %mul3A_62 : i32
    %scan3A_64 = arith.constant 0 : i32
    %scan3A_65 = arith.constant 9 : i32
    %scan3A_66 = arith.addi %scan3A_64, %scan3A_65 : i32
    %scan3A_67 = arith.constant 1 : i32
    scf.for %scan3A_74 = %scan3A_64 to %scan3A_66 step %scan3A_67  : i32 {
      %mul3A_75 = arith.constant 1 : i32
      %mul3A_76 = arith.muli %scan3A_74, %mul3A_75 : i32
      %add3A_77 = arith.constant 0 : i32
      %add3A_78 = arith.addi %add3A_77, %mul3A_76 : i32
      %mul3A_79 = arith.constant 64 : i32
      %mul3A_80 = arith.muli %add3A_78, %mul3A_79 : i32
      %add3A_81 = arith.addi %mul3A_63, %mul3A_80 : i32
      "tpu.region"() ({
        %run_scoped3A_83 = tpu.sem_alloc : memref<!tpu.dma_semaphore, #tpu.memory_space<semaphore_mem>>
        %dma_start3A_84 = arith.constant 0 : i32
        %dma_start3A_85 = arith.constant 0 : i32
        %dma_start3A_86 = tpu.memref_slice %arg7[%dma_start3A_84, %dma_start3A_85] : memref<64x128xf32, #tpu.memory_space<vmem>> -> memref<64x128xf32, #tpu.memory_space<vmem>>
        %dma_start3A_87 = arith.constant 0 : i32
        %dma_start3A_88 = tpu.memref_slice %arg9[%add3A_81, %dma_start3A_87] : memref<10112x128xf32, #tpu.memory_space<vmem_shared>> -> memref<64x128xf32, #tpu.memory_space<vmem_shared>>
        %dma_start3A_89 = arith.constant 0 : i32
        %dma_start3A_90 = arith.constant 0 : i32
        %dma_start3A_91 = tpu.memref_slice %arg7[%dma_start3A_89, %dma_start3A_90] : memref<64x128xf32, #tpu.memory_space<vmem>> -> memref<64x128xf32, #tpu.memory_space<vmem>>
        %dma_start3A_92 = arith.constant 0 : i32
        %dma_start3A_93 = tpu.memref_slice %arg9[%add3A_81, %dma_start3A_92] : memref<10112x128xf32, #tpu.memory_space<vmem_shared>> -> memref<64x128xf32, #tpu.memory_space<vmem_shared>>
        tpu.enqueue_dma source(%dma_start3A_93 : memref<64x128xf32, #tpu.memory_space<vmem_shared>>) target(%dma_start3A_91 : memref<64x128xf32, #tpu.memory_space<vmem>>) target_semaphore(%run_scoped3A_83 : memref<!tpu.dma_semaphore, #tpu.memory_space<semaphore_mem>>)
        %dma_wait3A_94 = arith.constant 0 : i32
        %dma_wait3A_95 = arith.constant 0 : i32
        %dma_wait3A_96 = tpu.memref_slice %arg7[%dma_wait3A_94, %dma_wait3A_95] : memref<64x128xf32, #tpu.memory_space<vmem>> -> memref<64x128xf32, #tpu.memory_space<vmem>>
        %dma_wait3A_97 = arith.constant 0 : i32
        %dma_wait3A_98 = tpu.memref_slice %arg9[%add3A_81, %dma_wait3A_97] : memref<10112x128xf32, #tpu.memory_space<vmem_shared>> -> memref<64x128xf32, #tpu.memory_space<vmem_shared>>
        %dma_wait3A_99 = arith.constant 0 : i32
        %dma_wait3A_100 = arith.constant 0 : i32
        %dma_wait3A_101 = tpu.memref_slice %arg7[%dma_wait3A_99, %dma_wait3A_100] : memref<64x128xf32, #tpu.memory_space<vmem>> -> memref<64x128xf32, #tpu.memory_space<vmem>>
        %dma_wait3A_102 = arith.constant 0 : i32
        %dma_wait3A_103 = tpu.memref_slice %arg9[%add3A_81, %dma_wait3A_102] : memref<10112x128xf32, #tpu.memory_space<vmem_shared>> -> memref<64x128xf32, #tpu.memory_space<vmem_shared>>
        tpu.wait_dma2 semaphore(%run_scoped3A_83 : memref<!tpu.dma_semaphore, #tpu.memory_space<semaphore_mem>>) src(%dma_wait3A_103 : memref<64x128xf32, #tpu.memory_space<vmem_shared>>) dst(%dma_wait3A_101 : memref<64x128xf32, #tpu.memory_space<vmem>>)
        tpu.yield
      }) : () -> ()
      %add3A_82 = arith.addi %mul3A_0, %add3A_81 : i32
      "tpu.region"() ({
        %run_scoped3A_83 = tpu.sem_alloc : memref<!tpu.dma_semaphore, #tpu.memory_space<semaphore_mem>>
        %dma_start3A_84 = arith.constant 0 : i32
        %dma_start3A_85 = arith.constant 0 : i32
        %dma_start3A_86 = tpu.memref_slice %arg7[%dma_start3A_84, %dma_start3A_85] : memref<64x128xf32, #tpu.memory_space<vmem>> -> memref<64x128xf32, #tpu.memory_space<vmem>>
        %dma_start3A_87 = arith.constant 0 : i32
        %dma_start3A_88 = tpu.memref_slice %arg4[%add3A_82, %dma_start3A_87] : memref<20000x128xf32, #tpu.memory_space<hbm>> -> memref<64x128xf32, #tpu.memory_space<hbm>>
        %dma_start3A_89 = arith.constant 0 : i32
        %dma_start3A_90 = tpu.memref_slice %arg4[%add3A_82, %dma_start3A_89] : memref<20000x128xf32, #tpu.memory_space<hbm>> -> memref<64x128xf32, #tpu.memory_space<hbm>>
        %dma_start3A_91 = arith.constant 0 : i32
        %dma_start3A_92 = arith.constant 0 : i32
        %dma_start3A_93 = tpu.memref_slice %arg7[%dma_start3A_91, %dma_start3A_92] : memref<64x128xf32, #tpu.memory_space<vmem>> -> memref<64x128xf32, #tpu.memory_space<vmem>>
        tpu.enqueue_dma source(%dma_start3A_93 : memref<64x128xf32, #tpu.memory_space<vmem>>) target(%dma_start3A_90 : memref<64x128xf32, #tpu.memory_space<hbm>>) target_semaphore(%run_scoped3A_83 : memref<!tpu.dma_semaphore, #tpu.memory_space<semaphore_mem>>)
        %dma_wait3A_94 = arith.constant 0 : i32
        %dma_wait3A_95 = arith.constant 0 : i32
        %dma_wait3A_96 = tpu.memref_slice %arg7[%dma_wait3A_94, %dma_wait3A_95] : memref<64x128xf32, #tpu.memory_space<vmem>> -> memref<64x128xf32, #tpu.memory_space<vmem>>
        %dma_wait3A_97 = arith.constant 0 : i32
        %dma_wait3A_98 = tpu.memref_slice %arg4[%add3A_82, %dma_wait3A_97] : memref<20000x128xf32, #tpu.memory_space<hbm>> -> memref<64x128xf32, #tpu.memory_space<hbm>>
        %dma_wait3A_99 = arith.constant 0 : i32
        %dma_wait3A_100 = tpu.memref_slice %arg4[%add3A_82, %dma_wait3A_99] : memref<20000x128xf32, #tpu.memory_space<hbm>> -> memref<64x128xf32, #tpu.memory_space<hbm>>
        %dma_wait3A_101 = arith.constant 0 : i32
        %dma_wait3A_102 = arith.constant 0 : i32
        %dma_wait3A_103 = tpu.memref_slice %arg7[%dma_wait3A_101, %dma_wait3A_102] : memref<64x128xf32, #tpu.memory_space<vmem>> -> memref<64x128xf32, #tpu.memory_space<vmem>>
        tpu.wait_dma2 semaphore(%run_scoped3A_83 : memref<!tpu.dma_semaphore, #tpu.memory_space<semaphore_mem>>) src(%dma_wait3A_103 : memref<64x128xf32, #tpu.memory_space<vmem>>) dst(%dma_wait3A_100 : memref<64x128xf32, #tpu.memory_space<hbm>>)
        tpu.yield
      }) : () -> ()
    }
    %scan3A_68 = arith.constant 9 : i32
    %add3A_69 = arith.constant 576 : i32
    %add3A_70 = arith.addi %mul3A_63, %add3A_69 : i32
    "tpu.region"() ({
      %run_scoped3A_74 = tpu.sem_alloc : memref<!tpu.dma_semaphore, #tpu.memory_space<semaphore_mem>>
      %dma_start3A_75 = arith.constant 0 : i32
      %dma_start3A_76 = arith.constant 0 : i32
      %dma_start3A_77 = tpu.memref_slice %arg7[%dma_start3A_75, %dma_start3A_76] : memref<64x128xf32, #tpu.memory_space<vmem>> -> memref<48x128xf32, #tpu.memory_space<vmem>>
      %dma_start3A_78 = arith.constant 0 : i32
      %dma_start3A_79 = tpu.memref_slice %arg9[%add3A_70, %dma_start3A_78] : memref<10112x128xf32, #tpu.memory_space<vmem_shared>> -> memref<48x128xf32, #tpu.memory_space<vmem_shared>>
      %dma_start3A_80 = arith.constant 0 : i32
      %dma_start3A_81 = arith.constant 0 : i32
      %dma_start3A_82 = tpu.memref_slice %arg7[%dma_start3A_80, %dma_start3A_81] : memref<64x128xf32, #tpu.memory_space<vmem>> -> memref<48x128xf32, #tpu.memory_space<vmem>>
      %dma_start3A_83 = arith.constant 0 : i32
      %dma_start3A_84 = tpu.memref_slice %arg9[%add3A_70, %dma_start3A_83] : memref<10112x128xf32, #tpu.memory_space<vmem_shared>> -> memref<48x128xf32, #tpu.memory_space<vmem_shared>>
      tpu.enqueue_dma source(%dma_start3A_84 : memref<48x128xf32, #tpu.memory_space<vmem_shared>>) target(%dma_start3A_82 : memref<48x128xf32, #tpu.memory_space<vmem>>) target_semaphore(%run_scoped3A_74 : memref<!tpu.dma_semaphore, #tpu.memory_space<semaphore_mem>>)
      %dma_wait3A_85 = arith.constant 0 : i32
      %dma_wait3A_86 = arith.constant 0 : i32
      %dma_wait3A_87 = tpu.memref_slice %arg7[%dma_wait3A_85, %dma_wait3A_86] : memref<64x128xf32, #tpu.memory_space<vmem>> -> memref<48x128xf32, #tpu.memory_space<vmem>>
      %dma_wait3A_88 = arith.constant 0 : i32
      %dma_wait3A_89 = tpu.memref_slice %arg9[%add3A_70, %dma_wait3A_88] : memref<10112x128xf32, #tpu.memory_space<vmem_shared>> -> memref<48x128xf32, #tpu.memory_space<vmem_shared>>
      %dma_wait3A_90 = arith.constant 0 : i32
      %dma_wait3A_91 = arith.constant 0 : i32
      %dma_wait3A_92 = tpu.memref_slice %arg7[%dma_wait3A_90, %dma_wait3A_91] : memref<64x128xf32, #tpu.memory_space<vmem>> -> memref<48x128xf32, #tpu.memory_space<vmem>>
      %dma_wait3A_93 = arith.constant 0 : i32
      %dma_wait3A_94 = tpu.memref_slice %arg9[%add3A_70, %dma_wait3A_93] : memref<10112x128xf32, #tpu.memory_space<vmem_shared>> -> memref<48x128xf32, #tpu.memory_space<vmem_shared>>
      tpu.wait_dma2 semaphore(%run_scoped3A_74 : memref<!tpu.dma_semaphore, #tpu.memory_space<semaphore_mem>>) src(%dma_wait3A_94 : memref<48x128xf32, #tpu.memory_space<vmem_shared>>) dst(%dma_wait3A_92 : memref<48x128xf32, #tpu.memory_space<vmem>>)
      tpu.yield
    }) : () -> ()
    %add3A_71 = arith.addi %mul3A_0, %add3A_70 : i32
    "tpu.region"() ({
      %run_scoped3A_74 = tpu.sem_alloc : memref<!tpu.dma_semaphore, #tpu.memory_space<semaphore_mem>>
      %dma_start3A_75 = arith.constant 0 : i32
      %dma_start3A_76 = arith.constant 0 : i32
      %dma_start3A_77 = tpu.memref_slice %arg7[%dma_start3A_75, %dma_start3A_76] : memref<64x128xf32, #tpu.memory_space<vmem>> -> memref<48x128xf32, #tpu.memory_space<vmem>>
      %dma_start3A_78 = arith.constant 0 : i32
      %dma_start3A_79 = tpu.memref_slice %arg4[%add3A_71, %dma_start3A_78] : memref<20000x128xf32, #tpu.memory_space<hbm>> -> memref<48x128xf32, #tpu.memory_space<hbm>>
      %dma_start3A_80 = arith.constant 0 : i32
      %dma_start3A_81 = tpu.memref_slice %arg4[%add3A_71, %dma_start3A_80] : memref<20000x128xf32, #tpu.memory_space<hbm>> -> memref<48x128xf32, #tpu.memory_space<hbm>>
      %dma_start3A_82 = arith.constant 0 : i32
      %dma_start3A_83 = arith.constant 0 : i32
      %dma_start3A_84 = tpu.memref_slice %arg7[%dma_start3A_82, %dma_start3A_83] : memref<64x128xf32, #tpu.memory_space<vmem>> -> memref<48x128xf32, #tpu.memory_space<vmem>>
      tpu.enqueue_dma source(%dma_start3A_84 : memref<48x128xf32, #tpu.memory_space<vmem>>) target(%dma_start3A_81 : memref<48x128xf32, #tpu.memory_space<hbm>>) target_semaphore(%run_scoped3A_74 : memref<!tpu.dma_semaphore, #tpu.memory_space<semaphore_mem>>)
      %dma_wait3A_85 = arith.constant 0 : i32
      %dma_wait3A_86 = arith.constant 0 : i32
      %dma_wait3A_87 = tpu.memref_slice %arg7[%dma_wait3A_85, %dma_wait3A_86] : memref<64x128xf32, #tpu.memory_space<vmem>> -> memref<48x128xf32, #tpu.memory_space<vmem>>
      %dma_wait3A_88 = arith.constant 0 : i32
      %dma_wait3A_89 = tpu.memref_slice %arg4[%add3A_71, %dma_wait3A_88] : memref<20000x128xf32, #tpu.memory_space<hbm>> -> memref<48x128xf32, #tpu.memory_space<hbm>>
      %dma_wait3A_90 = arith.constant 0 : i32
      %dma_wait3A_91 = tpu.memref_slice %arg4[%add3A_71, %dma_wait3A_90] : memref<20000x128xf32, #tpu.memory_space<hbm>> -> memref<48x128xf32, #tpu.memory_space<hbm>>
      %dma_wait3A_92 = arith.constant 0 : i32
      %dma_wait3A_93 = arith.constant 0 : i32
      %dma_wait3A_94 = tpu.memref_slice %arg7[%dma_wait3A_92, %dma_wait3A_93] : memref<64x128xf32, #tpu.memory_space<vmem>> -> memref<48x128xf32, #tpu.memory_space<vmem>>
      tpu.wait_dma2 semaphore(%run_scoped3A_74 : memref<!tpu.dma_semaphore, #tpu.memory_space<semaphore_mem>>) src(%dma_wait3A_94 : memref<48x128xf32, #tpu.memory_space<vmem>>) dst(%dma_wait3A_91 : memref<48x128xf32, #tpu.memory_space<hbm>>)
      tpu.yield
    }) : () -> ()
    %eq3A = arith.constant 15 : i32
    %eq3A_72 = arith.cmpi eq, %arg1, %eq3A : i32
    %convert_element_type3A = arith.extui %eq3A_72 : i1 to i32
    %cond3A = arith.constant 0 : i32
    %cond3A_73 = arith.cmpi ne, %convert_element_type3A, %cond3A : i32
    scf.if %cond3A_73 {
      "tpu.region"() ({
        %run_scoped3A_76 = tpu.sem_alloc : memref<!tpu.dma_semaphore, #tpu.memory_space<semaphore_mem>>
        %dma_start3A_77 = arith.constant 0 : i32
        %dma_start3A_78 = arith.constant 0 : i32
        %dma_start3A_79 = tpu.memref_slice %arg7[%dma_start3A_77, %dma_start3A_78] : memref<64x128xf32, #tpu.memory_space<vmem>> -> memref<16x128xf32, #tpu.memory_space<vmem>>
        %dma_start3A_80 = arith.constant 9984 : i32
        %dma_start3A_81 = arith.constant 0 : i32
        %dma_start3A_82 = tpu.memref_slice %arg9[%dma_start3A_80, %dma_start3A_81] : memref<10112x128xf32, #tpu.memory_space<vmem_shared>> -> memref<16x128xf32, #tpu.memory_space<vmem_shared>>
        %dma_start3A_83 = arith.constant 0 : i32
        %dma_start3A_84 = arith.constant 0 : i32
        %dma_start3A_85 = tpu.memref_slice %arg7[%dma_start3A_83, %dma_start3A_84] : memref<64x128xf32, #tpu.memory_space<vmem>> -> memref<16x128xf32, #tpu.memory_space<vmem>>
        %dma_start3A_86 = arith.constant 9984 : i32
        %dma_start3A_87 = arith.constant 0 : i32
        %dma_start3A_88 = tpu.memref_slice %arg9[%dma_start3A_86, %dma_start3A_87] : memref<10112x128xf32, #tpu.memory_space<vmem_shared>> -> memref<16x128xf32, #tpu.memory_space<vmem_shared>>
        tpu.enqueue_dma source(%dma_start3A_88 : memref<16x128xf32, #tpu.memory_space<vmem_shared>>) target(%dma_start3A_85 : memref<16x128xf32, #tpu.memory_space<vmem>>) target_semaphore(%run_scoped3A_76 : memref<!tpu.dma_semaphore, #tpu.memory_space<semaphore_mem>>)
        %dma_wait3A_89 = arith.constant 0 : i32
        %dma_wait3A_90 = arith.constant 0 : i32
        %dma_wait3A_91 = tpu.memref_slice %arg7[%dma_wait3A_89, %dma_wait3A_90] : memref<64x128xf32, #tpu.memory_space<vmem>> -> memref<16x128xf32, #tpu.memory_space<vmem>>
        %dma_wait3A_92 = arith.constant 9984 : i32
        %dma_wait3A_93 = arith.constant 0 : i32
        %dma_wait3A_94 = tpu.memref_slice %arg9[%dma_wait3A_92, %dma_wait3A_93] : memref<10112x128xf32, #tpu.memory_space<vmem_shared>> -> memref<16x128xf32, #tpu.memory_space<vmem_shared>>
        %dma_wait3A_95 = arith.constant 0 : i32
        %dma_wait3A_96 = arith.constant 0 : i32
        %dma_wait3A_97 = tpu.memref_slice %arg7[%dma_wait3A_95, %dma_wait3A_96] : memref<64x128xf32, #tpu.memory_space<vmem>> -> memref<16x128xf32, #tpu.memory_space<vmem>>
        %dma_wait3A_98 = arith.constant 9984 : i32
        %dma_wait3A_99 = arith.constant 0 : i32
        %dma_wait3A_100 = tpu.memref_slice %arg9[%dma_wait3A_98, %dma_wait3A_99] : memref<10112x128xf32, #tpu.memory_space<vmem_shared>> -> memref<16x128xf32, #tpu.memory_space<vmem_shared>>
        tpu.wait_dma2 semaphore(%run_scoped3A_76 : memref<!tpu.dma_semaphore, #tpu.memory_space<semaphore_mem>>) src(%dma_wait3A_100 : memref<16x128xf32, #tpu.memory_space<vmem_shared>>) dst(%dma_wait3A_97 : memref<16x128xf32, #tpu.memory_space<vmem>>)
        tpu.yield
      }) : () -> ()
      %add3A_74 = arith.constant 9984 : i32
      %add3A_75 = arith.addi %mul3A_0, %add3A_74 : i32
      "tpu.region"() ({
        %run_scoped3A_76 = tpu.sem_alloc : memref<!tpu.dma_semaphore, #tpu.memory_space<semaphore_mem>>
        %dma_start3A_77 = arith.constant 0 : i32
        %dma_start3A_78 = arith.constant 0 : i32
        %dma_start3A_79 = tpu.memref_slice %arg7[%dma_start3A_77, %dma_start3A_78] : memref<64x128xf32, #tpu.memory_space<vmem>> -> memref<16x128xf32, #tpu.memory_space<vmem>>
        %dma_start3A_80 = arith.constant 0 : i32
        %dma_start3A_81 = tpu.memref_slice %arg4[%add3A_75, %dma_start3A_80] : memref<20000x128xf32, #tpu.memory_space<hbm>> -> memref<16x128xf32, #tpu.memory_space<hbm>>
        %dma_start3A_82 = arith.constant 0 : i32
        %dma_start3A_83 = tpu.memref_slice %arg4[%add3A_75, %dma_start3A_82] : memref<20000x128xf32, #tpu.memory_space<hbm>> -> memref<16x128xf32, #tpu.memory_space<hbm>>
        %dma_start3A_84 = arith.constant 0 : i32
        %dma_start3A_85 = arith.constant 0 : i32
        %dma_start3A_86 = tpu.memref_slice %arg7[%dma_start3A_84, %dma_start3A_85] : memref<64x128xf32, #tpu.memory_space<vmem>> -> memref<16x128xf32, #tpu.memory_space<vmem>>
        tpu.enqueue_dma source(%dma_start3A_86 : memref<16x128xf32, #tpu.memory_space<vmem>>) target(%dma_start3A_83 : memref<16x128xf32, #tpu.memory_space<hbm>>) target_semaphore(%run_scoped3A_76 : memref<!tpu.dma_semaphore, #tpu.memory_space<semaphore_mem>>)
        %dma_wait3A_87 = arith.constant 0 : i32
        %dma_wait3A_88 = arith.constant 0 : i32
        %dma_wait3A_89 = tpu.memref_slice %arg7[%dma_wait3A_87, %dma_wait3A_88] : memref<64x128xf32, #tpu.memory_space<vmem>> -> memref<16x128xf32, #tpu.memory_space<vmem>>
        %dma_wait3A_90 = arith.constant 0 : i32
        %dma_wait3A_91 = tpu.memref_slice %arg4[%add3A_75, %dma_wait3A_90] : memref<20000x128xf32, #tpu.memory_space<hbm>> -> memref<16x128xf32, #tpu.memory_space<hbm>>
        %dma_wait3A_92 = arith.constant 0 : i32
        %dma_wait3A_93 = tpu.memref_slice %arg4[%add3A_75, %dma_wait3A_92] : memref<20000x128xf32, #tpu.memory_space<hbm>> -> memref<16x128xf32, #tpu.memory_space<hbm>>
        %dma_wait3A_94 = arith.constant 0 : i32
        %dma_wait3A_95 = arith.constant 0 : i32
        %dma_wait3A_96 = tpu.memref_slice %arg7[%dma_wait3A_94, %dma_wait3A_95] : memref<64x128xf32, #tpu.memory_space<vmem>> -> memref<16x128xf32, #tpu.memory_space<vmem>>
        tpu.wait_dma2 semaphore(%run_scoped3A_76 : memref<!tpu.dma_semaphore, #tpu.memory_space<semaphore_mem>>) src(%dma_wait3A_96 : memref<16x128xf32, #tpu.memory_space<vmem>>) dst(%dma_wait3A_93 : memref<16x128xf32, #tpu.memory_space<hbm>>)
        tpu.yield
      }) : () -> ()
    } else {
    }
    return
  }
}

#map = affine_map<(d0, d1) -> (0, 0)>
#map1 = affine_map<(d0, d1) -> (0, 0, 0)>
#map2 = affine_map<(d0, d1) -> (0)>
module attributes {stable_mosaic.version = 14 : i64} {
  func.func @body(%arg0: i32, %arg1: i32, %arg2: memref<20000x128xf32, #tpu.memory_space<hbm>>, %arg3: memref<2528x2x64xi32, #tpu.memory_space<hbm>>, %arg4: memref<20000x128xf32, #tpu.memory_space<hbm>>, %arg5: memref<20000xf32, #tpu.memory_space<hbm>>, %arg6: memref<2x64xi32, #tpu.memory_space<vmem>>, %arg7: memref<2x64xi32, #tpu.memory_space<vmem>>, %arg8: memref<64x128xf32, #tpu.memory_space<vmem>>, %arg9: memref<64x128xf32, #tpu.memory_space<vmem>>, %arg10: memref<10112x128xf32, #tpu.memory_space<vmem_shared>>, %arg11: memref<!tpu.dma_semaphore, #tpu.memory_space<semaphore_mem>>, %arg12: memref<!tpu.dma_semaphore, #tpu.memory_space<semaphore_mem>>, %arg13: memref<64xf32, #tpu.memory_space<vmem>>, %arg14: memref<640xf32, #tpu.memory_space<vmem>>, %arg15: memref<10112xf32, #tpu.memory_space<vmem_shared>>) attributes {dimension_semantics = [#tpu.dimension_semantics<core_parallel>, #tpu.dimension_semantics<subcore_parallel>], iteration_bounds = array<i64: 2, 16>, scalar_prefetch = 0 : i64, scratch_operands = 10 : i64, tpu.core_type = #tpu.core_type<sc_vector_subcore>, window_params = [{transform_indices = #map}, {transform_indices = #map1}, {transform_indices = #map}, {transform_indices = #map2}]} {
    %mul3A = arith.constant 10000 : i32
    %mul3A_0 = arith.muli %arg0, %mul3A : i32
    %scan3A = arith.constant 0 : i32
    %scan3A_1 = arith.constant 64 : i32
    %scan3A_2 = arith.addi %scan3A, %scan3A_1 : i32
    %scan3A_3 = arith.constant 1 : i32
    scf.for %scan3A_103 = %scan3A to %scan3A_2 step %scan3A_3  : i32 {
      %mul3A_104 = arith.constant 1 : i32
      %mul3A_105 = arith.muli %scan3A_103, %mul3A_104 : i32
      %add3A_106 = arith.constant 0 : i32
      %add3A_107 = arith.addi %add3A_106, %mul3A_105 : i32
      %scan3A_108 = arith.constant 0 : i32
      %scan3A_109 = arith.constant 8 : i32
      %scan3A_110 = arith.addi %scan3A_108, %scan3A_109 : i32
      %scan3A_111 = arith.constant 1 : i32
      scf.for %scan3A_113 = %scan3A_108 to %scan3A_110 step %scan3A_111  : i32 {
        %mul3A_114 = arith.constant 16 : i32
        %mul3A_115 = arith.muli %scan3A_113, %mul3A_114 : i32
        %add3A_116 = arith.constant 0 : i32
        %add3A_117 = arith.addi %add3A_116, %mul3A_115 : i32
        %broadcast_in_dim3A = arith.constant 0.000000e+00 : f32
        %broadcast_in_dim3A_118 = vector.broadcast %broadcast_in_dim3A : f32 to vector<16xf32>
        %swap3A = arith.index_cast %add3A_107 : i32 to index
        %swap3A_119 = arith.index_cast %add3A_117 : i32 to index
        %swap3A_120 = tpu.vector_load %arg8[%swap3A, %swap3A_119] {strides = array<i32>} : memref<64x128xf32, #tpu.memory_space<vmem>>, vector<1x16xf32>,
        %swap3A_121 = vector.shape_cast %swap3A_120 : vector<1x16xf32> to vector<16xf32>
        %swap3A_122 = vector.shape_cast %broadcast_in_dim3A_118 : vector<16xf32> to vector<1x16xf32>
        tpu.vector_store %arg8[%swap3A, %swap3A_119], %swap3A_122 {strides = array<i32>} : memref<64x128xf32, #tpu.memory_space<vmem>>, vector<1x16xf32>,
      }
      %scan3A_112 = arith.constant 8 : i32
    }
    %scan3A_4 = arith.constant 64 : i32
    %scan3A_5 = arith.constant 0 : i32
    %scan3A_6 = arith.constant 4 : i32
    %scan3A_7 = arith.addi %scan3A_5, %scan3A_6 : i32
    %scan3A_8 = arith.constant 1 : i32
    scf.for %scan3A_103 = %scan3A_5 to %scan3A_7 step %scan3A_8  : i32 {
      %mul3A_104 = arith.constant 16 : i32
      %mul3A_105 = arith.muli %scan3A_103, %mul3A_104 : i32
      %add3A_106 = arith.constant 0 : i32
      %add3A_107 = arith.addi %add3A_106, %mul3A_105 : i32
      %broadcast_in_dim3A = arith.constant 1.000000e+00 : f32
      %broadcast_in_dim3A_108 = vector.broadcast %broadcast_in_dim3A : f32 to vector<16xf32>
      %swap3A = arith.index_cast %add3A_107 : i32 to index
      %swap3A_109 = tpu.vector_load %arg13[%swap3A] {strides = array<i32>} : memref<64xf32, #tpu.memory_space<vmem>>, vector<16xf32>,
      %swap3A_110 = vector.shape_cast %swap3A_109 : vector<16xf32> to vector<16xf32>
      %swap3A_111 = vector.shape_cast %broadcast_in_dim3A_108 : vector<16xf32> to vector<16xf32>
      tpu.vector_store %arg13[%swap3A], %swap3A_111 {strides = array<i32>} : memref<64xf32, #tpu.memory_space<vmem>>, vector<16xf32>,
    }
    %scan3A_9 = arith.constant 4 : i32
    %scan3A_10 = arith.constant 0 : i32
    %scan3A_11 = arith.constant 40 : i32
    %scan3A_12 = arith.addi %scan3A_10, %scan3A_11 : i32
    %scan3A_13 = arith.constant 1 : i32
    scf.for %scan3A_103 = %scan3A_10 to %scan3A_12 step %scan3A_13  : i32 {
      %mul3A_104 = arith.constant 16 : i32
      %mul3A_105 = arith.muli %scan3A_103, %mul3A_104 : i32
      %add3A_106 = arith.constant 0 : i32
      %add3A_107 = arith.addi %add3A_106, %mul3A_105 : i32
      %broadcast_in_dim3A = arith.constant 0.000000e+00 : f32
      %broadcast_in_dim3A_108 = vector.broadcast %broadcast_in_dim3A : f32 to vector<16xf32>
      %swap3A = arith.index_cast %add3A_107 : i32 to index
      %swap3A_109 = tpu.vector_load %arg14[%swap3A] {strides = array<i32>} : memref<640xf32, #tpu.memory_space<vmem>>, vector<16xf32>,
      %swap3A_110 = vector.shape_cast %swap3A_109 : vector<16xf32> to vector<16xf32>
      %swap3A_111 = vector.shape_cast %broadcast_in_dim3A_108 : vector<16xf32> to vector<16xf32>
      tpu.vector_store %arg14[%swap3A], %swap3A_111 {strides = array<i32>} : memref<640xf32, #tpu.memory_space<vmem>>, vector<16xf32>,
    }
    %scan3A_14 = arith.constant 40 : i32
    %mul3A_15 = arith.constant 632 : i32
    %mul3A_16 = arith.muli %arg1, %mul3A_15 : i32
    %scan3A_17 = arith.constant 0 : i32
    %scan3A_18 = arith.constant 9 : i32
    %scan3A_19 = arith.addi %scan3A_17, %scan3A_18 : i32
    %scan3A_20 = arith.constant 1 : i32
    scf.for %scan3A_103 = %scan3A_17 to %scan3A_19 step %scan3A_20  : i32 {
      %mul3A_104 = arith.constant 1 : i32
      %mul3A_105 = arith.muli %scan3A_103, %mul3A_104 : i32
      %add3A_106 = arith.constant 0 : i32
      %add3A_107 = arith.addi %add3A_106, %mul3A_105 : i32
      %mul3A_108 = arith.constant 64 : i32
      %mul3A_109 = arith.muli %add3A_107, %mul3A_108 : i32
      %add3A_110 = arith.addi %mul3A_16, %mul3A_109 : i32
      "tpu.region"() ({
        %run_scoped3A_111 = tpu.sem_alloc : memref<!tpu.dma_semaphore, #tpu.memory_space<semaphore_mem>>
        %dma_start3A_112 = arith.constant 0 : i32
        %dma_start3A_113 = tpu.memref_slice %arg10[%add3A_110, %dma_start3A_112] : memref<10112x128xf32, #tpu.memory_space<vmem_shared>> -> memref<64x128xf32, #tpu.memory_space<vmem_shared>>
        %dma_start3A_114 = arith.constant 0 : i32
        %dma_start3A_115 = tpu.memref_slice %arg10[%add3A_110, %dma_start3A_114] : memref<10112x128xf32, #tpu.memory_space<vmem_shared>> -> memref<64x128xf32, #tpu.memory_space<vmem_shared>>
        tpu.enqueue_dma source(%arg8 : memref<64x128xf32, #tpu.memory_space<vmem>>) target(%dma_start3A_115 : memref<64x128xf32, #tpu.memory_space<vmem_shared>>) target_semaphore(%run_scoped3A_111 : memref<!tpu.dma_semaphore, #tpu.memory_space<semaphore_mem>>)
        %dma_wait3A_116 = arith.constant 0 : i32
        %dma_wait3A_117 = tpu.memref_slice %arg10[%add3A_110, %dma_wait3A_116] : memref<10112x128xf32, #tpu.memory_space<vmem_shared>> -> memref<64x128xf32, #tpu.memory_space<vmem_shared>>
        %dma_wait3A_118 = arith.constant 0 : i32
        %dma_wait3A_119 = tpu.memref_slice %arg10[%add3A_110, %dma_wait3A_118] : memref<10112x128xf32, #tpu.memory_space<vmem_shared>> -> memref<64x128xf32, #tpu.memory_space<vmem_shared>>
        tpu.wait_dma2 semaphore(%run_scoped3A_111 : memref<!tpu.dma_semaphore, #tpu.memory_space<semaphore_mem>>) src(%arg8 : memref<64x128xf32, #tpu.memory_space<vmem>>) dst(%dma_wait3A_119 : memref<64x128xf32, #tpu.memory_space<vmem_shared>>)
        tpu.yield
      }) : () -> ()
    }
    %scan3A_21 = arith.constant 9 : i32
    %add3A = arith.constant 576 : i32
    %add3A_22 = arith.addi %mul3A_16, %add3A : i32
    "tpu.region"() ({
      %run_scoped3A_103 = tpu.sem_alloc : memref<!tpu.dma_semaphore, #tpu.memory_space<semaphore_mem>>
      %dma_start3A_104 = arith.constant 0 : i32
      %dma_start3A_105 = arith.constant 0 : i32
      %dma_start3A_106 = tpu.memref_slice %arg8[%dma_start3A_104, %dma_start3A_105] : memref<64x128xf32, #tpu.memory_space<vmem>> -> memref<56x128xf32, #tpu.memory_space<vmem>>
      %dma_start3A_107 = arith.constant 0 : i32
      %dma_start3A_108 = tpu.memref_slice %arg10[%add3A_22, %dma_start3A_107] : memref<10112x128xf32, #tpu.memory_space<vmem_shared>> -> memref<56x128xf32, #tpu.memory_space<vmem_shared>>
      %dma_start3A_109 = arith.constant 0 : i32
      %dma_start3A_110 = tpu.memref_slice %arg10[%add3A_22, %dma_start3A_109] : memref<10112x128xf32, #tpu.memory_space<vmem_shared>> -> memref<56x128xf32, #tpu.memory_space<vmem_shared>>
      %dma_start3A_111 = arith.constant 0 : i32
      %dma_start3A_112 = arith.constant 0 : i32
      %dma_start3A_113 = tpu.memref_slice %arg8[%dma_start3A_111, %dma_start3A_112] : memref<64x128xf32, #tpu.memory_space<vmem>> -> memref<56x128xf32, #tpu.memory_space<vmem>>
      tpu.enqueue_dma source(%dma_start3A_113 : memref<56x128xf32, #tpu.memory_space<vmem>>) target(%dma_start3A_110 : memref<56x128xf32, #tpu.memory_space<vmem_shared>>) target_semaphore(%run_scoped3A_103 : memref<!tpu.dma_semaphore, #tpu.memory_space<semaphore_mem>>)
      %dma_wait3A_114 = arith.constant 0 : i32
      %dma_wait3A_115 = arith.constant 0 : i32
      %dma_wait3A_116 = tpu.memref_slice %arg8[%dma_wait3A_114, %dma_wait3A_115] : memref<64x128xf32, #tpu.memory_space<vmem>> -> memref<56x128xf32, #tpu.memory_space<vmem>>
      %dma_wait3A_117 = arith.constant 0 : i32
      %dma_wait3A_118 = tpu.memref_slice %arg10[%add3A_22, %dma_wait3A_117] : memref<10112x128xf32, #tpu.memory_space<vmem_shared>> -> memref<56x128xf32, #tpu.memory_space<vmem_shared>>
      %dma_wait3A_119 = arith.constant 0 : i32
      %dma_wait3A_120 = tpu.memref_slice %arg10[%add3A_22, %dma_wait3A_119] : memref<10112x128xf32, #tpu.memory_space<vmem_shared>> -> memref<56x128xf32, #tpu.memory_space<vmem_shared>>
      %dma_wait3A_121 = arith.constant 0 : i32
      %dma_wait3A_122 = arith.constant 0 : i32
      %dma_wait3A_123 = tpu.memref_slice %arg8[%dma_wait3A_121, %dma_wait3A_122] : memref<64x128xf32, #tpu.memory_space<vmem>> -> memref<56x128xf32, #tpu.memory_space<vmem>>
      tpu.wait_dma2 semaphore(%run_scoped3A_103 : memref<!tpu.dma_semaphore, #tpu.memory_space<semaphore_mem>>) src(%dma_wait3A_123 : memref<56x128xf32, #tpu.memory_space<vmem>>) dst(%dma_wait3A_120 : memref<56x128xf32, #tpu.memory_space<vmem_shared>>)
      tpu.yield
    }) : () -> ()
    "tpu.region"() ({
      %run_scoped3A_103 = tpu.sem_alloc : memref<!tpu.dma_semaphore, #tpu.memory_space<semaphore_mem>>
      %dma_start3A_104 = arith.constant 0 : i32
      %dma_start3A_105 = tpu.memref_slice %arg14[%dma_start3A_104] : memref<640xf32, #tpu.memory_space<vmem>> -> memref<632xf32, #tpu.memory_space<vmem>>
      %dma_start3A_106 = tpu.memref_slice %arg15[%mul3A_16] : memref<10112xf32, #tpu.memory_space<vmem_shared>> -> memref<632xf32, #tpu.memory_space<vmem_shared>>
      %dma_start3A_107 = tpu.memref_slice %arg15[%mul3A_16] : memref<10112xf32, #tpu.memory_space<vmem_shared>> -> memref<632xf32, #tpu.memory_space<vmem_shared>>
      %dma_start3A_108 = arith.constant 0 : i32
      %dma_start3A_109 = tpu.memref_slice %arg14[%dma_start3A_108] : memref<640xf32, #tpu.memory_space<vmem>> -> memref<632xf32, #tpu.memory_space<vmem>>
      tpu.enqueue_dma source(%dma_start3A_109 : memref<632xf32, #tpu.memory_space<vmem>>) target(%dma_start3A_107 : memref<632xf32, #tpu.memory_space<vmem_shared>>) target_semaphore(%run_scoped3A_103 : memref<!tpu.dma_semaphore, #tpu.memory_space<semaphore_mem>>)
      %dma_wait3A_110 = arith.constant 0 : i32
      %dma_wait3A_111 = tpu.memref_slice %arg14[%dma_wait3A_110] : memref<640xf32, #tpu.memory_space<vmem>> -> memref<632xf32, #tpu.memory_space<vmem>>
      %dma_wait3A_112 = tpu.memref_slice %arg15[%mul3A_16] : memref<10112xf32, #tpu.memory_space<vmem_shared>> -> memref<632xf32, #tpu.memory_space<vmem_shared>>
      %dma_wait3A_113 = tpu.memref_slice %arg15[%mul3A_16] : memref<10112xf32, #tpu.memory_space<vmem_shared>> -> memref<632xf32, #tpu.memory_space<vmem_shared>>
      %dma_wait3A_114 = arith.constant 0 : i32
      %dma_wait3A_115 = tpu.memref_slice %arg14[%dma_wait3A_114] : memref<640xf32, #tpu.memory_space<vmem>> -> memref<632xf32, #tpu.memory_space<vmem>>
      tpu.wait_dma2 semaphore(%run_scoped3A_103 : memref<!tpu.dma_semaphore, #tpu.memory_space<semaphore_mem>>) src(%dma_wait3A_115 : memref<632xf32, #tpu.memory_space<vmem>>) dst(%dma_wait3A_113 : memref<632xf32, #tpu.memory_space<vmem_shared>>)
      tpu.yield
    }) : () -> ()
    %barrier3A = arith.constant 0 : index
    tpu.barrier barrier_id(%barrier3A)
    %mul3A_23 = arith.constant 158 : i32
    %mul3A_24 = arith.muli %arg1, %mul3A_23 : i32
    %add3A_25 = arith.constant 0 : i32
    %add3A_26 = arith.addi %mul3A_24, %add3A_25 : i32
    "tpu.region"() ({
      %run_scoped3A_103 = tpu.sem_alloc : memref<!tpu.dma_semaphore, #tpu.memory_space<semaphore_mem>>
      %dma_start3A_104 = arith.constant 0 : i32
      %dma_start3A_105 = arith.constant 0 : i32
      %dma_start3A_106 = tpu.memref_slice %arg3[%add3A_26, %dma_start3A_104, %dma_start3A_105] : memref<2528x2x64xi32, #tpu.memory_space<hbm>> -> memref<1x2x64xi32, #tpu.memory_space<hbm>>
      %dma_start3A_107 = tpu.memref_squeeze %dma_start3A_106 : memref<1x2x64xi32, #tpu.memory_space<hbm>> -> memref<2x64xi32, #tpu.memory_space<hbm>>
      %dma_start3A_108 = arith.constant 0 : i32
      %dma_start3A_109 = arith.constant 0 : i32
      %dma_start3A_110 = tpu.memref_slice %arg3[%add3A_26, %dma_start3A_108, %dma_start3A_109] : memref<2528x2x64xi32, #tpu.memory_space<hbm>> -> memref<1x2x64xi32, #tpu.memory_space<hbm>>
      %dma_start3A_111 = tpu.memref_squeeze %dma_start3A_110 : memref<1x2x64xi32, #tpu.memory_space<hbm>> -> memref<2x64xi32, #tpu.memory_space<hbm>>
      tpu.enqueue_dma source(%dma_start3A_111 : memref<2x64xi32, #tpu.memory_space<hbm>>) target(%arg6 : memref<2x64xi32, #tpu.memory_space<vmem>>) target_semaphore(%run_scoped3A_103 : memref<!tpu.dma_semaphore, #tpu.memory_space<semaphore_mem>>)
      %dma_wait3A_112 = arith.constant 0 : i32
      %dma_wait3A_113 = arith.constant 0 : i32
      %dma_wait3A_114 = tpu.memref_slice %arg3[%add3A_26, %dma_wait3A_112, %dma_wait3A_113] : memref<2528x2x64xi32, #tpu.memory_space<hbm>> -> memref<1x2x64xi32, #tpu.memory_space<hbm>>
      %dma_wait3A_115 = tpu.memref_squeeze %dma_wait3A_114 : memref<1x2x64xi32, #tpu.memory_space<hbm>> -> memref<2x64xi32, #tpu.memory_space<hbm>>
      %dma_wait3A_116 = arith.constant 0 : i32
      %dma_wait3A_117 = arith.constant 0 : i32
      %dma_wait3A_118 = tpu.memref_slice %arg3[%add3A_26, %dma_wait3A_116, %dma_wait3A_117] : memref<2528x2x64xi32, #tpu.memory_space<hbm>> -> memref<1x2x64xi32, #tpu.memory_space<hbm>>
      %dma_wait3A_119 = tpu.memref_squeeze %dma_wait3A_118 : memref<1x2x64xi32, #tpu.memory_space<hbm>> -> memref<2x64xi32, #tpu.memory_space<hbm>>
      tpu.wait_dma2 semaphore(%run_scoped3A_103 : memref<!tpu.dma_semaphore, #tpu.memory_space<semaphore_mem>>) src(%dma_wait3A_119 : memref<2x64xi32, #tpu.memory_space<hbm>>) dst(%arg6 : memref<2x64xi32, #tpu.memory_space<vmem>>)
      tpu.yield
    }) : () -> ()
    %scan3A_27 = arith.constant 0 : i32
    %scan3A_28 = arith.constant 4 : i32
    %scan3A_29 = arith.addi %scan3A_27, %scan3A_28 : i32
    %scan3A_30 = arith.constant 1 : i32
    scf.for %scan3A_103 = %scan3A_27 to %scan3A_29 step %scan3A_30  : i32 {
      %mul3A_104 = arith.constant 16 : i32
      %mul3A_105 = arith.muli %scan3A_103, %mul3A_104 : i32
      %add3A_106 = arith.constant 0 : i32
      %add3A_107 = arith.addi %add3A_106, %mul3A_105 : i32
      %get3A = arith.constant 0 : i32
      %get3A_108 = arith.index_cast %get3A : i32 to index
      %get3A_109 = arith.index_cast %add3A_107 : i32 to index
      %get3A_110 = tpu.vector_load %arg6[%get3A_108, %get3A_109] {strides = array<i32>} : memref<2x64xi32, #tpu.memory_space<vmem>>, vector<1x16xi32>,
      %get3A_111 = vector.shape_cast %get3A_110 : vector<1x16xi32> to vector<16xi32>
      %add3A_112 = vector.broadcast %mul3A_0 : i32 to vector<16xi32>
      %add3A_113 = arith.addi %get3A_111, %add3A_112 : vector<16xi32>
      %swap3A = arith.constant 0 : i32
      %swap3A_114 = arith.index_cast %swap3A : i32 to index
      %swap3A_115 = arith.index_cast %add3A_107 : i32 to index
      %swap3A_116 = tpu.vector_load %arg6[%swap3A_114, %swap3A_115] {strides = array<i32>} : memref<2x64xi32, #tpu.memory_space<vmem>>, vector<1x16xi32>,
      %swap3A_117 = vector.shape_cast %swap3A_116 : vector<1x16xi32> to vector<16xi32>
      %swap3A_118 = vector.shape_cast %add3A_113 : vector<16xi32> to vector<1x16xi32>
      tpu.vector_store %arg6[%swap3A_114, %swap3A_115], %swap3A_118 {strides = array<i32>} : memref<2x64xi32, #tpu.memory_space<vmem>>, vector<1x16xi32>,
    }
    %scan3A_31 = arith.constant 4 : i32
    %eq3A = arith.constant 0 : i32
    %eq3A_32 = arith.cmpi eq, %arg0, %eq3A : i32
    %xor3A = arith.constant false
    %xor3A_33 = arith.xori %xor3A, %eq3A_32 : i1
    %convert_element_type3A = arith.extui %xor3A_33 : i1 to i32
    %cond3A = arith.constant 0 : i32
    %cond3A_34 = arith.cmpi ne, %convert_element_type3A, %cond3A : i32
    scf.if %cond3A_34 {
      %run_scoped3A_103 = arith.constant 1 : i32
      "tpu.region"() ({
        %run_scoped3A_104 = tpu.sem_alloc : memref<!tpu.dma_semaphore, #tpu.memory_space<semaphore_mem>>
        %dma_start3A_105 = arith.constant 0 : i32
        %dma_start3A_106 = tpu.memref_slice %arg6[%run_scoped3A_103, %dma_start3A_105] : memref<2x64xi32, #tpu.memory_space<vmem>> -> memref<1x64xi32, #tpu.memory_space<vmem>>
        %dma_start3A_107 = tpu.memref_squeeze %dma_start3A_106 : memref<1x64xi32, #tpu.memory_space<vmem>> -> memref<64xi32, #tpu.memory_space<vmem>>
        %dma_start3A_108 = arith.constant 0 : i32
        %dma_start3A_109 = tpu.memref_slice %arg15[%dma_start3A_108] : memref<10112xf32, #tpu.memory_space<vmem_shared>> -> memref<10112xf32, #tpu.memory_space<vmem_shared>>
        tpu.enqueue_indirect_dma source(%arg13 : memref<64xf32, #tpu.memory_space<vmem>>) target(%dma_start3A_109 : memref<10112xf32, #tpu.memory_space<vmem_shared>>) offsets(%dma_start3A_107 : memref<64xi32, #tpu.memory_space<vmem>>) semaphore(%run_scoped3A_104 : memref<!tpu.dma_semaphore, #tpu.memory_space<semaphore_mem>>) {add = true}
        %dma_wait3A_110 = arith.constant 0 : i32
        %dma_wait3A_111 = tpu.memref_slice %arg6[%run_scoped3A_103, %dma_wait3A_110] : memref<2x64xi32, #tpu.memory_space<vmem>> -> memref<1x64xi32, #tpu.memory_space<vmem>>
        %dma_wait3A_112 = tpu.memref_squeeze %dma_wait3A_111 : memref<1x64xi32, #tpu.memory_space<vmem>> -> memref<64xi32, #tpu.memory_space<vmem>>
        %dma_wait3A_113 = arith.constant 0 : i32
        %dma_wait3A_114 = tpu.memref_slice %arg15[%dma_wait3A_113] : memref<10112xf32, #tpu.memory_space<vmem_shared>> -> memref<10112xf32, #tpu.memory_space<vmem_shared>>
        tpu.wait_indirect_dma semaphore(%run_scoped3A_104 : memref<!tpu.dma_semaphore, #tpu.memory_space<semaphore_mem>>) src(%arg13 : memref<64xf32, #tpu.memory_space<vmem>>) dst(%dma_wait3A_114 : memref<10112xf32, #tpu.memory_space<vmem_shared>>)
        tpu.yield
      }) : () -> ()
    } else {
    }
    %dma_start3A = arith.constant 0 : i32
    %dma_start3A_35 = arith.constant 0 : i32
    %dma_start3A_36 = tpu.memref_slice %arg6[%dma_start3A, %dma_start3A_35] : memref<2x64xi32, #tpu.memory_space<vmem>> -> memref<1x64xi32, #tpu.memory_space<vmem>>
    %dma_start3A_37 = tpu.memref_squeeze %dma_start3A_36 : memref<1x64xi32, #tpu.memory_space<vmem>> -> memref<64xi32, #tpu.memory_space<vmem>>
    %dma_start3A_38 = arith.constant 0 : i32
    %dma_start3A_39 = arith.constant 0 : i32
    %dma_start3A_40 = tpu.memref_slice %arg2[%dma_start3A_38, %dma_start3A_39] : memref<20000x128xf32, #tpu.memory_space<hbm>> -> memref<20000x128xf32, #tpu.memory_space<hbm>>
    tpu.enqueue_indirect_dma source(%dma_start3A_40 : memref<20000x128xf32, #tpu.memory_space<hbm>>) target(%arg8 : memref<64x128xf32, #tpu.memory_space<vmem>>) offsets(%dma_start3A_37 : memref<64xi32, #tpu.memory_space<vmem>>) semaphore(%arg11 : memref<!tpu.dma_semaphore, #tpu.memory_space<semaphore_mem>>)
    %add3A_41 = arith.constant 1 : i32
    %add3A_42 = arith.addi %mul3A_24, %add3A_41 : i32
    "tpu.region"() ({
      %run_scoped3A_103 = tpu.sem_alloc : memref<!tpu.dma_semaphore, #tpu.memory_space<semaphore_mem>>
      %dma_start3A_104 = arith.constant 0 : i32
      %dma_start3A_105 = arith.constant 0 : i32
      %dma_start3A_106 = tpu.memref_slice %arg3[%add3A_42, %dma_start3A_104, %dma_start3A_105] : memref<2528x2x64xi32, #tpu.memory_space<hbm>> -> memref<1x2x64xi32, #tpu.memory_space<hbm>>
      %dma_start3A_107 = tpu.memref_squeeze %dma_start3A_106 : memref<1x2x64xi32, #tpu.memory_space<hbm>> -> memref<2x64xi32, #tpu.memory_space<hbm>>
      %dma_start3A_108 = arith.constant 0 : i32
      %dma_start3A_109 = arith.constant 0 : i32
      %dma_start3A_110 = tpu.memref_slice %arg3[%add3A_42, %dma_start3A_108, %dma_start3A_109] : memref<2528x2x64xi32, #tpu.memory_space<hbm>> -> memref<1x2x64xi32, #tpu.memory_space<hbm>>
      %dma_start3A_111 = tpu.memref_squeeze %dma_start3A_110 : memref<1x2x64xi32, #tpu.memory_space<hbm>> -> memref<2x64xi32, #tpu.memory_space<hbm>>
      tpu.enqueue_dma source(%dma_start3A_111 : memref<2x64xi32, #tpu.memory_space<hbm>>) target(%arg7 : memref<2x64xi32, #tpu.memory_space<vmem>>) target_semaphore(%run_scoped3A_103 : memref<!tpu.dma_semaphore, #tpu.memory_space<semaphore_mem>>)
      %dma_wait3A_112 = arith.constant 0 : i32
      %dma_wait3A_113 = arith.constant 0 : i32
      %dma_wait3A_114 = tpu.memref_slice %arg3[%add3A_42, %dma_wait3A_112, %dma_wait3A_113] : memref<2528x2x64xi32, #tpu.memory_space<hbm>> -> memref<1x2x64xi32, #tpu.memory_space<hbm>>
      %dma_wait3A_115 = tpu.memref_squeeze %dma_wait3A_114 : memref<1x2x64xi32, #tpu.memory_space<hbm>> -> memref<2x64xi32, #tpu.memory_space<hbm>>
      %dma_wait3A_116 = arith.constant 0 : i32
      %dma_wait3A_117 = arith.constant 0 : i32
      %dma_wait3A_118 = tpu.memref_slice %arg3[%add3A_42, %dma_wait3A_116, %dma_wait3A_117] : memref<2528x2x64xi32, #tpu.memory_space<hbm>> -> memref<1x2x64xi32, #tpu.memory_space<hbm>>
      %dma_wait3A_119 = tpu.memref_squeeze %dma_wait3A_118 : memref<1x2x64xi32, #tpu.memory_space<hbm>> -> memref<2x64xi32, #tpu.memory_space<hbm>>
      tpu.wait_dma2 semaphore(%run_scoped3A_103 : memref<!tpu.dma_semaphore, #tpu.memory_space<semaphore_mem>>) src(%dma_wait3A_119 : memref<2x64xi32, #tpu.memory_space<hbm>>) dst(%arg7 : memref<2x64xi32, #tpu.memory_space<vmem>>)
      tpu.yield
    }) : () -> ()
    %scan3A_43 = arith.constant 0 : i32
    %scan3A_44 = arith.constant 4 : i32
    %scan3A_45 = arith.addi %scan3A_43, %scan3A_44 : i32
    %scan3A_46 = arith.constant 1 : i32
    scf.for %scan3A_103 = %scan3A_43 to %scan3A_45 step %scan3A_46  : i32 {
      %mul3A_104 = arith.constant 16 : i32
      %mul3A_105 = arith.muli %scan3A_103, %mul3A_104 : i32
      %add3A_106 = arith.constant 0 : i32
      %add3A_107 = arith.addi %add3A_106, %mul3A_105 : i32
      %get3A = arith.constant 0 : i32
      %get3A_108 = arith.index_cast %get3A : i32 to index
      %get3A_109 = arith.index_cast %add3A_107 : i32 to index
      %get3A_110 = tpu.vector_load %arg7[%get3A_108, %get3A_109] {strides = array<i32>} : memref<2x64xi32, #tpu.memory_space<vmem>>, vector<1x16xi32>,
      %get3A_111 = vector.shape_cast %get3A_110 : vector<1x16xi32> to vector<16xi32>
      %add3A_112 = vector.broadcast %mul3A_0 : i32 to vector<16xi32>
      %add3A_113 = arith.addi %get3A_111, %add3A_112 : vector<16xi32>
      %swap3A = arith.constant 0 : i32
      %swap3A_114 = arith.index_cast %swap3A : i32 to index
      %swap3A_115 = arith.index_cast %add3A_107 : i32 to index
      %swap3A_116 = tpu.vector_load %arg7[%swap3A_114, %swap3A_115] {strides = array<i32>} : memref<2x64xi32, #tpu.memory_space<vmem>>, vector<1x16xi32>,
      %swap3A_117 = vector.shape_cast %swap3A_116 : vector<1x16xi32> to vector<16xi32>
      %swap3A_118 = vector.shape_cast %add3A_113 : vector<16xi32> to vector<1x16xi32>
      tpu.vector_store %arg7[%swap3A_114, %swap3A_115], %swap3A_118 {strides = array<i32>} : memref<2x64xi32, #tpu.memory_space<vmem>>, vector<1x16xi32>,
    }
    %scan3A_47 = arith.constant 4 : i32
    %eq3A_48 = arith.constant 0 : i32
    %eq3A_49 = arith.cmpi eq, %arg0, %eq3A_48 : i32
    %xor3A_50 = arith.constant false
    %xor3A_51 = arith.xori %xor3A_50, %eq3A_49 : i1
    %convert_element_type3A_52 = arith.extui %xor3A_51 : i1 to i32
    %cond3A_53 = arith.constant 0 : i32
    %cond3A_54 = arith.cmpi ne, %convert_element_type3A_52, %cond3A_53 : i32
    scf.if %cond3A_54 {
      %run_scoped3A_103 = arith.constant 1 : i32
      "tpu.region"() ({
        %run_scoped3A_104 = tpu.sem_alloc : memref<!tpu.dma_semaphore, #tpu.memory_space<semaphore_mem>>
        %dma_start3A_105 = arith.constant 0 : i32
        %dma_start3A_106 = tpu.memref_slice %arg7[%run_scoped3A_103, %dma_start3A_105] : memref<2x64xi32, #tpu.memory_space<vmem>> -> memref<1x64xi32, #tpu.memory_space<vmem>>
        %dma_start3A_107 = tpu.memref_squeeze %dma_start3A_106 : memref<1x64xi32, #tpu.memory_space<vmem>> -> memref<64xi32, #tpu.memory_space<vmem>>
        %dma_start3A_108 = arith.constant 0 : i32
        %dma_start3A_109 = tpu.memref_slice %arg15[%dma_start3A_108] : memref<10112xf32, #tpu.memory_space<vmem_shared>> -> memref<10112xf32, #tpu.memory_space<vmem_shared>>
        tpu.enqueue_indirect_dma source(%arg13 : memref<64xf32, #tpu.memory_space<vmem>>) target(%dma_start3A_109 : memref<10112xf32, #tpu.memory_space<vmem_shared>>) offsets(%dma_start3A_107 : memref<64xi32, #tpu.memory_space<vmem>>) semaphore(%run_scoped3A_104 : memref<!tpu.dma_semaphore, #tpu.memory_space<semaphore_mem>>) {add = true}
        %dma_wait3A_110 = arith.constant 0 : i32
        %dma_wait3A_111 = tpu.memref_slice %arg7[%run_scoped3A_103, %dma_wait3A_110] : memref<2x64xi32, #tpu.memory_space<vmem>> -> memref<1x64xi32, #tpu.memory_space<vmem>>
        %dma_wait3A_112 = tpu.memref_squeeze %dma_wait3A_111 : memref<1x64xi32, #tpu.memory_space<vmem>> -> memref<64xi32, #tpu.memory_space<vmem>>
        %dma_wait3A_113 = arith.constant 0 : i32
        %dma_wait3A_114 = tpu.memref_slice %arg15[%dma_wait3A_113] : memref<10112xf32, #tpu.memory_space<vmem_shared>> -> memref<10112xf32, #tpu.memory_space<vmem_shared>>
        tpu.wait_indirect_dma semaphore(%run_scoped3A_104 : memref<!tpu.dma_semaphore, #tpu.memory_space<semaphore_mem>>) src(%arg13 : memref<64xf32, #tpu.memory_space<vmem>>) dst(%dma_wait3A_114 : memref<10112xf32, #tpu.memory_space<vmem_shared>>)
        tpu.yield
      }) : () -> ()
    } else {
    }
    %dma_start3A_55 = arith.constant 0 : i32
    %dma_start3A_56 = arith.constant 0 : i32
    %dma_start3A_57 = tpu.memref_slice %arg7[%dma_start3A_55, %dma_start3A_56] : memref<2x64xi32, #tpu.memory_space<vmem>> -> memref<1x64xi32, #tpu.memory_space<vmem>>
    %dma_start3A_58 = tpu.memref_squeeze %dma_start3A_57 : memref<1x64xi32, #tpu.memory_space<vmem>> -> memref<64xi32, #tpu.memory_space<vmem>>
    %dma_start3A_59 = arith.constant 0 : i32
    %dma_start3A_60 = arith.constant 0 : i32
    %dma_start3A_61 = tpu.memref_slice %arg2[%dma_start3A_59, %dma_start3A_60] : memref<20000x128xf32, #tpu.memory_space<hbm>> -> memref<20000x128xf32, #tpu.memory_space<hbm>>
    tpu.enqueue_indirect_dma source(%dma_start3A_61 : memref<20000x128xf32, #tpu.memory_space<hbm>>) target(%arg9 : memref<64x128xf32, #tpu.memory_space<vmem>>) offsets(%dma_start3A_58 : memref<64xi32, #tpu.memory_space<vmem>>) semaphore(%arg12 : memref<!tpu.dma_semaphore, #tpu.memory_space<semaphore_mem>>)
    %scan3A_62 = arith.constant 0 : i32
    %scan3A_63 = arith.constant 78 : i32
    %scan3A_64 = arith.addi %scan3A_62, %scan3A_63 : i32
    %scan3A_65 = arith.constant 1 : i32
    scf.for %scan3A_103 = %scan3A_62 to %scan3A_64 step %scan3A_65  : i32 {
      %mul3A_104 = arith.constant 1 : i32
      %mul3A_105 = arith.muli %scan3A_103, %mul3A_104 : i32
      %add3A_106 = arith.constant 0 : i32
      %add3A_107 = arith.addi %add3A_106, %mul3A_105 : i32
      %mul3A_108 = arith.constant 2 : i32
      %mul3A_109 = arith.muli %mul3A_108, %add3A_107 : i32
      %dma_wait3A_110 = arith.constant 0 : i32
      %dma_wait3A_111 = arith.constant 0 : i32
      %dma_wait3A_112 = tpu.memref_slice %arg6[%dma_wait3A_110, %dma_wait3A_111] : memref<2x64xi32, #tpu.memory_space<vmem>> -> memref<1x64xi32, #tpu.memory_space<vmem>>
      %dma_wait3A_113 = tpu.memref_squeeze %dma_wait3A_112 : memref<1x64xi32, #tpu.memory_space<vmem>> -> memref<64xi32, #tpu.memory_space<vmem>>
      %dma_wait3A_114 = arith.constant 0 : i32
      %dma_wait3A_115 = arith.constant 0 : i32
      %dma_wait3A_116 = tpu.memref_slice %arg2[%dma_wait3A_114, %dma_wait3A_115] : memref<20000x128xf32, #tpu.memory_space<hbm>> -> memref<20000x128xf32, #tpu.memory_space<hbm>>
      tpu.wait_indirect_dma semaphore(%arg11 : memref<!tpu.dma_semaphore, #tpu.memory_space<semaphore_mem>>) src(%dma_wait3A_116 : memref<20000x128xf32, #tpu.memory_space<hbm>>) dst(%arg8 : memref<64x128xf32, #tpu.memory_space<vmem>>)
      %run_scoped3A_117 = arith.constant 1 : i32
      "tpu.region"() ({
        %run_scoped3A_171 = tpu.sem_alloc : memref<!tpu.dma_semaphore, #tpu.memory_space<semaphore_mem>>
        %dma_start3A_172 = arith.constant 0 : i32
        %dma_start3A_173 = tpu.memref_slice %arg6[%run_scoped3A_117, %dma_start3A_172] : memref<2x64xi32, #tpu.memory_space<vmem>> -> memref<1x64xi32, #tpu.memory_space<vmem>>
        %dma_start3A_174 = tpu.memref_squeeze %dma_start3A_173 : memref<1x64xi32, #tpu.memory_space<vmem>> -> memref<64xi32, #tpu.memory_space<vmem>>
        %dma_start3A_175 = arith.constant 0 : i32
        %dma_start3A_176 = arith.constant 0 : i32
        %dma_start3A_177 = tpu.memref_slice %arg10[%dma_start3A_175, %dma_start3A_176] : memref<10112x128xf32, #tpu.memory_space<vmem_shared>> -> memref<10112x128xf32, #tpu.memory_space<vmem_shared>>
        tpu.enqueue_indirect_dma source(%arg8 : memref<64x128xf32, #tpu.memory_space<vmem>>) target(%dma_start3A_177 : memref<10112x128xf32, #tpu.memory_space<vmem_shared>>) offsets(%dma_start3A_174 : memref<64xi32, #tpu.memory_space<vmem>>) semaphore(%run_scoped3A_171 : memref<!tpu.dma_semaphore, #tpu.memory_space<semaphore_mem>>) {add = true}
        %dma_wait3A_178 = arith.constant 0 : i32
        %dma_wait3A_179 = tpu.memref_slice %arg6[%run_scoped3A_117, %dma_wait3A_178] : memref<2x64xi32, #tpu.memory_space<vmem>> -> memref<1x64xi32, #tpu.memory_space<vmem>>
        %dma_wait3A_180 = tpu.memref_squeeze %dma_wait3A_179 : memref<1x64xi32, #tpu.memory_space<vmem>> -> memref<64xi32, #tpu.memory_space<vmem>>
        %dma_wait3A_181 = arith.constant 0 : i32
        %dma_wait3A_182 = arith.constant 0 : i32
        %dma_wait3A_183 = tpu.memref_slice %arg10[%dma_wait3A_181, %dma_wait3A_182] : memref<10112x128xf32, #tpu.memory_space<vmem_shared>> -> memref<10112x128xf32, #tpu.memory_space<vmem_shared>>
        tpu.wait_indirect_dma semaphore(%run_scoped3A_171 : memref<!tpu.dma_semaphore, #tpu.memory_space<semaphore_mem>>) src(%arg8 : memref<64x128xf32, #tpu.memory_space<vmem>>) dst(%dma_wait3A_183 : memref<10112x128xf32, #tpu.memory_space<vmem_shared>>)
        tpu.yield
      }) : () -> ()
      %add3A_118 = arith.constant 2 : i32
      %add3A_119 = arith.addi %mul3A_109, %add3A_118 : i32
      %add3A_120 = arith.addi %mul3A_24, %add3A_119 : i32
      "tpu.region"() ({
        %run_scoped3A_171 = tpu.sem_alloc : memref<!tpu.dma_semaphore, #tpu.memory_space<semaphore_mem>>
        %dma_start3A_172 = arith.constant 0 : i32
        %dma_start3A_173 = arith.constant 0 : i32
        %dma_start3A_174 = tpu.memref_slice %arg3[%add3A_120, %dma_start3A_172, %dma_start3A_173] : memref<2528x2x64xi32, #tpu.memory_space<hbm>> -> memref<1x2x64xi32, #tpu.memory_space<hbm>>
        %dma_start3A_175 = tpu.memref_squeeze %dma_start3A_174 : memref<1x2x64xi32, #tpu.memory_space<hbm>> -> memref<2x64xi32, #tpu.memory_space<hbm>>
        %dma_start3A_176 = arith.constant 0 : i32
        %dma_start3A_177 = arith.constant 0 : i32
        %dma_start3A_178 = tpu.memref_slice %arg3[%add3A_120, %dma_start3A_176, %dma_start3A_177] : memref<2528x2x64xi32, #tpu.memory_space<hbm>> -> memref<1x2x64xi32, #tpu.memory_space<hbm>>
        %dma_start3A_179 = tpu.memref_squeeze %dma_start3A_178 : memref<1x2x64xi32, #tpu.memory_space<hbm>> -> memref<2x64xi32, #tpu.memory_space<hbm>>
        tpu.enqueue_dma source(%dma_start3A_179 : memref<2x64xi32, #tpu.memory_space<hbm>>) target(%arg6 : memref<2x64xi32, #tpu.memory_space<vmem>>) target_semaphore(%run_scoped3A_171 : memref<!tpu.dma_semaphore, #tpu.memory_space<semaphore_mem>>)
        %dma_wait3A_180 = arith.constant 0 : i32
        %dma_wait3A_181 = arith.constant 0 : i32
        %dma_wait3A_182 = tpu.memref_slice %arg3[%add3A_120, %dma_wait3A_180, %dma_wait3A_181] : memref<2528x2x64xi32, #tpu.memory_space<hbm>> -> memref<1x2x64xi32, #tpu.memory_space<hbm>>
        %dma_wait3A_183 = tpu.memref_squeeze %dma_wait3A_182 : memref<1x2x64xi32, #tpu.memory_space<hbm>> -> memref<2x64xi32, #tpu.memory_space<hbm>>
        %dma_wait3A_184 = arith.constant 0 : i32
        %dma_wait3A_185 = arith.constant 0 : i32
        %dma_wait3A_186 = tpu.memref_slice %arg3[%add3A_120, %dma_wait3A_184, %dma_wait3A_185] : memref<2528x2x64xi32, #tpu.memory_space<hbm>> -> memref<1x2x64xi32, #tpu.memory_space<hbm>>
        %dma_wait3A_187 = tpu.memref_squeeze %dma_wait3A_186 : memref<1x2x64xi32, #tpu.memory_space<hbm>> -> memref<2x64xi32, #tpu.memory_space<hbm>>
        tpu.wait_dma2 semaphore(%run_scoped3A_171 : memref<!tpu.dma_semaphore, #tpu.memory_space<semaphore_mem>>) src(%dma_wait3A_187 : memref<2x64xi32, #tpu.memory_space<hbm>>) dst(%arg6 : memref<2x64xi32, #tpu.memory_space<vmem>>)
        tpu.yield
      }) : () -> ()
      %scan3A_121 = arith.constant 0 : i32
      %scan3A_122 = arith.constant 4 : i32
      %scan3A_123 = arith.addi %scan3A_121, %scan3A_122 : i32
      %scan3A_124 = arith.constant 1 : i32
      scf.for %scan3A_171 = %scan3A_121 to %scan3A_123 step %scan3A_124  : i32 {
        %mul3A_172 = arith.constant 16 : i32
        %mul3A_173 = arith.muli %scan3A_171, %mul3A_172 : i32
        %add3A_174 = arith.constant 0 : i32
        %add3A_175 = arith.addi %add3A_174, %mul3A_173 : i32
        %get3A = arith.constant 0 : i32
        %get3A_176 = arith.index_cast %get3A : i32 to index
        %get3A_177 = arith.index_cast %add3A_175 : i32 to index
        %get3A_178 = tpu.vector_load %arg6[%get3A_176, %get3A_177] {strides = array<i32>} : memref<2x64xi32, #tpu.memory_space<vmem>>, vector<1x16xi32>,
        %get3A_179 = vector.shape_cast %get3A_178 : vector<1x16xi32> to vector<16xi32>
        %add3A_180 = vector.broadcast %mul3A_0 : i32 to vector<16xi32>
        %add3A_181 = arith.addi %get3A_179, %add3A_180 : vector<16xi32>
        %swap3A = arith.constant 0 : i32
        %swap3A_182 = arith.index_cast %swap3A : i32 to index
        %swap3A_183 = arith.index_cast %add3A_175 : i32 to index
        %swap3A_184 = tpu.vector_load %arg6[%swap3A_182, %swap3A_183] {strides = array<i32>} : memref<2x64xi32, #tpu.memory_space<vmem>>, vector<1x16xi32>,
        %swap3A_185 = vector.shape_cast %swap3A_184 : vector<1x16xi32> to vector<16xi32>
        %swap3A_186 = vector.shape_cast %add3A_181 : vector<16xi32> to vector<1x16xi32>
        tpu.vector_store %arg6[%swap3A_182, %swap3A_183], %swap3A_186 {strides = array<i32>} : memref<2x64xi32, #tpu.memory_space<vmem>>, vector<1x16xi32>,
      }
      %scan3A_125 = arith.constant 4 : i32
      %ge3A = arith.constant 79 : i32
      %ge3A_126 = arith.cmpi sge, %add3A_119, %ge3A : i32
      %eq3A_127 = arith.constant 0 : i32
      %eq3A_128 = arith.cmpi eq, %arg0, %eq3A_127 : i32
      %xor3A_129 = arith.xori %ge3A_126, %eq3A_128 : i1
      %convert_element_type3A_130 = arith.extui %xor3A_129 : i1 to i32
      %cond3A_131 = arith.constant 0 : i32
      %cond3A_132 = arith.cmpi ne, %convert_element_type3A_130, %cond3A_131 : i32
      scf.if %cond3A_132 {
        %run_scoped3A_171 = arith.constant 1 : i32
        "tpu.region"() ({
          %run_scoped3A_172 = tpu.sem_alloc : memref<!tpu.dma_semaphore, #tpu.memory_space<semaphore_mem>>
          %dma_start3A_173 = arith.constant 0 : i32
          %dma_start3A_174 = tpu.memref_slice %arg6[%run_scoped3A_171, %dma_start3A_173] : memref<2x64xi32, #tpu.memory_space<vmem>> -> memref<1x64xi32, #tpu.memory_space<vmem>>
          %dma_start3A_175 = tpu.memref_squeeze %dma_start3A_174 : memref<1x64xi32, #tpu.memory_space<vmem>> -> memref<64xi32, #tpu.memory_space<vmem>>
          %dma_start3A_176 = arith.constant 0 : i32
          %dma_start3A_177 = tpu.memref_slice %arg15[%dma_start3A_176] : memref<10112xf32, #tpu.memory_space<vmem_shared>> -> memref<10112xf32, #tpu.memory_space<vmem_shared>>
          tpu.enqueue_indirect_dma source(%arg13 : memref<64xf32, #tpu.memory_space<vmem>>) target(%dma_start3A_177 : memref<10112xf32, #tpu.memory_space<vmem_shared>>) offsets(%dma_start3A_175 : memref<64xi32, #tpu.memory_space<vmem>>) semaphore(%run_scoped3A_172 : memref<!tpu.dma_semaphore, #tpu.memory_space<semaphore_mem>>) {add = true}
          %dma_wait3A_178 = arith.constant 0 : i32
          %dma_wait3A_179 = tpu.memref_slice %arg6[%run_scoped3A_171, %dma_wait3A_178] : memref<2x64xi32, #tpu.memory_space<vmem>> -> memref<1x64xi32, #tpu.memory_space<vmem>>
          %dma_wait3A_180 = tpu.memref_squeeze %dma_wait3A_179 : memref<1x64xi32, #tpu.memory_space<vmem>> -> memref<64xi32, #tpu.memory_space<vmem>>
          %dma_wait3A_181 = arith.constant 0 : i32
          %dma_wait3A_182 = tpu.memref_slice %arg15[%dma_wait3A_181] : memref<10112xf32, #tpu.memory_space<vmem_shared>> -> memref<10112xf32, #tpu.memory_space<vmem_shared>>
          tpu.wait_indirect_dma semaphore(%run_scoped3A_172 : memref<!tpu.dma_semaphore, #tpu.memory_space<semaphore_mem>>) src(%arg13 : memref<64xf32, #tpu.memory_space<vmem>>) dst(%dma_wait3A_182 : memref<10112xf32, #tpu.memory_space<vmem_shared>>)
          tpu.yield
        }) : () -> ()
      } else {
      }
      %dma_start3A_133 = arith.constant 0 : i32
      %dma_start3A_134 = arith.constant 0 : i32
      %dma_start3A_135 = tpu.memref_slice %arg6[%dma_start3A_133, %dma_start3A_134] : memref<2x64xi32, #tpu.memory_space<vmem>> -> memref<1x64xi32, #tpu.memory_space<vmem>>
      %dma_start3A_136 = tpu.memref_squeeze %dma_start3A_135 : memref<1x64xi32, #tpu.memory_space<vmem>> -> memref<64xi32, #tpu.memory_space<vmem>>
      %dma_start3A_137 = arith.constant 0 : i32
      %dma_start3A_138 = arith.constant 0 : i32
      %dma_start3A_139 = tpu.memref_slice %arg2[%dma_start3A_137, %dma_start3A_138] : memref<20000x128xf32, #tpu.memory_space<hbm>> -> memref<20000x128xf32, #tpu.memory_space<hbm>>
      tpu.enqueue_indirect_dma source(%dma_start3A_139 : memref<20000x128xf32, #tpu.memory_space<hbm>>) target(%arg8 : memref<64x128xf32, #tpu.memory_space<vmem>>) offsets(%dma_start3A_136 : memref<64xi32, #tpu.memory_space<vmem>>) semaphore(%arg11 : memref<!tpu.dma_semaphore, #tpu.memory_space<semaphore_mem>>)
      %dma_wait3A_140 = arith.constant 0 : i32
      %dma_wait3A_141 = arith.constant 0 : i32
      %dma_wait3A_142 = tpu.memref_slice %arg7[%dma_wait3A_140, %dma_wait3A_141] : memref<2x64xi32, #tpu.memory_space<vmem>> -> memref<1x64xi32, #tpu.memory_space<vmem>>
      %dma_wait3A_143 = tpu.memref_squeeze %dma_wait3A_142 : memref<1x64xi32, #tpu.memory_space<vmem>> -> memref<64xi32, #tpu.memory_space<vmem>>
      %dma_wait3A_144 = arith.constant 0 : i32
      %dma_wait3A_145 = arith.constant 0 : i32
      %dma_wait3A_146 = tpu.memref_slice %arg2[%dma_wait3A_144, %dma_wait3A_145] : memref<20000x128xf32, #tpu.memory_space<hbm>> -> memref<20000x128xf32, #tpu.memory_space<hbm>>
      tpu.wait_indirect_dma semaphore(%arg12 : memref<!tpu.dma_semaphore, #tpu.memory_space<semaphore_mem>>) src(%dma_wait3A_146 : memref<20000x128xf32, #tpu.memory_space<hbm>>) dst(%arg9 : memref<64x128xf32, #tpu.memory_space<vmem>>)
      %run_scoped3A_147 = arith.constant 1 : i32
      "tpu.region"() ({
        %run_scoped3A_171 = tpu.sem_alloc : memref<!tpu.dma_semaphore, #tpu.memory_space<semaphore_mem>>
        %dma_start3A_172 = arith.constant 0 : i32
        %dma_start3A_173 = tpu.memref_slice %arg7[%run_scoped3A_147, %dma_start3A_172] : memref<2x64xi32, #tpu.memory_space<vmem>> -> memref<1x64xi32, #tpu.memory_space<vmem>>
        %dma_start3A_174 = tpu.memref_squeeze %dma_start3A_173 : memref<1x64xi32, #tpu.memory_space<vmem>> -> memref<64xi32, #tpu.memory_space<vmem>>
        %dma_start3A_175 = arith.constant 0 : i32
        %dma_start3A_176 = arith.constant 0 : i32
        %dma_start3A_177 = tpu.memref_slice %arg10[%dma_start3A_175, %dma_start3A_176] : memref<10112x128xf32, #tpu.memory_space<vmem_shared>> -> memref<10112x128xf32, #tpu.memory_space<vmem_shared>>
        tpu.enqueue_indirect_dma source(%arg9 : memref<64x128xf32, #tpu.memory_space<vmem>>) target(%dma_start3A_177 : memref<10112x128xf32, #tpu.memory_space<vmem_shared>>) offsets(%dma_start3A_174 : memref<64xi32, #tpu.memory_space<vmem>>) semaphore(%run_scoped3A_171 : memref<!tpu.dma_semaphore, #tpu.memory_space<semaphore_mem>>) {add = true}
        %dma_wait3A_178 = arith.constant 0 : i32
        %dma_wait3A_179 = tpu.memref_slice %arg7[%run_scoped3A_147, %dma_wait3A_178] : memref<2x64xi32, #tpu.memory_space<vmem>> -> memref<1x64xi32, #tpu.memory_space<vmem>>
        %dma_wait3A_180 = tpu.memref_squeeze %dma_wait3A_179 : memref<1x64xi32, #tpu.memory_space<vmem>> -> memref<64xi32, #tpu.memory_space<vmem>>
        %dma_wait3A_181 = arith.constant 0 : i32
        %dma_wait3A_182 = arith.constant 0 : i32
        %dma_wait3A_183 = tpu.memref_slice %arg10[%dma_wait3A_181, %dma_wait3A_182] : memref<10112x128xf32, #tpu.memory_space<vmem_shared>> -> memref<10112x128xf32, #tpu.memory_space<vmem_shared>>
        tpu.wait_indirect_dma semaphore(%run_scoped3A_171 : memref<!tpu.dma_semaphore, #tpu.memory_space<semaphore_mem>>) src(%arg9 : memref<64x128xf32, #tpu.memory_space<vmem>>) dst(%dma_wait3A_183 : memref<10112x128xf32, #tpu.memory_space<vmem_shared>>)
        tpu.yield
      }) : () -> ()
      %add3A_148 = arith.constant 3 : i32
      %add3A_149 = arith.addi %mul3A_109, %add3A_148 : i32
      %add3A_150 = arith.addi %mul3A_24, %add3A_149 : i32
      "tpu.region"() ({
        %run_scoped3A_171 = tpu.sem_alloc : memref<!tpu.dma_semaphore, #tpu.memory_space<semaphore_mem>>
        %dma_start3A_172 = arith.constant 0 : i32
        %dma_start3A_173 = arith.constant 0 : i32
        %dma_start3A_174 = tpu.memref_slice %arg3[%add3A_150, %dma_start3A_172, %dma_start3A_173] : memref<2528x2x64xi32, #tpu.memory_space<hbm>> -> memref<1x2x64xi32, #tpu.memory_space<hbm>>
        %dma_start3A_175 = tpu.memref_squeeze %dma_start3A_174 : memref<1x2x64xi32, #tpu.memory_space<hbm>> -> memref<2x64xi32, #tpu.memory_space<hbm>>
        %dma_start3A_176 = arith.constant 0 : i32
        %dma_start3A_177 = arith.constant 0 : i32
        %dma_start3A_178 = tpu.memref_slice %arg3[%add3A_150, %dma_start3A_176, %dma_start3A_177] : memref<2528x2x64xi32, #tpu.memory_space<hbm>> -> memref<1x2x64xi32, #tpu.memory_space<hbm>>
        %dma_start3A_179 = tpu.memref_squeeze %dma_start3A_178 : memref<1x2x64xi32, #tpu.memory_space<hbm>> -> memref<2x64xi32, #tpu.memory_space<hbm>>
        tpu.enqueue_dma source(%dma_start3A_179 : memref<2x64xi32, #tpu.memory_space<hbm>>) target(%arg7 : memref<2x64xi32, #tpu.memory_space<vmem>>) target_semaphore(%run_scoped3A_171 : memref<!tpu.dma_semaphore, #tpu.memory_space<semaphore_mem>>)
        %dma_wait3A_180 = arith.constant 0 : i32
        %dma_wait3A_181 = arith.constant 0 : i32
        %dma_wait3A_182 = tpu.memref_slice %arg3[%add3A_150, %dma_wait3A_180, %dma_wait3A_181] : memref<2528x2x64xi32, #tpu.memory_space<hbm>> -> memref<1x2x64xi32, #tpu.memory_space<hbm>>
        %dma_wait3A_183 = tpu.memref_squeeze %dma_wait3A_182 : memref<1x2x64xi32, #tpu.memory_space<hbm>> -> memref<2x64xi32, #tpu.memory_space<hbm>>
        %dma_wait3A_184 = arith.constant 0 : i32
        %dma_wait3A_185 = arith.constant 0 : i32
        %dma_wait3A_186 = tpu.memref_slice %arg3[%add3A_150, %dma_wait3A_184, %dma_wait3A_185] : memref<2528x2x64xi32, #tpu.memory_space<hbm>> -> memref<1x2x64xi32, #tpu.memory_space<hbm>>
        %dma_wait3A_187 = tpu.memref_squeeze %dma_wait3A_186 : memref<1x2x64xi32, #tpu.memory_space<hbm>> -> memref<2x64xi32, #tpu.memory_space<hbm>>
        tpu.wait_dma2 semaphore(%run_scoped3A_171 : memref<!tpu.dma_semaphore, #tpu.memory_space<semaphore_mem>>) src(%dma_wait3A_187 : memref<2x64xi32, #tpu.memory_space<hbm>>) dst(%arg7 : memref<2x64xi32, #tpu.memory_space<vmem>>)
        tpu.yield
      }) : () -> ()
      %scan3A_151 = arith.constant 0 : i32
      %scan3A_152 = arith.constant 4 : i32
      %scan3A_153 = arith.addi %scan3A_151, %scan3A_152 : i32
      %scan3A_154 = arith.constant 1 : i32
      scf.for %scan3A_171 = %scan3A_151 to %scan3A_153 step %scan3A_154  : i32 {
        %mul3A_172 = arith.constant 16 : i32
        %mul3A_173 = arith.muli %scan3A_171, %mul3A_172 : i32
        %add3A_174 = arith.constant 0 : i32
        %add3A_175 = arith.addi %add3A_174, %mul3A_173 : i32
        %get3A = arith.constant 0 : i32
        %get3A_176 = arith.index_cast %get3A : i32 to index
        %get3A_177 = arith.index_cast %add3A_175 : i32 to index
        %get3A_178 = tpu.vector_load %arg7[%get3A_176, %get3A_177] {strides = array<i32>} : memref<2x64xi32, #tpu.memory_space<vmem>>, vector<1x16xi32>,
        %get3A_179 = vector.shape_cast %get3A_178 : vector<1x16xi32> to vector<16xi32>
        %add3A_180 = vector.broadcast %mul3A_0 : i32 to vector<16xi32>
        %add3A_181 = arith.addi %get3A_179, %add3A_180 : vector<16xi32>
        %swap3A = arith.constant 0 : i32
        %swap3A_182 = arith.index_cast %swap3A : i32 to index
        %swap3A_183 = arith.index_cast %add3A_175 : i32 to index
        %swap3A_184 = tpu.vector_load %arg7[%swap3A_182, %swap3A_183] {strides = array<i32>} : memref<2x64xi32, #tpu.memory_space<vmem>>, vector<1x16xi32>,
        %swap3A_185 = vector.shape_cast %swap3A_184 : vector<1x16xi32> to vector<16xi32>
        %swap3A_186 = vector.shape_cast %add3A_181 : vector<16xi32> to vector<1x16xi32>
        tpu.vector_store %arg7[%swap3A_182, %swap3A_183], %swap3A_186 {strides = array<i32>} : memref<2x64xi32, #tpu.memory_space<vmem>>, vector<1x16xi32>,
      }
      %scan3A_155 = arith.constant 4 : i32
      %ge3A_156 = arith.constant 79 : i32
      %ge3A_157 = arith.cmpi sge, %add3A_149, %ge3A_156 : i32
      %eq3A_158 = arith.constant 0 : i32
      %eq3A_159 = arith.cmpi eq, %arg0, %eq3A_158 : i32
      %xor3A_160 = arith.xori %ge3A_157, %eq3A_159 : i1
      %convert_element_type3A_161 = arith.extui %xor3A_160 : i1 to i32
      %cond3A_162 = arith.constant 0 : i32
      %cond3A_163 = arith.cmpi ne, %convert_element_type3A_161, %cond3A_162 : i32
      scf.if %cond3A_163 {
        %run_scoped3A_171 = arith.constant 1 : i32
        "tpu.region"() ({
          %run_scoped3A_172 = tpu.sem_alloc : memref<!tpu.dma_semaphore, #tpu.memory_space<semaphore_mem>>
          %dma_start3A_173 = arith.constant 0 : i32
          %dma_start3A_174 = tpu.memref_slice %arg7[%run_scoped3A_171, %dma_start3A_173] : memref<2x64xi32, #tpu.memory_space<vmem>> -> memref<1x64xi32, #tpu.memory_space<vmem>>
          %dma_start3A_175 = tpu.memref_squeeze %dma_start3A_174 : memref<1x64xi32, #tpu.memory_space<vmem>> -> memref<64xi32, #tpu.memory_space<vmem>>
          %dma_start3A_176 = arith.constant 0 : i32
          %dma_start3A_177 = tpu.memref_slice %arg15[%dma_start3A_176] : memref<10112xf32, #tpu.memory_space<vmem_shared>> -> memref<10112xf32, #tpu.memory_space<vmem_shared>>
          tpu.enqueue_indirect_dma source(%arg13 : memref<64xf32, #tpu.memory_space<vmem>>) target(%dma_start3A_177 : memref<10112xf32, #tpu.memory_space<vmem_shared>>) offsets(%dma_start3A_175 : memref<64xi32, #tpu.memory_space<vmem>>) semaphore(%run_scoped3A_172 : memref<!tpu.dma_semaphore, #tpu.memory_space<semaphore_mem>>) {add = true}
          %dma_wait3A_178 = arith.constant 0 : i32
          %dma_wait3A_179 = tpu.memref_slice %arg7[%run_scoped3A_171, %dma_wait3A_178] : memref<2x64xi32, #tpu.memory_space<vmem>> -> memref<1x64xi32, #tpu.memory_space<vmem>>
          %dma_wait3A_180 = tpu.memref_squeeze %dma_wait3A_179 : memref<1x64xi32, #tpu.memory_space<vmem>> -> memref<64xi32, #tpu.memory_space<vmem>>
          %dma_wait3A_181 = arith.constant 0 : i32
          %dma_wait3A_182 = tpu.memref_slice %arg15[%dma_wait3A_181] : memref<10112xf32, #tpu.memory_space<vmem_shared>> -> memref<10112xf32, #tpu.memory_space<vmem_shared>>
          tpu.wait_indirect_dma semaphore(%run_scoped3A_172 : memref<!tpu.dma_semaphore, #tpu.memory_space<semaphore_mem>>) src(%arg13 : memref<64xf32, #tpu.memory_space<vmem>>) dst(%dma_wait3A_182 : memref<10112xf32, #tpu.memory_space<vmem_shared>>)
          tpu.yield
        }) : () -> ()
      } else {
      }
      %dma_start3A_164 = arith.constant 0 : i32
      %dma_start3A_165 = arith.constant 0 : i32
      %dma_start3A_166 = tpu.memref_slice %arg7[%dma_start3A_164, %dma_start3A_165] : memref<2x64xi32, #tpu.memory_space<vmem>> -> memref<1x64xi32, #tpu.memory_space<vmem>>
      %dma_start3A_167 = tpu.memref_squeeze %dma_start3A_166 : memref<1x64xi32, #tpu.memory_space<vmem>> -> memref<64xi32, #tpu.memory_space<vmem>>
      %dma_start3A_168 = arith.constant 0 : i32
      %dma_start3A_169 = arith.constant 0 : i32
      %dma_start3A_170 = tpu.memref_slice %arg2[%dma_start3A_168, %dma_start3A_169] : memref<20000x128xf32, #tpu.memory_space<hbm>> -> memref<20000x128xf32, #tpu.memory_space<hbm>>
      tpu.enqueue_indirect_dma source(%dma_start3A_170 : memref<20000x128xf32, #tpu.memory_space<hbm>>) target(%arg9 : memref<64x128xf32, #tpu.memory_space<vmem>>) offsets(%dma_start3A_167 : memref<64xi32, #tpu.memory_space<vmem>>) semaphore(%arg12 : memref<!tpu.dma_semaphore, #tpu.memory_space<semaphore_mem>>)
    }
    %scan3A_66 = arith.constant 78 : i32
    %dma_wait3A = arith.constant 0 : i32
    %dma_wait3A_67 = arith.constant 0 : i32
    %dma_wait3A_68 = tpu.memref_slice %arg6[%dma_wait3A, %dma_wait3A_67] : memref<2x64xi32, #tpu.memory_space<vmem>> -> memref<1x64xi32, #tpu.memory_space<vmem>>
    %dma_wait3A_69 = tpu.memref_squeeze %dma_wait3A_68 : memref<1x64xi32, #tpu.memory_space<vmem>> -> memref<64xi32, #tpu.memory_space<vmem>>
    %dma_wait3A_70 = arith.constant 0 : i32
    %dma_wait3A_71 = arith.constant 0 : i32
    %dma_wait3A_72 = tpu.memref_slice %arg2[%dma_wait3A_70, %dma_wait3A_71] : memref<20000x128xf32, #tpu.memory_space<hbm>> -> memref<20000x128xf32, #tpu.memory_space<hbm>>
    tpu.wait_indirect_dma semaphore(%arg11 : memref<!tpu.dma_semaphore, #tpu.memory_space<semaphore_mem>>) src(%dma_wait3A_72 : memref<20000x128xf32, #tpu.memory_space<hbm>>) dst(%arg8 : memref<64x128xf32, #tpu.memory_space<vmem>>)
    %run_scoped3A = arith.constant 1 : i32
    "tpu.region"() ({
      %run_scoped3A_103 = tpu.sem_alloc : memref<!tpu.dma_semaphore, #tpu.memory_space<semaphore_mem>>
      %dma_start3A_104 = arith.constant 0 : i32
      %dma_start3A_105 = tpu.memref_slice %arg6[%run_scoped3A, %dma_start3A_104] : memref<2x64xi32, #tpu.memory_space<vmem>> -> memref<1x64xi32, #tpu.memory_space<vmem>>
      %dma_start3A_106 = tpu.memref_squeeze %dma_start3A_105 : memref<1x64xi32, #tpu.memory_space<vmem>> -> memref<64xi32, #tpu.memory_space<vmem>>
      %dma_start3A_107 = arith.constant 0 : i32
      %dma_start3A_108 = arith.constant 0 : i32
      %dma_start3A_109 = tpu.memref_slice %arg10[%dma_start3A_107, %dma_start3A_108] : memref<10112x128xf32, #tpu.memory_space<vmem_shared>> -> memref<10112x128xf32, #tpu.memory_space<vmem_shared>>
      tpu.enqueue_indirect_dma source(%arg8 : memref<64x128xf32, #tpu.memory_space<vmem>>) target(%dma_start3A_109 : memref<10112x128xf32, #tpu.memory_space<vmem_shared>>) offsets(%dma_start3A_106 : memref<64xi32, #tpu.memory_space<vmem>>) semaphore(%run_scoped3A_103 : memref<!tpu.dma_semaphore, #tpu.memory_space<semaphore_mem>>) {add = true}
      %dma_wait3A_110 = arith.constant 0 : i32
      %dma_wait3A_111 = tpu.memref_slice %arg6[%run_scoped3A, %dma_wait3A_110] : memref<2x64xi32, #tpu.memory_space<vmem>> -> memref<1x64xi32, #tpu.memory_space<vmem>>
      %dma_wait3A_112 = tpu.memref_squeeze %dma_wait3A_111 : memref<1x64xi32, #tpu.memory_space<vmem>> -> memref<64xi32, #tpu.memory_space<vmem>>
      %dma_wait3A_113 = arith.constant 0 : i32
      %dma_wait3A_114 = arith.constant 0 : i32
      %dma_wait3A_115 = tpu.memref_slice %arg10[%dma_wait3A_113, %dma_wait3A_114] : memref<10112x128xf32, #tpu.memory_space<vmem_shared>> -> memref<10112x128xf32, #tpu.memory_space<vmem_shared>>
      tpu.wait_indirect_dma semaphore(%run_scoped3A_103 : memref<!tpu.dma_semaphore, #tpu.memory_space<semaphore_mem>>) src(%arg8 : memref<64x128xf32, #tpu.memory_space<vmem>>) dst(%dma_wait3A_115 : memref<10112x128xf32, #tpu.memory_space<vmem_shared>>)
      tpu.yield
    }) : () -> ()
    %dma_wait3A_73 = arith.constant 0 : i32
    %dma_wait3A_74 = arith.constant 0 : i32
    %dma_wait3A_75 = tpu.memref_slice %arg7[%dma_wait3A_73, %dma_wait3A_74] : memref<2x64xi32, #tpu.memory_space<vmem>> -> memref<1x64xi32, #tpu.memory_space<vmem>>
    %dma_wait3A_76 = tpu.memref_squeeze %dma_wait3A_75 : memref<1x64xi32, #tpu.memory_space<vmem>> -> memref<64xi32, #tpu.memory_space<vmem>>
    %dma_wait3A_77 = arith.constant 0 : i32
    %dma_wait3A_78 = arith.constant 0 : i32
    %dma_wait3A_79 = tpu.memref_slice %arg2[%dma_wait3A_77, %dma_wait3A_78] : memref<20000x128xf32, #tpu.memory_space<hbm>> -> memref<20000x128xf32, #tpu.memory_space<hbm>>
    tpu.wait_indirect_dma semaphore(%arg12 : memref<!tpu.dma_semaphore, #tpu.memory_space<semaphore_mem>>) src(%dma_wait3A_79 : memref<20000x128xf32, #tpu.memory_space<hbm>>) dst(%arg9 : memref<64x128xf32, #tpu.memory_space<vmem>>)
    %run_scoped3A_80 = arith.constant 1 : i32
    "tpu.region"() ({
      %run_scoped3A_103 = tpu.sem_alloc : memref<!tpu.dma_semaphore, #tpu.memory_space<semaphore_mem>>
      %dma_start3A_104 = arith.constant 0 : i32
      %dma_start3A_105 = tpu.memref_slice %arg7[%run_scoped3A_80, %dma_start3A_104] : memref<2x64xi32, #tpu.memory_space<vmem>> -> memref<1x64xi32, #tpu.memory_space<vmem>>
      %dma_start3A_106 = tpu.memref_squeeze %dma_start3A_105 : memref<1x64xi32, #tpu.memory_space<vmem>> -> memref<64xi32, #tpu.memory_space<vmem>>
      %dma_start3A_107 = arith.constant 0 : i32
      %dma_start3A_108 = arith.constant 0 : i32
      %dma_start3A_109 = tpu.memref_slice %arg10[%dma_start3A_107, %dma_start3A_108] : memref<10112x128xf32, #tpu.memory_space<vmem_shared>> -> memref<10112x128xf32, #tpu.memory_space<vmem_shared>>
      tpu.enqueue_indirect_dma source(%arg9 : memref<64x128xf32, #tpu.memory_space<vmem>>) target(%dma_start3A_109 : memref<10112x128xf32, #tpu.memory_space<vmem_shared>>) offsets(%dma_start3A_106 : memref<64xi32, #tpu.memory_space<vmem>>) semaphore(%run_scoped3A_103 : memref<!tpu.dma_semaphore, #tpu.memory_space<semaphore_mem>>) {add = true}
      %dma_wait3A_110 = arith.constant 0 : i32
      %dma_wait3A_111 = tpu.memref_slice %arg7[%run_scoped3A_80, %dma_wait3A_110] : memref<2x64xi32, #tpu.memory_space<vmem>> -> memref<1x64xi32, #tpu.memory_space<vmem>>
      %dma_wait3A_112 = tpu.memref_squeeze %dma_wait3A_111 : memref<1x64xi32, #tpu.memory_space<vmem>> -> memref<64xi32, #tpu.memory_space<vmem>>
      %dma_wait3A_113 = arith.constant 0 : i32
      %dma_wait3A_114 = arith.constant 0 : i32
      %dma_wait3A_115 = tpu.memref_slice %arg10[%dma_wait3A_113, %dma_wait3A_114] : memref<10112x128xf32, #tpu.memory_space<vmem_shared>> -> memref<10112x128xf32, #tpu.memory_space<vmem_shared>>
      tpu.wait_indirect_dma semaphore(%run_scoped3A_103 : memref<!tpu.dma_semaphore, #tpu.memory_space<semaphore_mem>>) src(%arg9 : memref<64x128xf32, #tpu.memory_space<vmem>>) dst(%dma_wait3A_115 : memref<10112x128xf32, #tpu.memory_space<vmem_shared>>)
      tpu.yield
    }) : () -> ()
    %barrier3A_81 = arith.constant 0 : index
    tpu.barrier barrier_id(%barrier3A_81)
    %mul3A_82 = arith.constant 624 : i32
    %mul3A_83 = arith.muli %arg1, %mul3A_82 : i32
    %scan3A_84 = arith.constant 0 : i32
    %scan3A_85 = arith.constant 9 : i32
    %scan3A_86 = arith.addi %scan3A_84, %scan3A_85 : i32
    %scan3A_87 = arith.constant 1 : i32
    scf.for %scan3A_103 = %scan3A_84 to %scan3A_86 step %scan3A_87  : i32 {
      %mul3A_104 = arith.constant 1 : i32
      %mul3A_105 = arith.muli %scan3A_103, %mul3A_104 : i32
      %add3A_106 = arith.constant 0 : i32
      %add3A_107 = arith.addi %add3A_106, %mul3A_105 : i32
      %mul3A_108 = arith.constant 64 : i32
      %mul3A_109 = arith.muli %add3A_107, %mul3A_108 : i32
      %add3A_110 = arith.addi %mul3A_83, %mul3A_109 : i32
      "tpu.region"() ({
        %run_scoped3A_112 = tpu.sem_alloc : memref<!tpu.dma_semaphore, #tpu.memory_space<semaphore_mem>>
        %dma_start3A_113 = arith.constant 0 : i32
        %dma_start3A_114 = arith.constant 0 : i32
        %dma_start3A_115 = tpu.memref_slice %arg8[%dma_start3A_113, %dma_start3A_114] : memref<64x128xf32, #tpu.memory_space<vmem>> -> memref<64x128xf32, #tpu.memory_space<vmem>>
        %dma_start3A_116 = arith.constant 0 : i32
        %dma_start3A_117 = tpu.memref_slice %arg10[%add3A_110, %dma_start3A_116] : memref<10112x128xf32, #tpu.memory_space<vmem_shared>> -> memref<64x128xf32, #tpu.memory_space<vmem_shared>>
        %dma_start3A_118 = arith.constant 0 : i32
        %dma_start3A_119 = arith.constant 0 : i32
        %dma_start3A_120 = tpu.memref_slice %arg8[%dma_start3A_118, %dma_start3A_119] : memref<64x128xf32, #tpu.memory_space<vmem>> -> memref<64x128xf32, #tpu.memory_space<vmem>>
        %dma_start3A_121 = arith.constant 0 : i32
        %dma_start3A_122 = tpu.memref_slice %arg10[%add3A_110, %dma_start3A_121] : memref<10112x128xf32, #tpu.memory_space<vmem_shared>> -> memref<64x128xf32, #tpu.memory_space<vmem_shared>>
        tpu.enqueue_dma source(%dma_start3A_122 : memref<64x128xf32, #tpu.memory_space<vmem_shared>>) target(%dma_start3A_120 : memref<64x128xf32, #tpu.memory_space<vmem>>) target_semaphore(%run_scoped3A_112 : memref<!tpu.dma_semaphore, #tpu.memory_space<semaphore_mem>>)
        %dma_wait3A_123 = arith.constant 0 : i32
        %dma_wait3A_124 = arith.constant 0 : i32
        %dma_wait3A_125 = tpu.memref_slice %arg8[%dma_wait3A_123, %dma_wait3A_124] : memref<64x128xf32, #tpu.memory_space<vmem>> -> memref<64x128xf32, #tpu.memory_space<vmem>>
        %dma_wait3A_126 = arith.constant 0 : i32
        %dma_wait3A_127 = tpu.memref_slice %arg10[%add3A_110, %dma_wait3A_126] : memref<10112x128xf32, #tpu.memory_space<vmem_shared>> -> memref<64x128xf32, #tpu.memory_space<vmem_shared>>
        %dma_wait3A_128 = arith.constant 0 : i32
        %dma_wait3A_129 = arith.constant 0 : i32
        %dma_wait3A_130 = tpu.memref_slice %arg8[%dma_wait3A_128, %dma_wait3A_129] : memref<64x128xf32, #tpu.memory_space<vmem>> -> memref<64x128xf32, #tpu.memory_space<vmem>>
        %dma_wait3A_131 = arith.constant 0 : i32
        %dma_wait3A_132 = tpu.memref_slice %arg10[%add3A_110, %dma_wait3A_131] : memref<10112x128xf32, #tpu.memory_space<vmem_shared>> -> memref<64x128xf32, #tpu.memory_space<vmem_shared>>
        tpu.wait_dma2 semaphore(%run_scoped3A_112 : memref<!tpu.dma_semaphore, #tpu.memory_space<semaphore_mem>>) src(%dma_wait3A_132 : memref<64x128xf32, #tpu.memory_space<vmem_shared>>) dst(%dma_wait3A_130 : memref<64x128xf32, #tpu.memory_space<vmem>>)
        tpu.yield
      }) : () -> ()
      %add3A_111 = arith.addi %mul3A_0, %add3A_110 : i32
      "tpu.region"() ({
        %run_scoped3A_112 = tpu.sem_alloc : memref<!tpu.dma_semaphore, #tpu.memory_space<semaphore_mem>>
        %dma_start3A_113 = arith.constant 0 : i32
        %dma_start3A_114 = arith.constant 0 : i32
        %dma_start3A_115 = tpu.memref_slice %arg8[%dma_start3A_113, %dma_start3A_114] : memref<64x128xf32, #tpu.memory_space<vmem>> -> memref<64x128xf32, #tpu.memory_space<vmem>>
        %dma_start3A_116 = arith.constant 0 : i32
        %dma_start3A_117 = tpu.memref_slice %arg4[%add3A_111, %dma_start3A_116] : memref<20000x128xf32, #tpu.memory_space<hbm>> -> memref<64x128xf32, #tpu.memory_space<hbm>>
        %dma_start3A_118 = arith.constant 0 : i32
        %dma_start3A_119 = tpu.memref_slice %arg4[%add3A_111, %dma_start3A_118] : memref<20000x128xf32, #tpu.memory_space<hbm>> -> memref<64x128xf32, #tpu.memory_space<hbm>>
        %dma_start3A_120 = arith.constant 0 : i32
        %dma_start3A_121 = arith.constant 0 : i32
        %dma_start3A_122 = tpu.memref_slice %arg8[%dma_start3A_120, %dma_start3A_121] : memref<64x128xf32, #tpu.memory_space<vmem>> -> memref<64x128xf32, #tpu.memory_space<vmem>>
        tpu.enqueue_dma source(%dma_start3A_122 : memref<64x128xf32, #tpu.memory_space<vmem>>) target(%dma_start3A_119 : memref<64x128xf32, #tpu.memory_space<hbm>>) target_semaphore(%run_scoped3A_112 : memref<!tpu.dma_semaphore, #tpu.memory_space<semaphore_mem>>)
        %dma_wait3A_123 = arith.constant 0 : i32
        %dma_wait3A_124 = arith.constant 0 : i32
        %dma_wait3A_125 = tpu.memref_slice %arg8[%dma_wait3A_123, %dma_wait3A_124] : memref<64x128xf32, #tpu.memory_space<vmem>> -> memref<64x128xf32, #tpu.memory_space<vmem>>
        %dma_wait3A_126 = arith.constant 0 : i32
        %dma_wait3A_127 = tpu.memref_slice %arg4[%add3A_111, %dma_wait3A_126] : memref<20000x128xf32, #tpu.memory_space<hbm>> -> memref<64x128xf32, #tpu.memory_space<hbm>>
        %dma_wait3A_128 = arith.constant 0 : i32
        %dma_wait3A_129 = tpu.memref_slice %arg4[%add3A_111, %dma_wait3A_128] : memref<20000x128xf32, #tpu.memory_space<hbm>> -> memref<64x128xf32, #tpu.memory_space<hbm>>
        %dma_wait3A_130 = arith.constant 0 : i32
        %dma_wait3A_131 = arith.constant 0 : i32
        %dma_wait3A_132 = tpu.memref_slice %arg8[%dma_wait3A_130, %dma_wait3A_131] : memref<64x128xf32, #tpu.memory_space<vmem>> -> memref<64x128xf32, #tpu.memory_space<vmem>>
        tpu.wait_dma2 semaphore(%run_scoped3A_112 : memref<!tpu.dma_semaphore, #tpu.memory_space<semaphore_mem>>) src(%dma_wait3A_132 : memref<64x128xf32, #tpu.memory_space<vmem>>) dst(%dma_wait3A_129 : memref<64x128xf32, #tpu.memory_space<hbm>>)
        tpu.yield
      }) : () -> ()
    }
    %scan3A_88 = arith.constant 9 : i32
    %add3A_89 = arith.constant 576 : i32
    %add3A_90 = arith.addi %mul3A_83, %add3A_89 : i32
    "tpu.region"() ({
      %run_scoped3A_103 = tpu.sem_alloc : memref<!tpu.dma_semaphore, #tpu.memory_space<semaphore_mem>>
      %dma_start3A_104 = arith.constant 0 : i32
      %dma_start3A_105 = arith.constant 0 : i32
      %dma_start3A_106 = tpu.memref_slice %arg8[%dma_start3A_104, %dma_start3A_105] : memref<64x128xf32, #tpu.memory_space<vmem>> -> memref<48x128xf32, #tpu.memory_space<vmem>>
      %dma_start3A_107 = arith.constant 0 : i32
      %dma_start3A_108 = tpu.memref_slice %arg10[%add3A_90, %dma_start3A_107] : memref<10112x128xf32, #tpu.memory_space<vmem_shared>> -> memref<48x128xf32, #tpu.memory_space<vmem_shared>>
      %dma_start3A_109 = arith.constant 0 : i32
      %dma_start3A_110 = arith.constant 0 : i32
      %dma_start3A_111 = tpu.memref_slice %arg8[%dma_start3A_109, %dma_start3A_110] : memref<64x128xf32, #tpu.memory_space<vmem>> -> memref<48x128xf32, #tpu.memory_space<vmem>>
      %dma_start3A_112 = arith.constant 0 : i32
      %dma_start3A_113 = tpu.memref_slice %arg10[%add3A_90, %dma_start3A_112] : memref<10112x128xf32, #tpu.memory_space<vmem_shared>> -> memref<48x128xf32, #tpu.memory_space<vmem_shared>>
      tpu.enqueue_dma source(%dma_start3A_113 : memref<48x128xf32, #tpu.memory_space<vmem_shared>>) target(%dma_start3A_111 : memref<48x128xf32, #tpu.memory_space<vmem>>) target_semaphore(%run_scoped3A_103 : memref<!tpu.dma_semaphore, #tpu.memory_space<semaphore_mem>>)
      %dma_wait3A_114 = arith.constant 0 : i32
      %dma_wait3A_115 = arith.constant 0 : i32
      %dma_wait3A_116 = tpu.memref_slice %arg8[%dma_wait3A_114, %dma_wait3A_115] : memref<64x128xf32, #tpu.memory_space<vmem>> -> memref<48x128xf32, #tpu.memory_space<vmem>>
      %dma_wait3A_117 = arith.constant 0 : i32
      %dma_wait3A_118 = tpu.memref_slice %arg10[%add3A_90, %dma_wait3A_117] : memref<10112x128xf32, #tpu.memory_space<vmem_shared>> -> memref<48x128xf32, #tpu.memory_space<vmem_shared>>
      %dma_wait3A_119 = arith.constant 0 : i32
      %dma_wait3A_120 = arith.constant 0 : i32
      %dma_wait3A_121 = tpu.memref_slice %arg8[%dma_wait3A_119, %dma_wait3A_120] : memref<64x128xf32, #tpu.memory_space<vmem>> -> memref<48x128xf32, #tpu.memory_space<vmem>>
      %dma_wait3A_122 = arith.constant 0 : i32
      %dma_wait3A_123 = tpu.memref_slice %arg10[%add3A_90, %dma_wait3A_122] : memref<10112x128xf32, #tpu.memory_space<vmem_shared>> -> memref<48x128xf32, #tpu.memory_space<vmem_shared>>
      tpu.wait_dma2 semaphore(%run_scoped3A_103 : memref<!tpu.dma_semaphore, #tpu.memory_space<semaphore_mem>>) src(%dma_wait3A_123 : memref<48x128xf32, #tpu.memory_space<vmem_shared>>) dst(%dma_wait3A_121 : memref<48x128xf32, #tpu.memory_space<vmem>>)
      tpu.yield
    }) : () -> ()
    %add3A_91 = arith.addi %mul3A_0, %add3A_90 : i32
    "tpu.region"() ({
      %run_scoped3A_103 = tpu.sem_alloc : memref<!tpu.dma_semaphore, #tpu.memory_space<semaphore_mem>>
      %dma_start3A_104 = arith.constant 0 : i32
      %dma_start3A_105 = arith.constant 0 : i32
      %dma_start3A_106 = tpu.memref_slice %arg8[%dma_start3A_104, %dma_start3A_105] : memref<64x128xf32, #tpu.memory_space<vmem>> -> memref<48x128xf32, #tpu.memory_space<vmem>>
      %dma_start3A_107 = arith.constant 0 : i32
      %dma_start3A_108 = tpu.memref_slice %arg4[%add3A_91, %dma_start3A_107] : memref<20000x128xf32, #tpu.memory_space<hbm>> -> memref<48x128xf32, #tpu.memory_space<hbm>>
      %dma_start3A_109 = arith.constant 0 : i32
      %dma_start3A_110 = tpu.memref_slice %arg4[%add3A_91, %dma_start3A_109] : memref<20000x128xf32, #tpu.memory_space<hbm>> -> memref<48x128xf32, #tpu.memory_space<hbm>>
      %dma_start3A_111 = arith.constant 0 : i32
      %dma_start3A_112 = arith.constant 0 : i32
      %dma_start3A_113 = tpu.memref_slice %arg8[%dma_start3A_111, %dma_start3A_112] : memref<64x128xf32, #tpu.memory_space<vmem>> -> memref<48x128xf32, #tpu.memory_space<vmem>>
      tpu.enqueue_dma source(%dma_start3A_113 : memref<48x128xf32, #tpu.memory_space<vmem>>) target(%dma_start3A_110 : memref<48x128xf32, #tpu.memory_space<hbm>>) target_semaphore(%run_scoped3A_103 : memref<!tpu.dma_semaphore, #tpu.memory_space<semaphore_mem>>)
      %dma_wait3A_114 = arith.constant 0 : i32
      %dma_wait3A_115 = arith.constant 0 : i32
      %dma_wait3A_116 = tpu.memref_slice %arg8[%dma_wait3A_114, %dma_wait3A_115] : memref<64x128xf32, #tpu.memory_space<vmem>> -> memref<48x128xf32, #tpu.memory_space<vmem>>
      %dma_wait3A_117 = arith.constant 0 : i32
      %dma_wait3A_118 = tpu.memref_slice %arg4[%add3A_91, %dma_wait3A_117] : memref<20000x128xf32, #tpu.memory_space<hbm>> -> memref<48x128xf32, #tpu.memory_space<hbm>>
      %dma_wait3A_119 = arith.constant 0 : i32
      %dma_wait3A_120 = tpu.memref_slice %arg4[%add3A_91, %dma_wait3A_119] : memref<20000x128xf32, #tpu.memory_space<hbm>> -> memref<48x128xf32, #tpu.memory_space<hbm>>
      %dma_wait3A_121 = arith.constant 0 : i32
      %dma_wait3A_122 = arith.constant 0 : i32
      %dma_wait3A_123 = tpu.memref_slice %arg8[%dma_wait3A_121, %dma_wait3A_122] : memref<64x128xf32, #tpu.memory_space<vmem>> -> memref<48x128xf32, #tpu.memory_space<vmem>>
      tpu.wait_dma2 semaphore(%run_scoped3A_103 : memref<!tpu.dma_semaphore, #tpu.memory_space<semaphore_mem>>) src(%dma_wait3A_123 : memref<48x128xf32, #tpu.memory_space<vmem>>) dst(%dma_wait3A_120 : memref<48x128xf32, #tpu.memory_space<hbm>>)
      tpu.yield
    }) : () -> ()
    %eq3A_92 = arith.constant 15 : i32
    %eq3A_93 = arith.cmpi eq, %arg1, %eq3A_92 : i32
    %convert_element_type3A_94 = arith.extui %eq3A_93 : i1 to i32
    %cond3A_95 = arith.constant 0 : i32
    %cond3A_96 = arith.cmpi ne, %convert_element_type3A_94, %cond3A_95 : i32
    scf.if %cond3A_96 {
      "tpu.region"() ({
        %run_scoped3A_105 = tpu.sem_alloc : memref<!tpu.dma_semaphore, #tpu.memory_space<semaphore_mem>>
        %dma_start3A_106 = arith.constant 0 : i32
        %dma_start3A_107 = arith.constant 0 : i32
        %dma_start3A_108 = tpu.memref_slice %arg8[%dma_start3A_106, %dma_start3A_107] : memref<64x128xf32, #tpu.memory_space<vmem>> -> memref<16x128xf32, #tpu.memory_space<vmem>>
        %dma_start3A_109 = arith.constant 9984 : i32
        %dma_start3A_110 = arith.constant 0 : i32
        %dma_start3A_111 = tpu.memref_slice %arg10[%dma_start3A_109, %dma_start3A_110] : memref<10112x128xf32, #tpu.memory_space<vmem_shared>> -> memref<16x128xf32, #tpu.memory_space<vmem_shared>>
        %dma_start3A_112 = arith.constant 0 : i32
        %dma_start3A_113 = arith.constant 0 : i32
        %dma_start3A_114 = tpu.memref_slice %arg8[%dma_start3A_112, %dma_start3A_113] : memref<64x128xf32, #tpu.memory_space<vmem>> -> memref<16x128xf32, #tpu.memory_space<vmem>>
        %dma_start3A_115 = arith.constant 9984 : i32
        %dma_start3A_116 = arith.constant 0 : i32
        %dma_start3A_117 = tpu.memref_slice %arg10[%dma_start3A_115, %dma_start3A_116] : memref<10112x128xf32, #tpu.memory_space<vmem_shared>> -> memref<16x128xf32, #tpu.memory_space<vmem_shared>>
        tpu.enqueue_dma source(%dma_start3A_117 : memref<16x128xf32, #tpu.memory_space<vmem_shared>>) target(%dma_start3A_114 : memref<16x128xf32, #tpu.memory_space<vmem>>) target_semaphore(%run_scoped3A_105 : memref<!tpu.dma_semaphore, #tpu.memory_space<semaphore_mem>>)
        %dma_wait3A_118 = arith.constant 0 : i32
        %dma_wait3A_119 = arith.constant 0 : i32
        %dma_wait3A_120 = tpu.memref_slice %arg8[%dma_wait3A_118, %dma_wait3A_119] : memref<64x128xf32, #tpu.memory_space<vmem>> -> memref<16x128xf32, #tpu.memory_space<vmem>>
        %dma_wait3A_121 = arith.constant 9984 : i32
        %dma_wait3A_122 = arith.constant 0 : i32
        %dma_wait3A_123 = tpu.memref_slice %arg10[%dma_wait3A_121, %dma_wait3A_122] : memref<10112x128xf32, #tpu.memory_space<vmem_shared>> -> memref<16x128xf32, #tpu.memory_space<vmem_shared>>
        %dma_wait3A_124 = arith.constant 0 : i32
        %dma_wait3A_125 = arith.constant 0 : i32
        %dma_wait3A_126 = tpu.memref_slice %arg8[%dma_wait3A_124, %dma_wait3A_125] : memref<64x128xf32, #tpu.memory_space<vmem>> -> memref<16x128xf32, #tpu.memory_space<vmem>>
        %dma_wait3A_127 = arith.constant 9984 : i32
        %dma_wait3A_128 = arith.constant 0 : i32
        %dma_wait3A_129 = tpu.memref_slice %arg10[%dma_wait3A_127, %dma_wait3A_128] : memref<10112x128xf32, #tpu.memory_space<vmem_shared>> -> memref<16x128xf32, #tpu.memory_space<vmem_shared>>
        tpu.wait_dma2 semaphore(%run_scoped3A_105 : memref<!tpu.dma_semaphore, #tpu.memory_space<semaphore_mem>>) src(%dma_wait3A_129 : memref<16x128xf32, #tpu.memory_space<vmem_shared>>) dst(%dma_wait3A_126 : memref<16x128xf32, #tpu.memory_space<vmem>>)
        tpu.yield
      }) : () -> ()
      %add3A_103 = arith.constant 9984 : i32
      %add3A_104 = arith.addi %mul3A_0, %add3A_103 : i32
      "tpu.region"() ({
        %run_scoped3A_105 = tpu.sem_alloc : memref<!tpu.dma_semaphore, #tpu.memory_space<semaphore_mem>>
        %dma_start3A_106 = arith.constant 0 : i32
        %dma_start3A_107 = arith.constant 0 : i32
        %dma_start3A_108 = tpu.memref_slice %arg8[%dma_start3A_106, %dma_start3A_107] : memref<64x128xf32, #tpu.memory_space<vmem>> -> memref<16x128xf32, #tpu.memory_space<vmem>>
        %dma_start3A_109 = arith.constant 0 : i32
        %dma_start3A_110 = tpu.memref_slice %arg4[%add3A_104, %dma_start3A_109] : memref<20000x128xf32, #tpu.memory_space<hbm>> -> memref<16x128xf32, #tpu.memory_space<hbm>>
        %dma_start3A_111 = arith.constant 0 : i32
        %dma_start3A_112 = tpu.memref_slice %arg4[%add3A_104, %dma_start3A_111] : memref<20000x128xf32, #tpu.memory_space<hbm>> -> memref<16x128xf32, #tpu.memory_space<hbm>>
        %dma_start3A_113 = arith.constant 0 : i32
        %dma_start3A_114 = arith.constant 0 : i32
        %dma_start3A_115 = tpu.memref_slice %arg8[%dma_start3A_113, %dma_start3A_114] : memref<64x128xf32, #tpu.memory_space<vmem>> -> memref<16x128xf32, #tpu.memory_space<vmem>>
        tpu.enqueue_dma source(%dma_start3A_115 : memref<16x128xf32, #tpu.memory_space<vmem>>) target(%dma_start3A_112 : memref<16x128xf32, #tpu.memory_space<hbm>>) target_semaphore(%run_scoped3A_105 : memref<!tpu.dma_semaphore, #tpu.memory_space<semaphore_mem>>)
        %dma_wait3A_116 = arith.constant 0 : i32
        %dma_wait3A_117 = arith.constant 0 : i32
        %dma_wait3A_118 = tpu.memref_slice %arg8[%dma_wait3A_116, %dma_wait3A_117] : memref<64x128xf32, #tpu.memory_space<vmem>> -> memref<16x128xf32, #tpu.memory_space<vmem>>
        %dma_wait3A_119 = arith.constant 0 : i32
        %dma_wait3A_120 = tpu.memref_slice %arg4[%add3A_104, %dma_wait3A_119] : memref<20000x128xf32, #tpu.memory_space<hbm>> -> memref<16x128xf32, #tpu.memory_space<hbm>>
        %dma_wait3A_121 = arith.constant 0 : i32
        %dma_wait3A_122 = tpu.memref_slice %arg4[%add3A_104, %dma_wait3A_121] : memref<20000x128xf32, #tpu.memory_space<hbm>> -> memref<16x128xf32, #tpu.memory_space<hbm>>
        %dma_wait3A_123 = arith.constant 0 : i32
        %dma_wait3A_124 = arith.constant 0 : i32
        %dma_wait3A_125 = tpu.memref_slice %arg8[%dma_wait3A_123, %dma_wait3A_124] : memref<64x128xf32, #tpu.memory_space<vmem>> -> memref<16x128xf32, #tpu.memory_space<vmem>>
        tpu.wait_dma2 semaphore(%run_scoped3A_105 : memref<!tpu.dma_semaphore, #tpu.memory_space<semaphore_mem>>) src(%dma_wait3A_125 : memref<16x128xf32, #tpu.memory_space<vmem>>) dst(%dma_wait3A_122 : memref<16x128xf32, #tpu.memory_space<hbm>>)
        tpu.yield
      }) : () -> ()
    } else {
    }
    "tpu.region"() ({
      %run_scoped3A_103 = tpu.sem_alloc : memref<!tpu.dma_semaphore, #tpu.memory_space<semaphore_mem>>
      %dma_start3A_104 = arith.constant 0 : i32
      %dma_start3A_105 = tpu.memref_slice %arg14[%dma_start3A_104] : memref<640xf32, #tpu.memory_space<vmem>> -> memref<624xf32, #tpu.memory_space<vmem>>
      %dma_start3A_106 = tpu.memref_slice %arg15[%mul3A_83] : memref<10112xf32, #tpu.memory_space<vmem_shared>> -> memref<624xf32, #tpu.memory_space<vmem_shared>>
      %dma_start3A_107 = arith.constant 0 : i32
      %dma_start3A_108 = tpu.memref_slice %arg14[%dma_start3A_107] : memref<640xf32, #tpu.memory_space<vmem>> -> memref<624xf32, #tpu.memory_space<vmem>>
      %dma_start3A_109 = tpu.memref_slice %arg15[%mul3A_83] : memref<10112xf32, #tpu.memory_space<vmem_shared>> -> memref<624xf32, #tpu.memory_space<vmem_shared>>
      tpu.enqueue_dma source(%dma_start3A_109 : memref<624xf32, #tpu.memory_space<vmem_shared>>) target(%dma_start3A_108 : memref<624xf32, #tpu.memory_space<vmem>>) target_semaphore(%run_scoped3A_103 : memref<!tpu.dma_semaphore, #tpu.memory_space<semaphore_mem>>)
      %dma_wait3A_110 = arith.constant 0 : i32
      %dma_wait3A_111 = tpu.memref_slice %arg14[%dma_wait3A_110] : memref<640xf32, #tpu.memory_space<vmem>> -> memref<624xf32, #tpu.memory_space<vmem>>
      %dma_wait3A_112 = tpu.memref_slice %arg15[%mul3A_83] : memref<10112xf32, #tpu.memory_space<vmem_shared>> -> memref<624xf32, #tpu.memory_space<vmem_shared>>
      %dma_wait3A_113 = arith.constant 0 : i32
      %dma_wait3A_114 = tpu.memref_slice %arg14[%dma_wait3A_113] : memref<640xf32, #tpu.memory_space<vmem>> -> memref<624xf32, #tpu.memory_space<vmem>>
      %dma_wait3A_115 = tpu.memref_slice %arg15[%mul3A_83] : memref<10112xf32, #tpu.memory_space<vmem_shared>> -> memref<624xf32, #tpu.memory_space<vmem_shared>>
      tpu.wait_dma2 semaphore(%run_scoped3A_103 : memref<!tpu.dma_semaphore, #tpu.memory_space<semaphore_mem>>) src(%dma_wait3A_115 : memref<624xf32, #tpu.memory_space<vmem_shared>>) dst(%dma_wait3A_114 : memref<624xf32, #tpu.memory_space<vmem>>)
      tpu.yield
    }) : () -> ()
    %add3A_97 = arith.addi %mul3A_0, %mul3A_83 : i32
    "tpu.region"() ({
      %run_scoped3A_103 = tpu.sem_alloc : memref<!tpu.dma_semaphore, #tpu.memory_space<semaphore_mem>>
      %dma_start3A_104 = arith.constant 0 : i32
      %dma_start3A_105 = tpu.memref_slice %arg14[%dma_start3A_104] : memref<640xf32, #tpu.memory_space<vmem>> -> memref<624xf32, #tpu.memory_space<vmem>>
      %dma_start3A_106 = tpu.memref_slice %arg5[%add3A_97] : memref<20000xf32, #tpu.memory_space<hbm>> -> memref<624xf32, #tpu.memory_space<hbm>>
      %dma_start3A_107 = tpu.memref_slice %arg5[%add3A_97] : memref<20000xf32, #tpu.memory_space<hbm>> -> memref<624xf32, #tpu.memory_space<hbm>>
      %dma_start3A_108 = arith.constant 0 : i32
      %dma_start3A_109 = tpu.memref_slice %arg14[%dma_start3A_108] : memref<640xf32, #tpu.memory_space<vmem>> -> memref<624xf32, #tpu.memory_space<vmem>>
      tpu.enqueue_dma source(%dma_start3A_109 : memref<624xf32, #tpu.memory_space<vmem>>) target(%dma_start3A_107 : memref<624xf32, #tpu.memory_space<hbm>>) target_semaphore(%run_scoped3A_103 : memref<!tpu.dma_semaphore, #tpu.memory_space<semaphore_mem>>)
      %dma_wait3A_110 = arith.constant 0 : i32
      %dma_wait3A_111 = tpu.memref_slice %arg14[%dma_wait3A_110] : memref<640xf32, #tpu.memory_space<vmem>> -> memref<624xf32, #tpu.memory_space<vmem>>
      %dma_wait3A_112 = tpu.memref_slice %arg5[%add3A_97] : memref<20000xf32, #tpu.memory_space<hbm>> -> memref<624xf32, #tpu.memory_space<hbm>>
      %dma_wait3A_113 = tpu.memref_slice %arg5[%add3A_97] : memref<20000xf32, #tpu.memory_space<hbm>> -> memref<624xf32, #tpu.memory_space<hbm>>
      %dma_wait3A_114 = arith.constant 0 : i32
      %dma_wait3A_115 = tpu.memref_slice %arg14[%dma_wait3A_114] : memref<640xf32, #tpu.memory_space<vmem>> -> memref<624xf32, #tpu.memory_space<vmem>>
      tpu.wait_dma2 semaphore(%run_scoped3A_103 : memref<!tpu.dma_semaphore, #tpu.memory_space<semaphore_mem>>) src(%dma_wait3A_115 : memref<624xf32, #tpu.memory_space<vmem>>) dst(%dma_wait3A_113 : memref<624xf32, #tpu.memory_space<hbm>>)
      tpu.yield
    }) : () -> ()
    %eq3A_98 = arith.constant 15 : i32
    %eq3A_99 = arith.cmpi eq, %arg1, %eq3A_98 : i32
    %convert_element_type3A_100 = arith.extui %eq3A_99 : i1 to i32
    %cond3A_101 = arith.constant 0 : i32
    %cond3A_102 = arith.cmpi ne, %convert_element_type3A_100, %cond3A_101 : i32
    scf.if %cond3A_102 {
      "tpu.region"() ({
        %run_scoped3A_105 = tpu.sem_alloc : memref<!tpu.dma_semaphore, #tpu.memory_space<semaphore_mem>>
        %dma_start3A_106 = arith.constant 0 : i32
        %dma_start3A_107 = tpu.memref_slice %arg14[%dma_start3A_106] : memref<640xf32, #tpu.memory_space<vmem>> -> memref<16xf32, #tpu.memory_space<vmem>>
        %dma_start3A_108 = arith.constant 9984 : i32
        %dma_start3A_109 = tpu.memref_slice %arg15[%dma_start3A_108] : memref<10112xf32, #tpu.memory_space<vmem_shared>> -> memref<16xf32, #tpu.memory_space<vmem_shared>>
        %dma_start3A_110 = arith.constant 0 : i32
        %dma_start3A_111 = tpu.memref_slice %arg14[%dma_start3A_110] : memref<640xf32, #tpu.memory_space<vmem>> -> memref<16xf32, #tpu.memory_space<vmem>>
        %dma_start3A_112 = arith.constant 9984 : i32
        %dma_start3A_113 = tpu.memref_slice %arg15[%dma_start3A_112] : memref<10112xf32, #tpu.memory_space<vmem_shared>> -> memref<16xf32, #tpu.memory_space<vmem_shared>>
        tpu.enqueue_dma source(%dma_start3A_113 : memref<16xf32, #tpu.memory_space<vmem_shared>>) target(%dma_start3A_111 : memref<16xf32, #tpu.memory_space<vmem>>) target_semaphore(%run_scoped3A_105 : memref<!tpu.dma_semaphore, #tpu.memory_space<semaphore_mem>>)
        %dma_wait3A_114 = arith.constant 0 : i32
        %dma_wait3A_115 = tpu.memref_slice %arg14[%dma_wait3A_114] : memref<640xf32, #tpu.memory_space<vmem>> -> memref<16xf32, #tpu.memory_space<vmem>>
        %dma_wait3A_116 = arith.constant 9984 : i32
        %dma_wait3A_117 = tpu.memref_slice %arg15[%dma_wait3A_116] : memref<10112xf32, #tpu.memory_space<vmem_shared>> -> memref<16xf32, #tpu.memory_space<vmem_shared>>
        %dma_wait3A_118 = arith.constant 0 : i32
        %dma_wait3A_119 = tpu.memref_slice %arg14[%dma_wait3A_118] : memref<640xf32, #tpu.memory_space<vmem>> -> memref<16xf32, #tpu.memory_space<vmem>>
        %dma_wait3A_120 = arith.constant 9984 : i32
        %dma_wait3A_121 = tpu.memref_slice %arg15[%dma_wait3A_120] : memref<10112xf32, #tpu.memory_space<vmem_shared>> -> memref<16xf32, #tpu.memory_space<vmem_shared>>
        tpu.wait_dma2 semaphore(%run_scoped3A_105 : memref<!tpu.dma_semaphore, #tpu.memory_space<semaphore_mem>>) src(%dma_wait3A_121 : memref<16xf32, #tpu.memory_space<vmem_shared>>) dst(%dma_wait3A_119 : memref<16xf32, #tpu.memory_space<vmem>>)
        tpu.yield
      }) : () -> ()
      %add3A_103 = arith.constant 9984 : i32
      %add3A_104 = arith.addi %mul3A_0, %add3A_103 : i32
      "tpu.region"() ({
        %run_scoped3A_105 = tpu.sem_alloc : memref<!tpu.dma_semaphore, #tpu.memory_space<semaphore_mem>>
        %dma_start3A_106 = arith.constant 0 : i32
        %dma_start3A_107 = tpu.memref_slice %arg14[%dma_start3A_106] : memref<640xf32, #tpu.memory_space<vmem>> -> memref<16xf32, #tpu.memory_space<vmem>>
        %dma_start3A_108 = tpu.memref_slice %arg5[%add3A_104] : memref<20000xf32, #tpu.memory_space<hbm>> -> memref<16xf32, #tpu.memory_space<hbm>>
        %dma_start3A_109 = tpu.memref_slice %arg5[%add3A_104] : memref<20000xf32, #tpu.memory_space<hbm>> -> memref<16xf32, #tpu.memory_space<hbm>>
        %dma_start3A_110 = arith.constant 0 : i32
        %dma_start3A_111 = tpu.memref_slice %arg14[%dma_start3A_110] : memref<640xf32, #tpu.memory_space<vmem>> -> memref<16xf32, #tpu.memory_space<vmem>>
        tpu.enqueue_dma source(%dma_start3A_111 : memref<16xf32, #tpu.memory_space<vmem>>) target(%dma_start3A_109 : memref<16xf32, #tpu.memory_space<hbm>>) target_semaphore(%run_scoped3A_105 : memref<!tpu.dma_semaphore, #tpu.memory_space<semaphore_mem>>)
        %dma_wait3A_112 = arith.constant 0 : i32
        %dma_wait3A_113 = tpu.memref_slice %arg14[%dma_wait3A_112] : memref<640xf32, #tpu.memory_space<vmem>> -> memref<16xf32, #tpu.memory_space<vmem>>
        %dma_wait3A_114 = tpu.memref_slice %arg5[%add3A_104] : memref<20000xf32, #tpu.memory_space<hbm>> -> memref<16xf32, #tpu.memory_space<hbm>>
        %dma_wait3A_115 = tpu.memref_slice %arg5[%add3A_104] : memref<20000xf32, #tpu.memory_space<hbm>> -> memref<16xf32, #tpu.memory_space<hbm>>
        %dma_wait3A_116 = arith.constant 0 : i32
        %dma_wait3A_117 = tpu.memref_slice %arg14[%dma_wait3A_116] : memref<640xf32, #tpu.memory_space<vmem>> -> memref<16xf32, #tpu.memory_space<vmem>>
        tpu.wait_dma2 semaphore(%run_scoped3A_105 : memref<!tpu.dma_semaphore, #tpu.memory_space<semaphore_mem>>) src(%dma_wait3A_117 : memref<16xf32, #tpu.memory_space<vmem>>) dst(%dma_wait3A_115 : memref<16xf32, #tpu.memory_space<hbm>>)
        tpu.yield
      }) : () -> ()
    } else {
    }
    return
  }
}

module attributes {stable_mosaic.version = 14 : i64} {
  func.func @body(%arg0: i32, %arg1: memref<2x1000x128xf32, #tpu.memory_space<vmem>>, %arg2: memref<2x1x1x1000xf32, #tpu.memory_space<vmem>>, %arg3: memref<2x1000x128xf32, #tpu.memory_space<vmem>>, %arg4: memref<256x256xf32, #tpu.memory_space<vmem>>, %arg5: memref<256x256xf32, #tpu.memory_space<vmem>>, %arg6: memref<1x256xf32, #tpu.memory_space<vmem>>, %arg7: memref<2x1000x128xf32, #tpu.memory_space<vmem>>) attributes {dimension_semantics = [#tpu.dimension_semantics<arbitrary>], iteration_bounds = array<i64: 10>, scalar_prefetch = 0 : i64, scratch_operands = 0 : i64, tpu.core_type = #tpu.core_type<tc>, window_params = [{transform_indices = @transform_0, window_bounds = array<i64: 2, 1000, 128>}, {transform_indices = @transform_1, window_bounds = array<i64: 2, 1, 1, 1000>}, {transform_indices = @transform_2, window_bounds = array<i64: 2, 1000, 128>}, {pipeline_mode = #tpu.pipeline_mode<synchronous>, transform_indices = @transform_3, window_bounds = array<i64: 256, 256>}, {pipeline_mode = #tpu.pipeline_mode<synchronous>, transform_indices = @transform_4, window_bounds = array<i64: 256, 256>}, {pipeline_mode = #tpu.pipeline_mode<synchronous>, transform_indices = @transform_5, window_bounds = array<i64: 1, 256>}, {transform_indices = @transform_6, window_bounds = array<i64: 2, 1000, 128>}]} {
    %get3A = arith.constant 0 : index
    %get3A_0 = arith.constant 0 : index
    %get3A_1 = arith.constant 0 : index
    %get3A_2 = arith.constant 0 : index
    %get3A_3 = vector.load %arg2[%get3A, %get3A_0, %get3A_1, %get3A_2] : memref<2x1x1x1000xf32, #tpu.memory_space<vmem>>, vector<1x1x1x1000xf32>
    %get3A_4 = vector.shape_cast %get3A_3 : vector<1x1x1x1000xf32> to vector<1000xf32>
    %get3A_5 = arith.constant 1 : index
    %get3A_6 = arith.constant 0 : index
    %get3A_7 = arith.constant 0 : index
    %get3A_8 = arith.constant 0 : index
    %get3A_9 = vector.load %arg2[%get3A_5, %get3A_6, %get3A_7, %get3A_8] : memref<2x1x1x1000xf32, #tpu.memory_space<vmem>>, vector<1x1x1x1000xf32>
    %get3A_10 = vector.shape_cast %get3A_9 : vector<1x1x1x1000xf32> to vector<1000xf32>
    %add3A = arith.addf %get3A_4, %get3A_10 : vector<1000xf32>
    %max3A = arith.constant 1.000000e+00 : f32
    %max3A_11 = vector.broadcast %max3A : f32 to vector<1000xf32>
    %max3A_12 = arith.maximumf %add3A, %max3A_11 : vector<1000xf32>
    %div3A = arith.constant 1.000000e+00 : f32
    %div3A_13 = vector.broadcast %div3A : f32 to vector<1000xf32>
    %div3A_14 = arith.divf %div3A_13, %max3A_12 : vector<1000xf32>
    %get3A_15 = arith.constant 0 : index
    %get3A_16 = arith.constant 0 : index
    %get3A_17 = arith.constant 0 : index
    %get3A_18 = vector.load %arg1[%get3A_15, %get3A_16, %get3A_17] : memref<2x1000x128xf32, #tpu.memory_space<vmem>>, vector<1x1000x128xf32>
    %get3A_19 = vector.shape_cast %get3A_18 : vector<1x1000x128xf32> to vector<1000x128xf32>
    %get3A_20 = arith.constant 1 : index
    %get3A_21 = arith.constant 0 : index
    %get3A_22 = arith.constant 0 : index
    %get3A_23 = vector.load %arg1[%get3A_20, %get3A_21, %get3A_22] : memref<2x1000x128xf32, #tpu.memory_space<vmem>>, vector<1x1000x128xf32>
    %get3A_24 = vector.shape_cast %get3A_23 : vector<1x1000x128xf32> to vector<1000x128xf32>
    %concatenate3A = tpu.concatenate %get3A_19, %get3A_24 in 1 : vector<1000x128xf32>, vector<1000x128xf32> -> vector<1000x256xf32>
    %broadcast_in_dim3A = vector.shape_cast %div3A_14 : vector<1000xf32> to vector<1000x1xf32>
    %mul3A = vector.broadcast %broadcast_in_dim3A : vector<1000x1xf32> to vector<1000x256xf32>
    %mul3A_25 = arith.mulf %concatenate3A, %mul3A : vector<1000x256xf32>
    %get3A_26 = arith.constant 0 : index
    %get3A_27 = arith.constant 0 : index
    %get3A_28 = arith.constant 0 : index
    %get3A_29 = vector.load %arg3[%get3A_26, %get3A_27, %get3A_28] : memref<2x1000x128xf32, #tpu.memory_space<vmem>>, vector<1x1000x128xf32>
    %get3A_30 = vector.shape_cast %get3A_29 : vector<1x1000x128xf32> to vector<1000x128xf32>
    %get3A_31 = arith.constant 1 : index
    %get3A_32 = arith.constant 0 : index
    %get3A_33 = arith.constant 0 : index
    %get3A_34 = vector.load %arg3[%get3A_31, %get3A_32, %get3A_33] : memref<2x1000x128xf32, #tpu.memory_space<vmem>>, vector<1x1000x128xf32>
    %get3A_35 = vector.shape_cast %get3A_34 : vector<1x1000x128xf32> to vector<1000x128xf32>
    %concatenate3A_36 = tpu.concatenate %get3A_30, %get3A_35 in 1 : vector<1000x128xf32>, vector<1000x128xf32> -> vector<1000x256xf32>
    %get3A_37 = arith.constant 0 : index
    %get3A_38 = arith.constant 0 : index
    %get3A_39 = vector.load %arg4[%get3A_37, %get3A_38] : memref<256x256xf32, #tpu.memory_space<vmem>>, vector<256x256xf32>
    %dot_general3A = arith.constant dense<0.000000e+00> : vector<1000x256xf32>
    %dot_general3A_40 = tpu.matmul %mul3A_25, %get3A_39, %dot_general3A {dimension_numbers = #tpu.dot_dimension_numbers<[1], [0], [0], [1], [0, 0, 1, 1], [], []>, transpose_lhs_hint = false} : vector<1000x256xf32>, vector<256x256xf32>, vector<1000x256xf32> -> vector<1000x256xf32>
    %get3A_41 = arith.constant 0 : index
    %get3A_42 = arith.constant 0 : index
    %get3A_43 = vector.load %arg6[%get3A_41, %get3A_42] : memref<1x256xf32, #tpu.memory_space<vmem>>, vector<1x256xf32>
    %add3A_44 = vector.broadcast %get3A_43 : vector<1x256xf32> to vector<1000x256xf32>
    %add3A_45 = arith.addf %dot_general3A_40, %add3A_44 : vector<1000x256xf32>
    %get3A_46 = arith.constant 0 : index
    %get3A_47 = arith.constant 0 : index
    %get3A_48 = vector.load %arg5[%get3A_46, %get3A_47] : memref<256x256xf32, #tpu.memory_space<vmem>>, vector<256x256xf32>
    %dot_general3A_49 = arith.constant dense<0.000000e+00> : vector<1000x256xf32>
    %dot_general3A_50 = tpu.matmul %concatenate3A_36, %get3A_48, %dot_general3A_49 {dimension_numbers = #tpu.dot_dimension_numbers<[1], [0], [0], [1], [0, 0, 1, 1], [], []>, transpose_lhs_hint = false} : vector<1000x256xf32>, vector<256x256xf32>, vector<1000x256xf32> -> vector<1000x256xf32>
    %add3A_51 = arith.addf %add3A_45, %dot_general3A_50 : vector<1000x256xf32>
    %max3A_52 = arith.constant 0.000000e+00 : f32
    %max3A_53 = vector.broadcast %max3A_52 : f32 to vector<1000x256xf32>
    %max3A_54 = arith.maximumf %add3A_51, %max3A_53 : vector<1000x256xf32>
    %slice3A = vector.extract_strided_slice %max3A_54 {offsets = [0, 0], sizes = [1000, 128], strides = [1, 1]} : vector<1000x256xf32> to vector<1000x128xf32>
    %swap3A = arith.constant 0 : index
    %swap3A_55 = arith.constant 0 : index
    %swap3A_56 = arith.constant 0 : index
    %swap3A_57 = vector.load %arg7[%swap3A, %swap3A_55, %swap3A_56] : memref<2x1000x128xf32, #tpu.memory_space<vmem>>, vector<1x1000x128xf32>
    %swap3A_58 = vector.shape_cast %swap3A_57 : vector<1x1000x128xf32> to vector<1000x128xf32>
    %swap3A_59 = vector.shape_cast %slice3A : vector<1000x128xf32> to vector<1x1000x128xf32>
    tpu.vector_store %arg7[%swap3A, %swap3A_55, %swap3A_56], %swap3A_59 {strides = array<i32>} : memref<2x1000x128xf32, #tpu.memory_space<vmem>>, vector<1x1000x128xf32>,
    %slice3A_60 = vector.extract_strided_slice %max3A_54 {offsets = [0, 128], sizes = [1000, 128], strides = [1, 1]} : vector<1000x256xf32> to vector<1000x128xf32>
    %swap3A_61 = arith.constant 1 : index
    %swap3A_62 = arith.constant 0 : index
    %swap3A_63 = arith.constant 0 : index
    %swap3A_64 = vector.load %arg7[%swap3A_61, %swap3A_62, %swap3A_63] : memref<2x1000x128xf32, #tpu.memory_space<vmem>>, vector<1x1000x128xf32>
    %swap3A_65 = vector.shape_cast %swap3A_64 : vector<1x1000x128xf32> to vector<1000x128xf32>
    %swap3A_66 = vector.shape_cast %slice3A_60 : vector<1000x128xf32> to vector<1x1000x128xf32>
    tpu.vector_store %arg7[%swap3A_61, %swap3A_62, %swap3A_63], %swap3A_66 {strides = array<i32>} : memref<2x1000x128xf32, #tpu.memory_space<vmem>>, vector<1x1000x128xf32>,
    return
  }
  func.func @transform_0(%arg0: i32) -> (i32, i32, i32) {
    %c0_i32 = arith.constant 0 : i32
    %c0_i32_0 = arith.constant 0 : i32
    %c0_i32_1 = arith.constant 0 : i32
    return %c0_i32, %arg0, %c0_i32_0 : i32, i32, i32
  }
  func.func @transform_1(%arg0: i32) -> (i32, i32, i32, i32) {
    %c0_i32 = arith.constant 0 : i32
    %c0_i32_0 = arith.constant 0 : i32
    %c0_i32_1 = arith.constant 0 : i32
    %c0_i32_2 = arith.constant 0 : i32
    return %c0_i32, %arg0, %c0_i32_0, %c0_i32_1 : i32, i32, i32, i32
  }
  func.func @transform_2(%arg0: i32) -> (i32, i32, i32) {
    %c0_i32 = arith.constant 0 : i32
    %c0_i32_0 = arith.constant 0 : i32
    %c0_i32_1 = arith.constant 0 : i32
    return %c0_i32, %arg0, %c0_i32_0 : i32, i32, i32
  }
  func.func @transform_3(%arg0: i32) -> (i32, i32) {
    %c0_i32 = arith.constant 0 : i32
    %c0_i32_0 = arith.constant 0 : i32
    %c0_i32_1 = arith.constant 0 : i32
    return %c0_i32, %c0_i32_0 : i32, i32
  }
  func.func @transform_4(%arg0: i32) -> (i32, i32) {
    %c0_i32 = arith.constant 0 : i32
    %c0_i32_0 = arith.constant 0 : i32
    %c0_i32_1 = arith.constant 0 : i32
    return %c0_i32, %c0_i32_0 : i32, i32
  }
  func.func @transform_5(%arg0: i32) -> (i32, i32) {
    %c0_i32 = arith.constant 0 : i32
    %c0_i32_0 = arith.constant 0 : i32
    %c0_i32_1 = arith.constant 0 : i32
    return %c0_i32, %c0_i32_0 : i32, i32
  }
  func.func @transform_6(%arg0: i32) -> (i32, i32, i32) {
    %c0_i32 = arith.constant 0 : i32
    %c0_i32_0 = arith.constant 0 : i32
    %c0_i32_1 = arith.constant 0 : i32
    return %c0_i32, %arg0, %c0_i32_0 : i32, i32, i32
  }
}

module attributes {stable_mosaic.version = 14 : i64} {
  func.func @body(%arg0: i32, %arg1: memref<2x1000x128xf32, #tpu.memory_space<vmem>>, %arg2: memref<2x1x1x1000xf32, #tpu.memory_space<vmem>>, %arg3: memref<2x1000x128xf32, #tpu.memory_space<vmem>>, %arg4: memref<256x256xf32, #tpu.memory_space<vmem>>, %arg5: memref<256x256xf32, #tpu.memory_space<vmem>>, %arg6: memref<1x256xf32, #tpu.memory_space<vmem>>, %arg7: memref<1000x256xf32, #tpu.memory_space<vmem>>) attributes {dimension_semantics = [#tpu.dimension_semantics<arbitrary>], iteration_bounds = array<i64: 10>, scalar_prefetch = 0 : i64, scratch_operands = 0 : i64, tpu.core_type = #tpu.core_type<tc>, window_params = [{transform_indices = @transform_0, window_bounds = array<i64: 2, 1000, 128>}, {transform_indices = @transform_1, window_bounds = array<i64: 2, 1, 1, 1000>}, {transform_indices = @transform_2, window_bounds = array<i64: 2, 1000, 128>}, {pipeline_mode = #tpu.pipeline_mode<synchronous>, transform_indices = @transform_3, window_bounds = array<i64: 256, 256>}, {pipeline_mode = #tpu.pipeline_mode<synchronous>, transform_indices = @transform_4, window_bounds = array<i64: 256, 256>}, {pipeline_mode = #tpu.pipeline_mode<synchronous>, transform_indices = @transform_5, window_bounds = array<i64: 1, 256>}, {transform_indices = @transform_6, window_bounds = array<i64: 1000, 256>}]} {
    %get3A = arith.constant 0 : index
    %get3A_0 = arith.constant 0 : index
    %get3A_1 = arith.constant 0 : index
    %get3A_2 = arith.constant 0 : index
    %get3A_3 = vector.load %arg2[%get3A, %get3A_0, %get3A_1, %get3A_2] : memref<2x1x1x1000xf32, #tpu.memory_space<vmem>>, vector<1x1x1x1000xf32>
    %get3A_4 = vector.shape_cast %get3A_3 : vector<1x1x1x1000xf32> to vector<1000xf32>
    %get3A_5 = arith.constant 1 : index
    %get3A_6 = arith.constant 0 : index
    %get3A_7 = arith.constant 0 : index
    %get3A_8 = arith.constant 0 : index
    %get3A_9 = vector.load %arg2[%get3A_5, %get3A_6, %get3A_7, %get3A_8] : memref<2x1x1x1000xf32, #tpu.memory_space<vmem>>, vector<1x1x1x1000xf32>
    %get3A_10 = vector.shape_cast %get3A_9 : vector<1x1x1x1000xf32> to vector<1000xf32>
    %add3A = arith.addf %get3A_4, %get3A_10 : vector<1000xf32>
    %max3A = arith.constant 1.000000e+00 : f32
    %max3A_11 = vector.broadcast %max3A : f32 to vector<1000xf32>
    %max3A_12 = arith.maximumf %add3A, %max3A_11 : vector<1000xf32>
    %div3A = arith.constant 1.000000e+00 : f32
    %div3A_13 = vector.broadcast %div3A : f32 to vector<1000xf32>
    %div3A_14 = arith.divf %div3A_13, %max3A_12 : vector<1000xf32>
    %get3A_15 = arith.constant 0 : index
    %get3A_16 = arith.constant 0 : index
    %get3A_17 = arith.constant 0 : index
    %get3A_18 = vector.load %arg1[%get3A_15, %get3A_16, %get3A_17] : memref<2x1000x128xf32, #tpu.memory_space<vmem>>, vector<1x1000x128xf32>
    %get3A_19 = vector.shape_cast %get3A_18 : vector<1x1000x128xf32> to vector<1000x128xf32>
    %get3A_20 = arith.constant 1 : index
    %get3A_21 = arith.constant 0 : index
    %get3A_22 = arith.constant 0 : index
    %get3A_23 = vector.load %arg1[%get3A_20, %get3A_21, %get3A_22] : memref<2x1000x128xf32, #tpu.memory_space<vmem>>, vector<1x1000x128xf32>
    %get3A_24 = vector.shape_cast %get3A_23 : vector<1x1000x128xf32> to vector<1000x128xf32>
    %concatenate3A = tpu.concatenate %get3A_19, %get3A_24 in 1 : vector<1000x128xf32>, vector<1000x128xf32> -> vector<1000x256xf32>
    %broadcast_in_dim3A = vector.shape_cast %div3A_14 : vector<1000xf32> to vector<1000x1xf32>
    %mul3A = vector.broadcast %broadcast_in_dim3A : vector<1000x1xf32> to vector<1000x256xf32>
    %mul3A_25 = arith.mulf %concatenate3A, %mul3A : vector<1000x256xf32>
    %get3A_26 = arith.constant 0 : index
    %get3A_27 = arith.constant 0 : index
    %get3A_28 = arith.constant 0 : index
    %get3A_29 = vector.load %arg3[%get3A_26, %get3A_27, %get3A_28] : memref<2x1000x128xf32, #tpu.memory_space<vmem>>, vector<1x1000x128xf32>
    %get3A_30 = vector.shape_cast %get3A_29 : vector<1x1000x128xf32> to vector<1000x128xf32>
    %get3A_31 = arith.constant 1 : index
    %get3A_32 = arith.constant 0 : index
    %get3A_33 = arith.constant 0 : index
    %get3A_34 = vector.load %arg3[%get3A_31, %get3A_32, %get3A_33] : memref<2x1000x128xf32, #tpu.memory_space<vmem>>, vector<1x1000x128xf32>
    %get3A_35 = vector.shape_cast %get3A_34 : vector<1x1000x128xf32> to vector<1000x128xf32>
    %concatenate3A_36 = tpu.concatenate %get3A_30, %get3A_35 in 1 : vector<1000x128xf32>, vector<1000x128xf32> -> vector<1000x256xf32>
    %get3A_37 = arith.constant 0 : index
    %get3A_38 = arith.constant 0 : index
    %get3A_39 = vector.load %arg4[%get3A_37, %get3A_38] : memref<256x256xf32, #tpu.memory_space<vmem>>, vector<256x256xf32>
    %dot_general3A = arith.constant dense<0.000000e+00> : vector<1000x256xf32>
    %dot_general3A_40 = tpu.matmul %mul3A_25, %get3A_39, %dot_general3A {dimension_numbers = #tpu.dot_dimension_numbers<[1], [0], [0], [1], [0, 0, 1, 1], [], []>, transpose_lhs_hint = false} : vector<1000x256xf32>, vector<256x256xf32>, vector<1000x256xf32> -> vector<1000x256xf32>
    %get3A_41 = arith.constant 0 : index
    %get3A_42 = arith.constant 0 : index
    %get3A_43 = vector.load %arg6[%get3A_41, %get3A_42] : memref<1x256xf32, #tpu.memory_space<vmem>>, vector<1x256xf32>
    %add3A_44 = vector.broadcast %get3A_43 : vector<1x256xf32> to vector<1000x256xf32>
    %add3A_45 = arith.addf %dot_general3A_40, %add3A_44 : vector<1000x256xf32>
    %get3A_46 = arith.constant 0 : index
    %get3A_47 = arith.constant 0 : index
    %get3A_48 = vector.load %arg5[%get3A_46, %get3A_47] : memref<256x256xf32, #tpu.memory_space<vmem>>, vector<256x256xf32>
    %dot_general3A_49 = arith.constant dense<0.000000e+00> : vector<1000x256xf32>
    %dot_general3A_50 = tpu.matmul %concatenate3A_36, %get3A_48, %dot_general3A_49 {dimension_numbers = #tpu.dot_dimension_numbers<[1], [0], [0], [1], [0, 0, 1, 1], [], []>, transpose_lhs_hint = false} : vector<1000x256xf32>, vector<256x256xf32>, vector<1000x256xf32> -> vector<1000x256xf32>
    %add3A_51 = arith.addf %add3A_45, %dot_general3A_50 : vector<1000x256xf32>
    %max3A_52 = arith.constant 0.000000e+00 : f32
    %max3A_53 = vector.broadcast %max3A_52 : f32 to vector<1000x256xf32>
    %max3A_54 = arith.maximumf %add3A_51, %max3A_53 : vector<1000x256xf32>
    %swap3A = arith.constant 0 : index
    %swap3A_55 = arith.constant 0 : index
    %swap3A_56 = vector.load %arg7[%swap3A, %swap3A_55] : memref<1000x256xf32, #tpu.memory_space<vmem>>, vector<1000x256xf32>
    tpu.vector_store %arg7[%swap3A, %swap3A_55], %max3A_54 {strides = array<i32>} : memref<1000x256xf32, #tpu.memory_space<vmem>>, vector<1000x256xf32>,
    return
  }
  func.func @transform_0(%arg0: i32) -> (i32, i32, i32) {
    %c0_i32 = arith.constant 0 : i32
    %c0_i32_0 = arith.constant 0 : i32
    %c0_i32_1 = arith.constant 0 : i32
    return %c0_i32, %arg0, %c0_i32_0 : i32, i32, i32
  }
  func.func @transform_1(%arg0: i32) -> (i32, i32, i32, i32) {
    %c0_i32 = arith.constant 0 : i32
    %c0_i32_0 = arith.constant 0 : i32
    %c0_i32_1 = arith.constant 0 : i32
    %c0_i32_2 = arith.constant 0 : i32
    return %c0_i32, %arg0, %c0_i32_0, %c0_i32_1 : i32, i32, i32, i32
  }
  func.func @transform_2(%arg0: i32) -> (i32, i32, i32) {
    %c0_i32 = arith.constant 0 : i32
    %c0_i32_0 = arith.constant 0 : i32
    %c0_i32_1 = arith.constant 0 : i32
    return %c0_i32, %arg0, %c0_i32_0 : i32, i32, i32
  }
  func.func @transform_3(%arg0: i32) -> (i32, i32) {
    %c0_i32 = arith.constant 0 : i32
    %c0_i32_0 = arith.constant 0 : i32
    %c0_i32_1 = arith.constant 0 : i32
    return %c0_i32, %c0_i32_0 : i32, i32
  }
  func.func @transform_4(%arg0: i32) -> (i32, i32) {
    %c0_i32 = arith.constant 0 : i32
    %c0_i32_0 = arith.constant 0 : i32
    %c0_i32_1 = arith.constant 0 : i32
    return %c0_i32, %c0_i32_0 : i32, i32
  }
  func.func @transform_5(%arg0: i32) -> (i32, i32) {
    %c0_i32 = arith.constant 0 : i32
    %c0_i32_0 = arith.constant 0 : i32
    %c0_i32_1 = arith.constant 0 : i32
    return %c0_i32, %c0_i32_0 : i32, i32
  }
  func.func @transform_6(%arg0: i32) -> (i32, i32) {
    %c0_i32 = arith.constant 0 : i32
    %c0_i32_0 = arith.constant 0 : i32
    return %arg0, %c0_i32 : i32, i32
  }
}

</mosaic_0001>

<sc_bundles>
// kernel: kernel.6.cloned.1.call-start
scs
__scs_entry_jumppad:
0x0: {  	(pc) =	sbr.rel $0x88, $3  }
0x1: {  	(tag) =	ssettag $0x0;
	lr =	simm.s32 $0x1  }
0x2: {  	[smem:$0x3F99] =	sst lr;
	_ =	strace $0xD0000000  }
0x3: {  	_ = 	snop  }
0x4: {  	_ = 	snop  }
0x5: {  	_ = 	snop  }
0x6: {  	_ = 	snop  }
0x7: {  	_ = 	snop  }
__scs_overlays_trampoline_lowered:
0x8: {  	[smem:$0x3FA8] =	sst s0  }
0x9: {  	[smem:$0x3FA9] =	sst s1  }
0xa: {  	[smem:$0x3FAA] =	sst s2  }
0xb: {  	[smem:$0x3FAB] =	sst s3  }
0xc: {  	[smem:$0x3FAC] =	sst s4  }
0xd: {  	[smem:$0x3FAD] =	sst s5  }
0xe: {  	[smem:$0x3FAE] =	sst s6  }
0xf: {  	[smem:$0x3FAF] =	sst s7  }
0x10: {  	[smem:$0x3FB0] =	sst s8  }
0x11: {  	[smem:$0x3FB1] =	sst s9;
	s0 =	simm.s32 @!p0 $0x0  }
0x12: {  	s1 =	sld [smem:$0x3F97];
	s0 =	simm.s32 @p0 $0x1  }
0x13: {  	[smem:$0x3FB2] =	sst s0;
	s0 =	simm.s32 @!p1 $0x0  }
0x14: {  	s2 =	sld [smem:$0x3F96];
	s0 =	simm.s32 @p1 $0x1  }
0x15: {  	[smem:$0x3FB3] =	sst s0;
	s0 =	simm.s32 @!p2 $0x0  }
0x16: {  	s3 =	sld [smem:$0x3FDB];
	s0 =	simm.s32 @p2 $0x1  }
0x17: {  	s4 =	simm.s32 $0x1BF5;
	[smem:$0x3FB5] =	sst s0  }
0x18: {  	s0 =	sld [smem:$0x3F98];
	_ =	swait.ge [sflag:s4], $0x0  }
0x19: {  	s7 =	sld [smem:$0x3F99]  }
0x1a: {  	s8 =	sadd.s32 $0xFFFFE003, lr  }
0x1b: {  	s9 =	sadd.s32 $0xFFFFFEF7, lr;
	s5 =	simm.s32 $0xFFFFFFFF;
	p2 =	slt.u32 s8, $0xFFFFF086  }
0x1c: {  	p1 =	slt.u32 s9, $0xF7A;
	s5 =	simm.s32 @!p2 $0x0  }
0x1d: {  	s5 =	simm.s32 @p1 $0x1;
	p0 =	seq.s32 s7, s2  }
0x1e: {  	s7 =	smul.u32 @!p0 $0xF7A, s2;
	p2 =	seq.s32 @!p0 s5, $0x0  }
0x1f: {  	s9 =	smul.u32 $0xF7A, s1;
	s8 =	simm.s32 @!p0 $0x1BF5;
	p2 =	por !p2, p0  }
0x20: {  	[sflag:s8] =	ssyncset.s32 @!p0 $0xFFFFF086;
	s6 =	sadd.s32 @!p0 s3, s7;
	s7 =	simm.s32 @!p0 $0x108  }
0x21: {  	s3 =	sadd.s32 s3, s9;
	s6 =	sadd.s32 @!p0 $0x88, s6;
	s7 =	simm.s32 @p2 $0x1082  }
0x22: {  	[simem:s7], [sflag:s8] =	dma.local @!p0 [hbm:s6], $0xF7A  }
0x23: {  	s9 =	sor.u32 $0xD0000000, s2;
	s6 =	simm.s32 $0x108;
	_ =	swait.ge @!p0 [sflag:s8], $0x0  }
0x24: {  	s3 =	sadd.s32 $0x88, s3;
	s6 =	simm.s32 @!p1 $0x1082;
	[sflag:s4] =	ssyncset.s32 $0xFFFFF086  }
0x25: {  	[simem:s6], [sflag:s4] =	dma.local [hbm:s3], $0xF7A  }
0x26: {  	[smem:$0x3F99] =	sst s1;
	(tag) =	ssettag s2;
	_ =	strace s9  }
0x27: {  	s1 =	sld [smem:$0x3FA9]  }
0x28: {  	s2 =	sld [smem:$0x3FAA]  }
0x29: {  	s4 =	sld [smem:$0x3FAC]  }
0x2a: {  	p0 =	seq.s32 s5, $0x0;
	s5 =	sld [smem:$0x3FAD]  }
0x2b: {  	s6 =	sld [smem:$0x3FAE]  }
0x2c: {  	s7 =	sld [smem:$0x3FAF]  }
0x2d: {  	s3 =	simm.s32 $0x108;
	s8 =	sld [smem:$0x3FB0]  }
0x2e: {  	s3 =	simm.s32 @!p0 $0x1082;
	s9 =	sld [smem:$0x3FB1]  }
0x2f: {  	lr =	sadd.s32 s0, s3;
	s0 =	sld [smem:$0x3FA8]  }
0x30: {  	s3 =	sld [smem:$0x3FAB]  }
0x31: {  	[smem:$0x3FB4] =	sst s10  }
0x32: {  	s10 =	sld [smem:$0x3FB2];
	_ =	sdelay $0x3  }
0x33: {  	p0 =	seq.s32 s10, $0x1;
	s10 =	sld [smem:$0x3FB4];
	_ =	sdelay $0x3  }
0x34: {  	[smem:$0x3FB4] =	sst s10  }
0x35: {  	s10 =	sld [smem:$0x3FB3];
	_ =	sdelay $0x3  }
0x36: {  	p1 =	seq.s32 s10, $0x1;
	s10 =	sld [smem:$0x3FB4];
	_ =	sdelay $0x3  }
0x37: {  	[smem:$0x3FB4] =	sst s10  }
0x38: {  	s10 =	sld [smem:$0x3FB5]  }
0x39: {  	_ = 	snop;
	(pc) =	sbr.ind lr, $3  }
0x3a: {  	_ = 	snop  }
0x3b: {  	_ = 	snop  }
0x3c: {  	p2 =	seq.s32 s10, $0x1;
	s10 =	sld [smem:$0x3FB4]  }
0x3d: {  	_ =	shalt  }
0x3e: {  	_ =	shalt  }
0x3f: {  	_ =	shalt  }
0x40: {  	_ =	shalt  }
0x41: {  	_ =	shalt  }
0x42: {  	_ =	shalt  }
0x43: {  	_ =	shalt  }
0x44: {  	_ =	shalt  }
0x45: {  	_ =	shalt  }
0x46: {  	_ =	shalt  }
0x47: {  	_ =	shalt  }
0x48: {  	_ =	shalt  }
0x49: {  	_ =	shalt  }
0x4a: {  	_ =	shalt  }
0x4b: {  	_ =	shalt  }
0x4c: {  	_ =	shalt  }
0x4d: {  	_ =	shalt  }
0x4e: {  	_ =	shalt  }
0x4f: {  	_ =	shalt  }
0x50: {  	_ =	shalt  }
0x51: {  	_ =	shalt  }
0x52: {  	_ =	shalt  }
0x53: {  	_ =	shalt  }
0x54: {  	_ =	shalt  }
0x55: {  	_ =	shalt  }
0x56: {  	_ =	shalt  }
0x57: {  	_ =	shalt  }
0x58: {  	_ =	shalt  }
0x59: {  	_ =	shalt  }
0x5a: {  	_ =	shalt  }
0x5b: {  	_ =	shalt  }
0x5c: {  	_ =	shalt  }
0x5d: {  	_ =	shalt  }
0x5e: {  	_ =	shalt  }
0x5f: {  	_ =	shalt  }
0x60: {  	_ =	shalt  }
0x61: {  	_ =	shalt  }
0x62: {  	_ =	shalt  }
0x63: {  	_ =	shalt  }
0x64: {  	_ =	shalt  }
0x65: {  	_ =	shalt  }
0x66: {  	_ =	shalt  }
0x67: {  	_ =	shalt  }
0x68: {  	_ =	shalt  }
0x69: {  	_ =	shalt  }
0x6a: {  	_ =	shalt  }
0x6b: {  	_ =	shalt  }
0x6c: {  	_ =	shalt  }
0x6d: {  	_ =	shalt  }
0x6e: {  	_ =	shalt  }
0x6f: {  	_ =	shalt  }
0x70: {  	_ =	shalt  }
0x71: {  	_ =	shalt  }
0x72: {  	_ =	shalt  }
0x73: {  	_ =	shalt  }
0x74: {  	_ =	shalt  }
0x75: {  	_ =	shalt  }
0x76: {  	_ =	shalt  }
0x77: {  	_ =	shalt  }
0x78: {  	_ =	shalt  }
0x79: {  	_ =	shalt  }
0x7a: {  	_ =	shalt  }
0x7b: {  	_ =	shalt  }
0x7c: {  	_ =	shalt  }
0x7d: {  	_ =	shalt  }
0x7e: {  	_ =	shalt  }
0x7f: {  	_ =	shalt  }
0x80: {  	_ =	shalt  }
0x81: {  	_ =	shalt  }
0x82: {  	_ =	shalt  }
0x83: {  	_ =	shalt  }
0x84: {  	_ =	shalt  }
0x85: {  	_ =	shalt  }
0x86: {  	_ =	shalt  }
0x87: {  	_ =	shalt  }
.Lfunc_end0:
.L_simem_size_0:
called_computation_lowered:
.L_overlay_start_0:
0x88: {  	s2 =	sld [smem:$0x3FD9]  }
0x89: {  	s3 =	sld [smem:$0x3FFE];
	_ =	sdelay $0x1  }
0x8a: {  	s1 =	srdreg.scid  }
0x8b: {  	s0 =	sand.u32 $0x1, s1  }
0x8c: {  	s17 =	sshll.u32 s0, $0xA;
	s2 =	sadd.s32 s3, s2  }
0x8d: {  	s2 =	sadd.s32 s2, s17  }
0x8e: {  	[smem:$0x3FC0] =	sst s2  }
0x8f: {  	_ = 	snop  }
0x90: {  	s2 =	sld [smem:$0x3FD0];
	(tm) =	ssettm $0x1  }
0x91: {  	s18 =	sld [smem:$0x3FFB];
	_ =	sdelay $0x3  }
0x92: {  	_ =	strace s18  }
0x93: {  	s3 =	sld [smem:$0x3FFC];
	_ =	sdelay $0x3  }
0x94: {  	_ =	strace s3  }
0x95: {  	s3 =	sld [smem:$0x3FFD];
	_ =	sdelay $0x3  }
0x96: {  	_ =	strace s3  }
0x97: {  	_ =	strace $0x8FFFFFFF  }
0x98: {  	s19 =	sld [smem:$0x3FDB];
	_ =	sdelay $0x1  }
0x99: {  	s4 =	simm.s32 $_scs_section_size  }
0x9a: {  	s5 =	simm.s32 $_size__tile_overlayer_lowered;
	s6 =	simm.s32 $_tile_overlayer_lowered  }
0x9b: {  	s22 =	simm.s32 $0x1BFF;
	s21 =	sshll.u32 s6, $0x1;
	s3 =	sadd.s32 s4, s19  }
0x9c: {  	s7 =	simm.s32 $0x0;
	s20 =	sshll.u32 s5, $0x1;
	s5 =	sadd.s32 s21, s3  }
0x9d: {  	[timem:s7], [sflag:s22] =	dma.local [hbm:s5], s20  }
0x9e: {  	_ =	swait.ge [sflag:s22], s20  }
0x9f: {  	s4 =	ssub.s32 $0x0, s20;
	[sflag:s22] =	ssyncset.done $0x0  }
0xa0: {  	[sflag:s22] =	ssyncadd.s32 s4;
	_ =	sdelay $0x1  }
0xa1: {  	s23 =	simm.s32 $0x1B8B  }
0xa2: {  	_ =	swait.ge [sflag:s23], $0x1  }
0xa3: {  	[sflag:s23] =	ssyncset.done $0x0  }
0xa4: {  	s25 =	simm.s32 $0x1B8E;
	s24 =	sld [smem:$0x3FFE];
	[sflag:s23] =	ssyncadd.s32 $0xFFFFFFFF  }
0xa5: {  	s26 =	simm.s32 $execute0_lowered;
	[smem:$0x3FD2] =	sst s25  }
0xa6: {  	s5 =	sshll.u32 s26, $0x1;
	_ =	strace $0x80000046;
	[dreg:$0x1] =	wrdreg $0xFFFFFFFF  }
0xa7: {  	s28 =	simm.s32 $_size_execute0_lowered;
	s3 =	sadd.s32 s3, s5;
	[dreg:$0x0] =	wrdreg $0x0  }
0xa8: {  	s5 =	sshll.u32 s28, $0x1;
	[dreg:$0x2] =	wrdreg s3  }
0xa9: {  	[dreg:$0x3] =	wrdreg s5  }
0xaa: {  	[dreg:$0x4] =	wrdreg $0xC0  }
0xab: {  	_ =	task [dreg:s7], $0x5FFFF  }
0xac: {  	[dreg:$0x1] =	wrdreg $0xFFFFFFFF  }
0xad: {  	[dreg:$0x0] =	wrdreg $0x60  }
0xae: {  	[dreg:$0x2] =	wrdreg s2  }
0xaf: {  	[dreg:$0x3] =	wrdreg s24  }
0xb0: {  	[dreg:$0x4] =	wrdreg $0x42000  }
0xb1: {  	[dreg:$0x5] =	wrdreg $0x181000  }
0xb2: {  	[dreg:$0x6] =	wrdreg $0x9  }
0xb3: {  	_ =	task.clear_ibuf [dreg:s7], $0x7FFFF;
	_ =	strace $0x90000046  }
0xb4: {  	s29 =	simm.s32 $0x9;
	_ =	strace $0x80000048  }
0xb5: {  	_ =	swait.ge [sflag:s29], $0x1  }
0xb6: {  	[sflag:s29] =	ssyncadd.s32 $0xFFFFFFFF  }
0xb7: {  	_ =	strace $0x90000048  }
0xb8: {  	_ =	sfence  }
0xb9: {  	s30 =	sld [smem:$0x0];
	_ =	sdelay $0x2  }
0xba: {  	s31 =	sshll.u32 s1, $0xD;
	s1 =	sshrl.u32 s1, $0x2  }
0xbb: {  	s3 =	sand.u32 $0x4000, s31;
	s1 =	sadd.s32 s1, s30  }
0xbc: {  	s0 =	sor.u32 s3, s0;
	s1 =	sshll.u32 s1, $0x11  }
0xbd: {  	s0 =	sor.u32 s1, s0  }
0xbe: {  	s0 =	sadd.s32 $0x8F2B, s0  }
0xbf: {  	[sflag:s0] =	ssyncadd.remote.s32 $0x1  }
0xc0: {  	_ =	sfence.sel $0xFFFF  }
0xc1: {  	[dreg:$0x0] =	wrdreg $0xFFFFFFFF;
	(pc) =	sbr.abs _section_cstart, $3  }
0xc2: {  	[dreg:$0x1] =	wrdreg $0xFFFFFFFF  }
0xc3: {  	_ =	task.clear_ibuf [dreg:s7], $0x2FFFF;
	_ =	strace $0x9FFFFFFF  }
0xc4: {  	(tm) =	ssettm $0x7FFFFFFF  }
0xc5: {  	_ =	shalt  }
tec
execute0_lowered:
.L_overlay_start_1:
0x0: {  	(tag) =	ssettag $0x1  }
0x1: {  	s4 =	rddreg [dreg:$0x1]  }
0x2: {  	s23 =	stileid.u32;
	s1 =	simm.s32 $0x0;
	s2 =	srdreg.scid  }
0x3: {  	s28 =	simm.s32 $0x1;
	s29 =	simm.s32 $0x80;
	s30 =	simm.s32 $0x2  }
0x4: {  	s31 =	simm.s32 $0x180;
	s0 =	smul.u32 $0x13C0, s23;
	[smem:$0x7FF] =	sst s1  }
0x5: {  	s5 =	sand.u32 $0x1, s2;
	s3 =	smul.u32 $0x270, s23;
	s6 =	sadd.s32 $0x16C00, s4  }
0x6: {  	s7 =	sadd.s32 $0x16200, s4;
	p2 =	sne.s32 s23, $0xF;
	s13 =	ssub.s32 $0x2, s5  }
0x7: {  	s11 =	smul.u32 $0x138800, s5;
	p0 =	sne.s32 s5, $0x0;
	s2 =	sadd.s32 s0, s4  }
0x8: {  	s0 =	smul.u32 $0x2710, s5;
	s8 =	sadd.s32 $0x240, s3;
	s9 =	sshrl.u32 s13, $0x1  }
0x9: {  	s12 =	sadd.s32 $0x40, s3;
	s4 =	ssub.s32 s13, s9;
	s16 =	sshrl.u32 s11, $0x3  }
0xa: {  	s13 =	sadd.s32 $0x80, s3;
	s10 =	sadd.s32 s0, s8;
	s15 =	sadd.s32 s3, s0  }
0xb: {  	s18 =	sshrl.u32 s0, $0x3;
	s19 =	sadd.s32 s0, s12;
	s20 =	sadd.s32 s0, s13  }
0xc: {  	s14 =	sshll.u32 s10, $0x4;
	s17 =	sshrl.u32 s15, $0x3;
	s10 =	sshll.u32 s15, $0x4  }
0xd: {  	s15 =	sadd.s32 $0xC0, s3;
	s21 =	sshll.u32 s20, $0x4;
	s20 =	sadd.s32 $0x180, s3  }
0xe: {  	s9 =	sadd.s32 s6, s14;
	s11 =	sadd.s32 s7, s17;
	s7 =	sadd.s32 s7, s18  }
0xf: {  	s10 =	sadd.s32 s6, s10;
	s22 =	sadd.s32 s0, s15;
	[dreg:$0x5] =	wrdreg s9  }
0x10: {  	s18 =	sadd.s32 $0x100, s3;
	s14 =	sadd.s32 s0, s20;
	[dreg:$0x6] =	wrdreg s11  }
0x11: {  	s9 =	sadd.s32 s6, s16;
	[dreg:$0x7] =	wrdreg s10;
	s10 =	sshll.u32 s19, $0x4  }
0x12: {  	s24 =	sshll.u32 s22, $0x4;
	s25 =	sadd.s32 s0, s18;
	s19 =	sadd.s32 $0x140, s3  }
0x13: {  	s16 =	sshll.u32 s14, $0x4;
	s22 =	sadd.s32 $0x200, s3;
	s10 =	sadd.s32 s6, s10  }
0x14: {  	s26 =	sadd.s32 s0, s19;
	[dreg:$0x8] =	wrdreg s10;
	s10 =	sadd.s32 s6, s21  }
0x15: {  	s14 =	sadd.s32 s0, s22;
	[dreg:$0x9] =	wrdreg s10;
	s10 =	sadd.s32 s6, s24  }
0x16: {  	s11 =	sshll.u32 s26, $0x4;
	[dreg:$0xa] =	wrdreg s10;
	s10 =	sshll.u32 s25, $0x4  }
0x17: {  	s24 =	sshll.u32 s14, $0x4;
	s14 =	rddreg [dreg:$0x2];
	s10 =	sadd.s32 s6, s10  }
0x18: {  	p1 =	seq.s32 s5, $0x0;
	[dreg:$0xb] =	wrdreg s10;
	s10 =	sadd.s32 s6, s11  }
0x19: {  	s21 =	sadd.s32 $0x1C0, s3;
	s26 =	smul.u32 $0x9E0, s23;
	[dreg:$0xc] =	wrdreg s10  }
0x1a: {  	s17 =	sadd.s32 s0, s21;
	s10 =	sadd.s32 s6, s16;
	s16 =	rddreg [dreg:$0x3]  }
0x1b: {  	s25 =	smul.u32 $0x4F000, s23;
	[dreg:$0xd] =	wrdreg s10;
	s10 =	sshll.u32 s17, $0x4  }
0x1c: {  	s11 =	rddreg [dreg:$0x0];
	s3 =	sadd.s32 s3, s16;
	s10 =	sadd.s32 s6, s10  }
0x1d: {  	s6 =	sadd.s32 s6, s24;
	s24 =	sshrl.u32 s25, $0x2;
	[dreg:$0xe] =	wrdreg s10  }
0x1e: {  	s25 =	sshrl.u32 s26, $0x2;
	s26 =	sshll.u32 s8, $0x7;
	[dreg:$0xf] =	wrdreg s6  }
0x1f: {  	s17 =	sadd.s32 s24, s14;
	s5 =	sadd.s32 s25, s16;
	s8 =	sadd.s32 s26, s14  }
0x20: {  	s10 =	smul.u32 $0x4E000, s23;
	_ =	strace $0x80000047;
	[dreg:$0x10] =	wrdreg s5  }
0x21: {  	s24 =	sadd.s32 $0x27000, s9;
	s25 =	sadd.s32 $0x4E0, s7;
	[dreg:$0x11] =	wrdreg s8  }
0x22: {  	s26 =	smax.u32 s4, $0x1;
	s7 =	sshll.u32 s13, $0x7;
	[dreg:$0x12] =	wrdreg s24  }
0x23: {  	s9 =	sshll.u32 s18, $0x7;
	s13 =	sshll.u32 s20, $0x7;
	[dreg:$0x13] =	wrdreg s3  }
0x24: {  	s20 =	sadd.s32 $0x2600, s2;
	s23 =	sadd.s32 $0x138000, s14;
	[dreg:$0x14] =	wrdreg s25  }
0x25: {  	[dreg:$0x15] =	wrdreg s26;
	s5 =	sshll.u32 s12, $0x7;
	s8 =	sshll.u32 s15, $0x7  }
0x26: {  	s12 =	sshll.u32 s19, $0x7;
	s15 =	sshll.u32 s21, $0x7;
	[dreg:$0x1f] =	wrdreg s20  }
0x27: {  	s19 =	sshll.u32 s22, $0x7;
	s21 =	sadd.s32 $0x2620, s2;
	[smem:$0x7FA] =	sst s23  }
0x28: {  	s22 =	sadd.s32 $0x12000, s17;
	s24 =	sadd.s32 $0x2700, s16;
	[smem:$0x7F8] =	sst s21  }
0x29: {  	s25 =	sadd.s32 $0x2000, s17;
	s26 =	sadd.s32 $0x4000, s17;
	[smem:$0x7F9] =	sst s22  }
0x2a: {  	s20 =	sadd.s32 $0x10000, s17;
	s23 =	simm.s32 $0x17E80;
	[smem:$0x7FB] =	sst s24  }
0x2b: {  	s4 =	sshrl.u32 s10, $0x2;
	s6 =	sadd.s32 s5, s14;
	[smem:$0x7FC] =	sst s25  }
0x2c: {  	s10 =	sadd.s32 s9, s14;
	s18 =	sadd.s32 s15, s14;
	[smem:$0x7FD] =	sst s26  }
0x2d: {  	s5 =	sadd.s32 $0x2660, s2;
	s15 =	sadd.s32 $0xA000, s17;
	[dreg:$0x17] =	wrdreg s6  }
0x2e: {  	s21 =	simm.s32 $0x200;
	s22 =	simm.s32 $0x3;
	[dreg:$0x1a] =	wrdreg s10  }
0x2f: {  	s24 =	simm.s32 $0x40;
	s3 =	sadd.s32 s4, s14;
	[dreg:$0x1d] =	wrdreg s18  }
0x30: {  	s25 =	simm.s32 $0x100;
	[dreg:$0x16] =	wrdreg s3;
	s3 =	sadd.s32 s7, s14  }
0x31: {  	s26 =	simm.s32 $0x2200;
	[dreg:$0x18] =	wrdreg s3;
	s3 =	sadd.s32 s8, s14  }
0x32: {  	s10 =	sadd.s32 $0x6000, s17;
	[dreg:$0x19] =	wrdreg s3;
	s3 =	sadd.s32 s12, s14  }
0x33: {  	s18 =	sadd.s32 $0xC000, s17;
	[dreg:$0x1b] =	wrdreg s3;
	s3 =	sadd.s32 s13, s14  }
0x34: {  	s12 =	sadd.s32 $0x8000, s17;
	[dreg:$0x1c] =	wrdreg s3;
	s3 =	sadd.s32 s19, s14  }
0x35: {  	v1 =	vimm.f32 $0.0e+00;
	v2 =	vimm.f32 $1.000000000e+00;
	v0 =	vmov s0;
	s13 =	simm.s32 $0x0;
	s19 =	sadd.s32 $0xE000, s17;
	[dreg:$0x1e] =	wrdreg s3  }
.LBB2_1:
0x36: {  	s0 =	simm.s32 $0x0;
	s2 =	simm.s32 $0x200  }
.LBB2_2:
0x37: {  	p3 =	sne.s32 s2, $0x7E00;
	[tilespmem:s0+$0x270] =	vst v1  }
0x38: {  	[tilespmem:s0+$0x200] =	vst v1  }
0x39: {  	[tilespmem:s0+$0x210] =	vst v1  }
.Ltmp0:
0x3a: {  	[tilespmem:s0+$0x220] =	vst v1;
	(pc) =	sbr.rel @p3 .LBB2_2-.Ltmp0, $4  }
0x3b: {  	[tilespmem:s0+$0x230] =	vst v1  }
0x3c: {  	[tilespmem:s0+$0x240] =	vst v1  }
0x3d: {  	[tilespmem:s0+$0x250] =	vst v1  }
0x3e: {  	[tilespmem:s0+$0x260] =	vst v1;
	s0 =	sshra.s32 s2, $0x2;
	s2 =	sadd.s32 $0x200, s2  }
0x3f: {  	[tilespmem:s0+$0x270] =	vst v1  }
0x40: {  	[tilespmem:s0+$0x200] =	vst v1  }
0x41: {  	[tilespmem:s0+$0x210] =	vst v1  }
0x42: {  	[tilespmem:s0+$0x220] =	vst v1  }
0x43: {  	[tilespmem:s0+$0x230] =	vst v1  }
0x44: {  	[tilespmem:s0+$0x240] =	vst v1  }
0x45: {  	[tilespmem:s0+$0x250] =	vst v1  }
0x46: {  	[tilespmem:s0+$0x260] =	vst v1  }
0x47: {  	[tilespmem:$0x17E00] =	vst v2  }
0x48: {  	[tilespmem:$0x17E10] =	vst v2  }
0x49: {  	[tilespmem:$0x17E20] =	vst v2  }
0x4a: {  	[tilespmem:$0x17E30] =	vst v2  }
0x4b: {  	[tilespmem:$0x17E80] =	vst v1  }
0x4c: {  	[tilespmem:$0x17E90] =	vst v1  }
0x4d: {  	[tilespmem:$0x17EA0] =	vst v1  }
0x4e: {  	[tilespmem:$0x17EB0] =	vst v1  }
0x4f: {  	[tilespmem:$0x17EC0] =	vst v1  }
0x50: {  	[tilespmem:$0x17ED0] =	vst v1  }
0x51: {  	[tilespmem:$0x17EE0] =	vst v1  }
0x52: {  	[tilespmem:$0x17EF0] =	vst v1  }
0x53: {  	[tilespmem:$0x17F00] =	vst v1  }
0x54: {  	[tilespmem:$0x17F10] =	vst v1  }
0x55: {  	[tilespmem:$0x17F20] =	vst v1  }
0x56: {  	[tilespmem:$0x17F30] =	vst v1  }
0x57: {  	[tilespmem:$0x17F40] =	vst v1  }
0x58: {  	[tilespmem:$0x17F50] =	vst v1  }
0x59: {  	[tilespmem:$0x17F60] =	vst v1  }
0x5a: {  	[tilespmem:$0x17F70] =	vst v1  }
0x5b: {  	[tilespmem:$0x17F80] =	vst v1  }
0x5c: {  	[tilespmem:$0x17F90] =	vst v1  }
0x5d: {  	[tilespmem:$0x17FA0] =	vst v1  }
0x5e: {  	[tilespmem:$0x17FB0] =	vst v1  }
0x5f: {  	[tilespmem:$0x17FC0] =	vst v1  }
0x60: {  	[tilespmem:$0x17FD0] =	vst v1  }
0x61: {  	[tilespmem:$0x17FE0] =	vst v1  }
0x62: {  	[tilespmem:$0x17FF0] =	vst v1  }
0x63: {  	[tilespmem:$0x18000] =	vst v1  }
0x64: {  	[tilespmem:$0x18010] =	vst v1  }
0x65: {  	[tilespmem:$0x18020] =	vst v1  }
0x66: {  	[tilespmem:$0x18030] =	vst v1  }
0x67: {  	[tilespmem:$0x18040] =	vst v1  }
0x68: {  	[tilespmem:$0x18050] =	vst v1  }
0x69: {  	[tilespmem:$0x18060] =	vst v1  }
0x6a: {  	[tilespmem:$0x18070] =	vst v1  }
0x6b: {  	[tilespmem:$0x18080] =	vst v1  }
0x6c: {  	[tilespmem:$0x18090] =	vst v1  }
0x6d: {  	[tilespmem:$0x180A0] =	vst v1  }
0x6e: {  	[tilespmem:$0x180B0] =	vst v1  }
0x6f: {  	[tilespmem:$0x180C0] =	vst v1  }
0x70: {  	[tilespmem:$0x180D0] =	vst v1  }
0x71: {  	[tilespmem:$0x180E0] =	vst v1  }
0x72: {  	[tilespmem:$0x180F0] =	vst v1  }
0x73: {  	[spmem:s17] =	stream.linear.scatter [tilespmem:s21], [sflag:$0x3], $0x2000, $0x38;
	[tilespmem:$0x18378] =	vst v63  }
0x74: {  	_ =	swait.ge [sflag:s22], $0x2000  }
0x75: {  	s3 =	sld [smem:$0x7FC]  }
0x76: {  	[sflag:s22] =	ssyncset.done $0x0  }
0x77: {  	[sflag:s22] =	ssyncadd.s32 $0xFFFFE000  }
0x78: {  	[spmem:s3] =	stream.linear.scatter [tilespmem:s21], [sflag:$0x3], $0x2000, $0x38;
	[tilespmem:$0x18378] =	vst v63  }
0x79: {  	_ =	swait.ge [sflag:s22], $0x2000  }
0x7a: {  	s4 =	sld [smem:$0x7FD]  }
0x7b: {  	[sflag:s22] =	ssyncset.done $0x0  }
0x7c: {  	[sflag:s22] =	ssyncadd.s32 $0xFFFFE000  }
0x7d: {  	[spmem:s4] =	stream.linear.scatter [tilespmem:s21], [sflag:$0x3], $0x2000, $0x38;
	[tilespmem:$0x18378] =	vst v63  }
0x7e: {  	_ =	swait.ge [sflag:s22], $0x2000  }
0x7f: {  	[sflag:s22] =	ssyncset.done $0x0  }
0x80: {  	[sflag:s22] =	ssyncadd.s32 $0xFFFFE000  }
0x81: {  	[spmem:s10] =	stream.linear.scatter [tilespmem:s21], [sflag:$0x3], $0x2000, $0x38;
	[tilespmem:$0x18378] =	vst v63  }
0x82: {  	_ =	swait.ge [sflag:s22], $0x2000  }
0x83: {  	[sflag:s22] =	ssyncset.done $0x0  }
0x84: {  	[sflag:s22] =	ssyncadd.s32 $0xFFFFE000  }
0x85: {  	[spmem:s12] =	stream.linear.scatter [tilespmem:s21], [sflag:$0x3], $0x2000, $0x38;
	[tilespmem:$0x18378] =	vst v63  }
0x86: {  	_ =	swait.ge [sflag:s22], $0x2000  }
0x87: {  	[sflag:s22] =	ssyncset.done $0x0  }
0x88: {  	[sflag:s22] =	ssyncadd.s32 $0xFFFFE000  }
0x89: {  	[spmem:s15] =	stream.linear.scatter [tilespmem:s21], [sflag:$0x3], $0x2000, $0x38;
	[tilespmem:$0x18378] =	vst v63  }
0x8a: {  	_ =	swait.ge [sflag:s22], $0x2000  }
0x8b: {  	[sflag:s22] =	ssyncset.done $0x0  }
0x8c: {  	[sflag:s22] =	ssyncadd.s32 $0xFFFFE000  }
0x8d: {  	[spmem:s18] =	stream.linear.scatter [tilespmem:s21], [sflag:$0x3], $0x2000, $0x38;
	[tilespmem:$0x18378] =	vst v63  }
0x8e: {  	_ =	swait.ge [sflag:s22], $0x2000  }
0x8f: {  	[sflag:s22] =	ssyncset.done $0x0  }
0x90: {  	[sflag:s22] =	ssyncadd.s32 $0xFFFFE000  }
0x91: {  	[spmem:s19] =	stream.linear.scatter [tilespmem:s21], [sflag:$0x3], $0x2000, $0x38;
	[tilespmem:$0x18378] =	vst v63  }
0x92: {  	_ =	swait.ge [sflag:s22], $0x2000  }
0x93: {  	[sflag:s22] =	ssyncset.done $0x0  }
0x94: {  	[sflag:s22] =	ssyncadd.s32 $0xFFFFE000  }
0x95: {  	[spmem:s20] =	stream.linear.scatter [tilespmem:s21], [sflag:$0x3], $0x2000, $0x38;
	[tilespmem:$0x18378] =	vst v63  }
0x96: {  	_ =	swait.ge [sflag:s22], $0x2000  }
0x97: {  	s6 =	sld [smem:$0x7F9]  }
0x98: {  	[sflag:s22] =	ssyncset.done $0x0  }
0x99: {  	[sflag:s22] =	ssyncadd.s32 $0xFFFFE000  }
0x9a: {  	[spmem:s6] =	stream.linear.scatter [tilespmem:s21], [sflag:$0x3], $0x1C00, $0x38;
	[tilespmem:$0x18378] =	vst v63  }
0x9b: {  	_ =	swait.ge [sflag:s22], $0x1C00  }
0x9c: {  	[sflag:s22] =	ssyncset.done $0x0  }
0x9d: {  	s7 =	rddreg [dreg:$0x10];
	[sflag:s22] =	ssyncadd.s32 $0xFFFFE400  }
0x9e: {  	[spmem:s7] =	stream.linear.scatter [tilespmem:s23], [sflag:$0x3], $0x278, $0x38;
	[tilespmem:$0x18378] =	vst v63  }
0x9f: {  	_ =	swait.ge [sflag:s22], $0x278  }
0xa0: {  	[sflag:s22] =	ssyncset.done $0x0  }
0xa1: {  	[sflag:s22] =	ssyncadd.s32 $0xFFFFFD88  }
0xa2: {  	[bflag:$0x0] =	sbarrier.arrive $0xFFFF  }
0xa3: {  	s8 =	rddreg [dreg:$0x1f]  }
0xa4: {  	[tilespmem:s1], [sflag:$0x3] =	stream.linear.gather [hbm4b:s8+s1], $0x100, $0x38;
	[tilespmem:$0x18378] =	vst v63  }
0xa5: {  	_ =	swait.ge [sflag:s22], $0x100  }
0xa6: {  	[sflag:s22] =	ssyncset.done $0x0  }
0xa7: {  	[sflag:s22] =	ssyncadd.s32 $0xFFFFFF00  }
0xa8: {  	v3 =	vld [tilespmem:$0x0]  }
0xa9: {  	v4 =	vld [tilespmem:$0x10]  }
0xaa: {  	v5 =	vld [tilespmem:$0x20]  }
0xab: {  	v6 =	vld [tilespmem:$0x30];
	_ =	sdelay $0x1  }
0xac: {  	v3 =	vadd.s32 v0, v3  }
0xad: {  	[tilespmem:$0x0] =	vst v3;
	v3 =	vadd.s32 v0, v4  }
0xae: {  	[tilespmem:$0x10] =	vst v3;
	v3 =	vadd.s32 v0, v5  }
0xaf: {  	[tilespmem:$0x20] =	vst v3;
	v3 =	vadd.s32 v0, v6  }
0xb0: {  	s0 =	simm.s32 @!p0 $0x40;
	s2 =	simm.s32 @!p0 $0x80;
	s3 =	simm.s32 @!p0 $0x17E00;
	[tilespmem:$0x30] =	vst v3  }
0xb1: {  	[spmem:s16] =	stream.indirect.scatter.add.f32 @!p0 [tilespmem:s3], [sflag:$0x3], $0x1, s2, s0, $0xb8;
	[tilespmem:$0x18378] =	vst v63  }
0xb2: {  	s2 =	simm.s32 @!p0 $0x3  }
0xb3: {  	_ =	swait.ge @!p0 [sflag:s2], $0x40  }
0xb4: {  	[sflag:s2] =	ssyncset.done @!p0 $0x0  }
0xb5: {  	s4 =	sld [smem:$0x7F8];
	[sflag:s2] =	ssyncadd.s32 @!p0 $0xFFFFFFC0  }
0xb6: {  	[tilespmem:s21], [sflag:$0x1] =	stream.indirect.gather [hbm4b:s11+s24], $0x80, s1, s24, $0xb8;
	[tilespmem:$0x18378] =	vst v63  }
0xb7: {  	_ = 	snop  }
0xb8: {  	[tilespmem:s25], [sflag:$0x3] =	stream.linear.gather [hbm4b:s4+s1], $0x100, $0x38;
	[tilespmem:$0x18378] =	vst v63  }
0xb9: {  	_ =	swait.ge [sflag:s22], $0x100  }
0xba: {  	[sflag:s22] =	ssyncset.done $0x0  }
0xbb: {  	[sflag:s22] =	ssyncadd.s32 $0xFFFFFF00  }
0xbc: {  	v3 =	vld [tilespmem:$0x100]  }
0xbd: {  	v57 =	vld [tilespmem:$0x110]  }
0xbe: {  	v58 =	vld [tilespmem:$0x120]  }
0xbf: {  	v59 =	vld [tilespmem:$0x130];
	_ =	sdelay $0x1  }
0xc0: {  	v3 =	vadd.s32 v0, v3  }
0xc1: {  	[tilespmem:$0x100] =	vst v3;
	v3 =	vadd.s32 v0, v57  }
0xc2: {  	[tilespmem:$0x110] =	vst v3;
	v3 =	vadd.s32 v0, v58  }
0xc3: {  	[tilespmem:$0x120] =	vst v3;
	v3 =	vadd.s32 v0, v59  }
0xc4: {  	s4 =	simm.s32 @!p0 $0x180;
	[tilespmem:$0x130] =	vst v3  }
0xc5: {  	[spmem:s16] =	stream.indirect.scatter.add.f32 @!p0 [tilespmem:s3], [sflag:$0x3], $0x1, s4, s0, $0xb8;
	[tilespmem:$0x18378] =	vst v63  }
0xc6: {  	_ =	swait.ge @!p0 [sflag:s2], $0x40  }
0xc7: {  	[sflag:s2] =	ssyncset.done @!p0 $0x0  }
0xc8: {  	[sflag:s2] =	ssyncadd.s32 @!p0 $0xFFFFFFC0  }
0xc9: {  	[tilespmem:s26], [sflag:$0x2] =	stream.indirect.gather [hbm4b:s11+s24], $0x80, s25, s24, $0xb8;
	[tilespmem:$0x18378] =	vst v63  }
0xca: {  	_ =	swait.ge [sflag:s28], $0x2000  }
0xcb: {  	[sflag:s28] =	ssyncset.done $0x0  }
0xcc: {  	[sflag:s28] =	ssyncadd.s32 $0xFFFFE000  }
0xcd: {  	[spmem:s14] =	stream.indirect.scatter.add.f32 [tilespmem:s21], [sflag:$0x3], $0x80, s29, s24, $0xb8;
	[tilespmem:$0x18378] =	vst v63  }
0xce: {  	_ =	swait.ge [sflag:s22], $0x2000  }
0xcf: {  	[sflag:s22] =	ssyncset.done $0x0  }
0xd0: {  	s9 =	sadd.s32 $0xFFFFFFE0, s5;
	[sflag:s22] =	ssyncadd.s32 $0xFFFFE000  }
0xd1: {  	[tilespmem:s1], [sflag:$0x3] =	stream.linear.gather [hbm4b:s9+s1], $0x100, $0x38;
	[tilespmem:$0x18378] =	vst v63  }
0xd2: {  	_ =	swait.ge [sflag:s22], $0x100  }
0xd3: {  	[sflag:s22] =	ssyncset.done $0x0  }
0xd4: {  	[sflag:s22] =	ssyncadd.s32 $0xFFFFFF00  }
0xd5: {  	v3 =	vld [tilespmem:$0x30]  }
0xd6: {  	v60 =	vld [tilespmem:$0x0]  }
0xd7: {  	v62 =	vld [tilespmem:$0x10]  }
0xd8: {  	v61 =	vld [tilespmem:$0x20];
	_ =	sdelay $0x1  }
0xd9: {  	v3 =	vadd.s32 v0, v3  }
0xda: {  	p3 =	por $0x0, $0x0;
	s0 =	simm.s32 $0x1;
	s2 =	simm.s32 $0x1;
	v4 =	vadd.s32 v0, v60;
	[tilespmem:$0x30] =	vst v3  }
0xdb: {  	s0 =	simm.s32 @!p1 $0x0;
	s2 =	simm.s32 @!p3 $0x0;
	v63 =	vadd.s32 v0, v62;
	[tilespmem:$0x0] =	vst v4  }
0xdc: {  	p3 =	seq.s32 s0, s2;
	v3 =	vadd.s32 v0, v61;
	[tilespmem:$0x10] =	vst v63  }
0xdd: {  	s2 =	simm.s32 @!p3 $0x40;
	s3 =	simm.s32 @!p3 $0x80;
	s4 =	simm.s32 @!p3 $0x17E00;
	[tilespmem:$0x20] =	vst v3  }
0xde: {  	[spmem:s16] =	stream.indirect.scatter.add.f32 @!p3 [tilespmem:s4], [sflag:$0x3], $0x1, s3, s2, $0xb8;
	[tilespmem:$0x18378] =	vst v63  }
0xdf: {  	s2 =	simm.s32 @!p3 $0x3  }
0xe0: {  	_ =	swait.ge @!p3 [sflag:s2], $0x40  }
0xe1: {  	[sflag:s2] =	ssyncset.done @!p3 $0x0  }
0xe2: {  	[sflag:s2] =	ssyncadd.s32 @!p3 $0xFFFFFFC0  }
0xe3: {  	[tilespmem:s21], [sflag:$0x1] =	stream.indirect.gather [hbm4b:s11+s24], $0x80, s1, s24, $0xb8;
	[tilespmem:$0x18378] =	vst v63  }
0xe4: {  	_ =	swait.ge [sflag:s30], $0x2000  }
0xe5: {  	[sflag:s30] =	ssyncset.done $0x0  }
0xe6: {  	[sflag:s30] =	ssyncadd.s32 $0xFFFFE000  }
0xe7: {  	[spmem:s14] =	stream.indirect.scatter.add.f32 [tilespmem:s26], [sflag:$0x3], $0x80, s31, s24, $0xb8;
	[tilespmem:$0x18378] =	vst v63  }
0xe8: {  	_ =	swait.ge [sflag:s22], $0x2000  }
0xe9: {  	[sflag:s22] =	ssyncset.done $0x0  }
0xea: {  	[sflag:s22] =	ssyncadd.s32 $0xFFFFE000  }
0xeb: {  	[tilespmem:s25], [sflag:$0x3] =	stream.linear.gather [hbm4b:s5+s1], $0x100, $0x38;
	[tilespmem:$0x18378] =	vst v63  }
0xec: {  	_ =	swait.ge [sflag:s22], $0x100  }
0xed: {  	s3 =	simm.s32 $0x1;
	[sflag:s22] =	ssyncset.done $0x0  }
0xee: {  	s4 =	smov.u32 s5;
	s2 =	simm.s32 $0x0;
	[sflag:s22] =	ssyncadd.s32 $0xFFFFFF00  }
.LBB2_4:
0xef: {  	v3 =	vld [tilespmem:$0x130];
	s4 =	sadd.s32 $0x40, s4;
	s6 =	smov.u32 s3;
	s3 =	sadd.s32 $0x1, s3  }
0xf0: {  	p3 =	sne.s32 s3, $0x4E;
	v4 =	vld [tilespmem:$0x120]  }
0xf1: {  	v5 =	vld [tilespmem:$0x110]  }
0xf2: {  	p4 =	sgt.u32 s2, $0x25;
	s2 =	smov.u32 s6;
	s6 =	simm.s32 $0x1;
	v6 =	vld [tilespmem:$0x100]  }
0xf3: {  	s6 =	simm.s32 @!p4 $0x0  }
0xf4: {  	p4 =	seq.s32 s0, s6;
	v3 =	vadd.s32 v0, v3  }
0xf5: {  	s6 =	simm.s32 @!p4 $0x40;
	s7 =	simm.s32 @!p4 $0x180;
	s8 =	simm.s32 @!p4 $0x17E00;
	v4 =	vadd.s32 v0, v4;
	[tilespmem:$0x130] =	vst v3  }
0xf6: {  	v3 =	vadd.s32 v0, v5;
	[tilespmem:$0x120] =	vst v4  }
0xf7: {  	v4 =	vadd.s32 v0, v6;
	[tilespmem:$0x110] =	vst v3  }
0xf8: {  	s9 =	simm.s32 @!p4 $0x3;
	[tilespmem:$0x100] =	vst v4  }
0xf9: {  	[spmem:s16] =	stream.indirect.scatter.add.f32 @!p4 [tilespmem:s8], [sflag:$0x3], $0x1, s7, s6, $0xb8;
	[tilespmem:$0x18378] =	vst v63  }
0xfa: {  	_ =	swait.ge @!p4 [sflag:s9], $0x40  }
0xfb: {  	[sflag:s9] =	ssyncset.done @!p4 $0x0  }
0xfc: {  	[sflag:s9] =	ssyncadd.s32 @!p4 $0xFFFFFFC0  }
0xfd: {  	[tilespmem:s26], [sflag:$0x2] =	stream.indirect.gather [hbm4b:s11+s24], $0x80, s25, s24, $0xb8;
	[tilespmem:$0x18378] =	vst v63  }
0xfe: {  	_ =	swait.ge [sflag:s28], $0x2000  }
0xff: {  	[sflag:s28] =	ssyncset.done $0x0  }
0x100: {  	[sflag:s28] =	ssyncadd.s32 $0xFFFFE000  }
0x101: {  	[spmem:s14] =	stream.indirect.scatter.add.f32 [tilespmem:s21], [sflag:$0x3], $0x80, s29, s24, $0xb8;
	[tilespmem:$0x18378] =	vst v63  }
0x102: {  	_ =	swait.ge [sflag:s22], $0x2000  }
0x103: {  	[sflag:s22] =	ssyncset.done $0x0  }
0x104: {  	s6 =	sadd.s32 $0xFFFFFFE0, s4;
	[sflag:s22] =	ssyncadd.s32 $0xFFFFE000  }
0x105: {  	[tilespmem:s1], [sflag:$0x3] =	stream.linear.gather [hbm4b:s6+s1], $0x100, $0x38;
	[tilespmem:$0x18378] =	vst v63  }
0x106: {  	_ =	swait.ge [sflag:s22], $0x100  }
0x107: {  	p4 =	sgt.u32 s2, $0x26;
	s6 =	simm.s32 $0x1;
	[sflag:s22] =	ssyncset.done $0x0  }
0x108: {  	s6 =	simm.s32 @!p4 $0x0;
	[sflag:s22] =	ssyncadd.s32 $0xFFFFFF00  }
0x109: {  	p4 =	seq.s32 s0, s6;
	v3 =	vld [tilespmem:$0x30]  }
0x10a: {  	s6 =	simm.s32 @!p4 $0x40;
	s7 =	simm.s32 @!p4 $0x80;
	s8 =	simm.s32 @!p4 $0x17E00;
	v4 =	vld [tilespmem:$0x0]  }
0x10b: {  	v5 =	vld [tilespmem:$0x20]  }
0x10c: {  	s9 =	simm.s32 @!p4 $0x3;
	v6 =	vld [tilespmem:$0x10];
	_ =	sdelay $0x1  }
0x10d: {  	v3 =	vadd.s32 v0, v3  }
0x10e: {  	v4 =	vadd.s32 v0, v4;
	[tilespmem:$0x30] =	vst v3  }
0x10f: {  	[tilespmem:$0x0] =	vst v4;
	v3 =	vadd.s32 v0, v5  }
0x110: {  	v4 =	vadd.s32 v0, v6;
	[tilespmem:$0x20] =	vst v3  }
0x111: {  	[tilespmem:$0x10] =	vst v4  }
0x112: {  	[spmem:s16] =	stream.indirect.scatter.add.f32 @!p4 [tilespmem:s8], [sflag:$0x3], $0x1, s7, s6, $0xb8;
	[tilespmem:$0x18378] =	vst v63  }
0x113: {  	_ =	swait.ge @!p4 [sflag:s9], $0x40  }
0x114: {  	[sflag:s9] =	ssyncset.done @!p4 $0x0  }
0x115: {  	[sflag:s9] =	ssyncadd.s32 @!p4 $0xFFFFFFC0  }
0x116: {  	[tilespmem:s21], [sflag:$0x1] =	stream.indirect.gather [hbm4b:s11+s24], $0x80, s1, s24, $0xb8;
	[tilespmem:$0x18378] =	vst v63  }
0x117: {  	_ =	swait.ge [sflag:s30], $0x2000  }
0x118: {  	[sflag:s30] =	ssyncset.done $0x0  }
0x119: {  	[sflag:s30] =	ssyncadd.s32 $0xFFFFE000  }
0x11a: {  	[spmem:s14] =	stream.indirect.scatter.add.f32 [tilespmem:s26], [sflag:$0x3], $0x80, s31, s24, $0xb8;
	[tilespmem:$0x18378] =	vst v63  }
0x11b: {  	_ =	swait.ge [sflag:s22], $0x2000  }
0x11c: {  	[sflag:s22] =	ssyncset.done $0x0  }
.Ltmp1:
0x11d: {  	[sflag:s22] =	ssyncadd.s32 $0xFFFFE000;
	(pc) =	sbr.rel @p3 .LBB2_4-.Ltmp1, $4  }
0x11e: {  	[tilespmem:s25], [sflag:$0x3] =	stream.linear.gather [hbm4b:s4+s1], $0x100, $0x38;
	[tilespmem:$0x18378] =	vst v63  }
0x11f: {  	_ =	swait.ge [sflag:s22], $0x100  }
0x120: {  	[sflag:s22] =	ssyncset.done $0x0  }
0x121: {  	[sflag:s22] =	ssyncadd.s32 $0xFFFFFF00  }
0x122: {  	v3 =	vld [tilespmem:$0x130]  }
0x123: {  	v4 =	vld [tilespmem:$0x120]  }
0x124: {  	v6 =	vld [tilespmem:$0x100]  }
0x125: {  	v5 =	vld [tilespmem:$0x110];
	_ =	sdelay $0x1  }
0x126: {  	v3 =	vadd.s32 v0, v3  }
0x127: {  	p3 =	sgt.u32 s2, $0x25;
	s2 =	simm.s32 $0x1;
	v4 =	vadd.s32 v0, v4;
	[tilespmem:$0x130] =	vst v3  }
0x128: {  	s2 =	simm.s32 @!p3 $0x0;
	v63 =	vadd.s32 v0, v6;
	[tilespmem:$0x120] =	vst v4  }
0x129: {  	p3 =	seq.s32 s0, s2;
	v3 =	vadd.s32 v0, v5;
	[tilespmem:$0x100] =	vst v63  }
0x12a: {  	s0 =	simm.s32 @!p3 $0x40;
	s2 =	simm.s32 @!p3 $0x180;
	s3 =	simm.s32 @!p3 $0x17E00;
	[tilespmem:$0x110] =	vst v3  }
0x12b: {  	[spmem:s16] =	stream.indirect.scatter.add.f32 @!p3 [tilespmem:s3], [sflag:$0x3], $0x1, s2, s0, $0xb8;
	[tilespmem:$0x18378] =	vst v63  }
0x12c: {  	s0 =	simm.s32 @!p3 $0x3  }
0x12d: {  	_ =	swait.ge @!p3 [sflag:s0], $0x40  }
0x12e: {  	[sflag:s0] =	ssyncset.done @!p3 $0x0  }
0x12f: {  	[sflag:s0] =	ssyncadd.s32 @!p3 $0xFFFFFFC0  }
0x130: {  	[tilespmem:s26], [sflag:$0x2] =	stream.indirect.gather [hbm4b:s11+s24], $0x80, s25, s24, $0xb8;
	[tilespmem:$0x18378] =	vst v63  }
0x131: {  	_ =	swait.ge [sflag:s28], $0x2000  }
0x132: {  	[sflag:s28] =	ssyncset.done $0x0  }
0x133: {  	[sflag:s28] =	ssyncadd.s32 $0xFFFFE000  }
0x134: {  	[spmem:s14] =	stream.indirect.scatter.add.f32 [tilespmem:s21], [sflag:$0x3], $0x80, s29, s24, $0xb8;
	[tilespmem:$0x18378] =	vst v63  }
0x135: {  	_ =	swait.ge [sflag:s22], $0x2000  }
0x136: {  	[sflag:s22] =	ssyncset.done $0x0  }
0x137: {  	[sflag:s22] =	ssyncadd.s32 $0xFFFFE000  }
0x138: {  	_ =	swait.ge [sflag:s30], $0x2000  }
0x139: {  	[sflag:s30] =	ssyncset.done $0x0  }
0x13a: {  	[sflag:s30] =	ssyncadd.s32 $0xFFFFE000  }
0x13b: {  	[spmem:s14] =	stream.indirect.scatter.add.f32 [tilespmem:s26], [sflag:$0x3], $0x80, s31, s24, $0xb8;
	[tilespmem:$0x18378] =	vst v63  }
0x13c: {  	_ =	swait.ge [sflag:s22], $0x2000  }
0x13d: {  	[sflag:s22] =	ssyncset.done $0x0  }
0x13e: {  	[sflag:s22] =	ssyncadd.s32 $0xFFFFE000  }
0x13f: {  	[bflag:$0x0] =	sbarrier.arrive $0xFFFF  }
0x140: {  	s8 =	rddreg [dreg:$0x16]  }
0x141: {  	[tilespmem:s21], [sflag:$0x3] =	stream.linear.gather [spmem:s8], $0x2000, $0x38;
	[tilespmem:$0x18378] =	vst v63  }
0x142: {  	_ =	swait.ge [sflag:s22], $0x2000  }
0x143: {  	[sflag:s22] =	ssyncset.done $0x0  }
0x144: {  	s9 =	rddreg [dreg:$0x7];
	[sflag:s22] =	ssyncadd.s32 $0xFFFFE000  }
0x145: {  	[hbm4b:s9+s1] =	stream.linear.scatter [tilespmem:s21], [sflag:$0x3], $0x2000, $0x38;
	[tilespmem:$0x18378] =	vst v63  }
0x146: {  	_ =	swait.ge [sflag:s22], $0x2000  }
0x147: {  	[sflag:s22] =	ssyncset.done $0x0  }
0x148: {  	s2 =	rddreg [dreg:$0x17];
	[sflag:s22] =	ssyncadd.s32 $0xFFFFE000  }
0x149: {  	[tilespmem:s21], [sflag:$0x3] =	stream.linear.gather [spmem:s2], $0x2000, $0x38;
	[tilespmem:$0x18378] =	vst v63  }
0x14a: {  	_ =	swait.ge [sflag:s22], $0x2000  }
0x14b: {  	[sflag:s22] =	ssyncset.done $0x0  }
0x14c: {  	s3 =	rddreg [dreg:$0x8];
	[sflag:s22] =	ssyncadd.s32 $0xFFFFE000  }
0x14d: {  	[hbm4b:s3+s1] =	stream.linear.scatter [tilespmem:s21], [sflag:$0x3], $0x2000, $0x38;
	[tilespmem:$0x18378] =	vst v63  }
0x14e: {  	_ =	swait.ge [sflag:s22], $0x2000  }
0x14f: {  	[sflag:s22] =	ssyncset.done $0x0  }
0x150: {  	s4 =	rddreg [dreg:$0x18];
	[sflag:s22] =	ssyncadd.s32 $0xFFFFE000  }
0x151: {  	[tilespmem:s21], [sflag:$0x3] =	stream.linear.gather [spmem:s4], $0x2000, $0x38;
	[tilespmem:$0x18378] =	vst v63  }
0x152: {  	_ =	swait.ge [sflag:s22], $0x2000  }
0x153: {  	[sflag:s22] =	ssyncset.done $0x0  }
0x154: {  	s6 =	rddreg [dreg:$0x9];
	[sflag:s22] =	ssyncadd.s32 $0xFFFFE000  }
0x155: {  	[hbm4b:s6+s1] =	stream.linear.scatter [tilespmem:s21], [sflag:$0x3], $0x2000, $0x38;
	[tilespmem:$0x18378] =	vst v63  }
0x156: {  	_ =	swait.ge [sflag:s22], $0x2000  }
0x157: {  	[sflag:s22] =	ssyncset.done $0x0  }
0x158: {  	s7 =	rddreg [dreg:$0x19];
	[sflag:s22] =	ssyncadd.s32 $0xFFFFE000  }
0x159: {  	[tilespmem:s21], [sflag:$0x3] =	stream.linear.gather [spmem:s7], $0x2000, $0x38;
	[tilespmem:$0x18378] =	vst v63  }
0x15a: {  	_ =	swait.ge [sflag:s22], $0x2000  }
0x15b: {  	[sflag:s22] =	ssyncset.done $0x0  }
0x15c: {  	s8 =	rddreg [dreg:$0xa];
	[sflag:s22] =	ssyncadd.s32 $0xFFFFE000  }
0x15d: {  	[hbm4b:s8+s1] =	stream.linear.scatter [tilespmem:s21], [sflag:$0x3], $0x2000, $0x38;
	[tilespmem:$0x18378] =	vst v63  }
0x15e: {  	_ =	swait.ge [sflag:s22], $0x2000  }
0x15f: {  	[sflag:s22] =	ssyncset.done $0x0  }
0x160: {  	s9 =	rddreg [dreg:$0x1a];
	[sflag:s22] =	ssyncadd.s32 $0xFFFFE000  }
0x161: {  	[tilespmem:s21], [sflag:$0x3] =	stream.linear.gather [spmem:s9], $0x2000, $0x38;
	[tilespmem:$0x18378] =	vst v63  }
0x162: {  	_ =	swait.ge [sflag:s22], $0x2000  }
0x163: {  	[sflag:s22] =	ssyncset.done $0x0  }
0x164: {  	s2 =	rddreg [dreg:$0xb];
	[sflag:s22] =	ssyncadd.s32 $0xFFFFE000  }
0x165: {  	[hbm4b:s2+s1] =	stream.linear.scatter [tilespmem:s21], [sflag:$0x3], $0x2000, $0x38;
	[tilespmem:$0x18378] =	vst v63  }
0x166: {  	_ =	swait.ge [sflag:s22], $0x2000  }
0x167: {  	[sflag:s22] =	ssyncset.done $0x0  }
0x168: {  	s3 =	rddreg [dreg:$0x1b];
	[sflag:s22] =	ssyncadd.s32 $0xFFFFE000  }
0x169: {  	[tilespmem:s21], [sflag:$0x3] =	stream.linear.gather [spmem:s3], $0x2000, $0x38;
	[tilespmem:$0x18378] =	vst v63  }
0x16a: {  	_ =	swait.ge [sflag:s22], $0x2000  }
0x16b: {  	[sflag:s22] =	ssyncset.done $0x0  }
0x16c: {  	s4 =	rddreg [dreg:$0xc];
	[sflag:s22] =	ssyncadd.s32 $0xFFFFE000  }
0x16d: {  	[hbm4b:s4+s1] =	stream.linear.scatter [tilespmem:s21], [sflag:$0x3], $0x2000, $0x38;
	[tilespmem:$0x18378] =	vst v63  }
0x16e: {  	_ =	swait.ge [sflag:s22], $0x2000  }
0x16f: {  	[sflag:s22] =	ssyncset.done $0x0  }
0x170: {  	s6 =	rddreg [dreg:$0x1c];
	[sflag:s22] =	ssyncadd.s32 $0xFFFFE000  }
0x171: {  	[tilespmem:s21], [sflag:$0x3] =	stream.linear.gather [spmem:s6], $0x2000, $0x38;
	[tilespmem:$0x18378] =	vst v63  }
0x172: {  	_ =	swait.ge [sflag:s22], $0x2000  }
0x173: {  	[sflag:s22] =	ssyncset.done $0x0  }
0x174: {  	s7 =	rddreg [dreg:$0xd];
	[sflag:s22] =	ssyncadd.s32 $0xFFFFE000  }
0x175: {  	[hbm4b:s7+s1] =	stream.linear.scatter [tilespmem:s21], [sflag:$0x3], $0x2000, $0x38;
	[tilespmem:$0x18378] =	vst v63  }
0x176: {  	_ =	swait.ge [sflag:s22], $0x2000  }
0x177: {  	[sflag:s22] =	ssyncset.done $0x0  }
0x178: {  	s8 =	rddreg [dreg:$0x1d];
	[sflag:s22] =	ssyncadd.s32 $0xFFFFE000  }
0x179: {  	[tilespmem:s21], [sflag:$0x3] =	stream.linear.gather [spmem:s8], $0x2000, $0x38;
	[tilespmem:$0x18378] =	vst v63  }
0x17a: {  	_ =	swait.ge [sflag:s22], $0x2000  }
0x17b: {  	[sflag:s22] =	ssyncset.done $0x0  }
0x17c: {  	s9 =	rddreg [dreg:$0xe];
	[sflag:s22] =	ssyncadd.s32 $0xFFFFE000  }
0x17d: {  	[hbm4b:s9+s1] =	stream.linear.scatter [tilespmem:s21], [sflag:$0x3], $0x2000, $0x38;
	[tilespmem:$0x18378] =	vst v63  }
0x17e: {  	_ =	swait.ge [sflag:s22], $0x2000  }
0x17f: {  	[sflag:s22] =	ssyncset.done $0x0  }
0x180: {  	s2 =	rddreg [dreg:$0x1e];
	[sflag:s22] =	ssyncadd.s32 $0xFFFFE000  }
0x181: {  	[tilespmem:s21], [sflag:$0x3] =	stream.linear.gather [spmem:s2], $0x2000, $0x38;
	[tilespmem:$0x18378] =	vst v63  }
0x182: {  	_ =	swait.ge [sflag:s22], $0x2000  }
0x183: {  	[sflag:s22] =	ssyncset.done $0x0  }
0x184: {  	s3 =	rddreg [dreg:$0xf];
	[sflag:s22] =	ssyncadd.s32 $0xFFFFE000  }
0x185: {  	[hbm4b:s3+s1] =	stream.linear.scatter [tilespmem:s21], [sflag:$0x3], $0x2000, $0x38;
	[tilespmem:$0x18378] =	vst v63  }
0x186: {  	_ =	swait.ge [sflag:s22], $0x2000  }
0x187: {  	[sflag:s22] =	ssyncset.done $0x0  }
0x188: {  	s4 =	rddreg [dreg:$0x11];
	[sflag:s22] =	ssyncadd.s32 $0xFFFFE000  }
0x189: {  	[tilespmem:s21], [sflag:$0x3] =	stream.linear.gather [spmem:s4], $0x1800, $0x38;
	[tilespmem:$0x18378] =	vst v63  }
0x18a: {  	_ =	swait.ge [sflag:s22], $0x1800  }
0x18b: {  	[sflag:s22] =	ssyncset.done $0x0  }
0x18c: {  	s6 =	rddreg [dreg:$0x5];
	[sflag:s22] =	ssyncadd.s32 $0xFFFFE800  }
0x18d: {  	[hbm4b:s6+s1] =	stream.linear.scatter [tilespmem:s21], [sflag:$0x3], $0x1800, $0x38;
	[tilespmem:$0x18378] =	vst v63  }
0x18e: {  	_ =	swait.ge [sflag:s22], $0x1800  }
0x18f: {  	s2 =	sld [smem:$0x7FA]  }
0x190: {  	[sflag:s22] =	ssyncset.done $0x0  }
0x191: {  	s0 =	simm.s32 @!p2 $0x200;
	[sflag:s22] =	ssyncadd.s32 $0xFFFFE800  }
0x192: {  	[tilespmem:s0], [sflag:$0x3] =	stream.linear.gather @!p2 [spmem:s2], $0x800, $0x38;
	[tilespmem:$0x18378] =	vst v63  }
0x193: {  	s2 =	simm.s32 @!p2 $0x3  }
0x194: {  	_ =	swait.ge @!p2 [sflag:s2], $0x800  }
0x195: {  	[sflag:s2] =	ssyncset.done @!p2 $0x0  }
0x196: {  	s3 =	simm.s32 @!p2 $0x0;
	s4 =	rddreg [dreg:$0x12];
	[sflag:s2] =	ssyncadd.s32 @!p2 $0xFFFFF800  }
0x197: {  	[hbm4b:s4+s3] =	stream.linear.scatter @!p2 [tilespmem:s0], [sflag:$0x3], $0x800, $0x38;
	[tilespmem:$0x18378] =	vst v63  }
0x198: {  	_ =	swait.ge @!p2 [sflag:s2], $0x800  }
0x199: {  	[sflag:s2] =	ssyncset.done @!p2 $0x0  }
0x19a: {  	s7 =	rddreg [dreg:$0x13];
	[sflag:s2] =	ssyncadd.s32 @!p2 $0xFFFFF800  }
0x19b: {  	[tilespmem:s23], [sflag:$0x3] =	stream.linear.gather [spmem:s7], $0x270, $0x38;
	[tilespmem:$0x18378] =	vst v63  }
0x19c: {  	_ =	swait.ge [sflag:s22], $0x270  }
0x19d: {  	[sflag:s22] =	ssyncset.done $0x0  }
0x19e: {  	s8 =	rddreg [dreg:$0x6];
	[sflag:s22] =	ssyncadd.s32 $0xFFFFFD90  }
0x19f: {  	[hbm4b:s8+s1] =	stream.linear.scatter [tilespmem:s23], [sflag:$0x3], $0x270, $0x38;
	[tilespmem:$0x18378] =	vst v63  }
0x1a0: {  	_ =	swait.ge [sflag:s22], $0x270  }
0x1a1: {  	s4 =	sld [smem:$0x7FB]  }
0x1a2: {  	[sflag:s22] =	ssyncset.done $0x0  }
0x1a3: {  	s0 =	simm.s32 @!p2 $0x17E80;
	[sflag:s22] =	ssyncadd.s32 $0xFFFFFD90  }
0x1a4: {  	[tilespmem:s0], [sflag:$0x3] =	stream.linear.gather @!p2 [spmem:s4], $0x10, $0x38;
	[tilespmem:$0x18378] =	vst v63  }
0x1a5: {  	_ =	swait.ge @!p2 [sflag:s2], $0x10  }
0x1a6: {  	[sflag:s2] =	ssyncset.done @!p2 $0x0  }
0x1a7: {  	s4 =	rddreg [dreg:$0x14];
	[sflag:s2] =	ssyncadd.s32 @!p2 $0xFFFFFFF0  }
0x1a8: {  	[hbm4b:s4+s3] =	stream.linear.scatter @!p2 [tilespmem:s0], [sflag:$0x3], $0x10, $0x38;
	[tilespmem:$0x18378] =	vst v63  }
0x1a9: {  	_ =	swait.ge @!p2 [sflag:s2], $0x10  }
0x1aa: {  	s13 =	sadd.s32 $0x1, s13;
	s9 =	rddreg [dreg:$0x15]  }
0x1ab: {  	p3 =	sne.s32 s13, s9  }
.Ltmp2:
0x1ac: {  	_ = 	snop;
	(pc) =	sbr.rel @p3 .LBB2_1-.Ltmp2, $3  }
0x1ad: {  	_ =	sdelay $0x1  }
0x1ae: {  	[sflag:s2] =	ssyncset.done @!p2 $0x0  }
0x1af: {  	[sflag:s2] =	ssyncadd.s32 @!p2 $0xFFFFFFF0  }
0x1b0: {  	_ =	sfence.sel $0x180000  }
0x1b1: {  	[bflag:$0x0] =	sbarrier.arrive $0xFFFF  }
0x1b2: {  	_ =	strace $0x90000047  }
0x1b3: {  	s0 =	stileid.u32;
	[bflag:$0x2] =	sbarrier.arrive $0xFFFF  }
0x1b4: {  	p0 =	sne.s32 s0, $0x0;
	s0 =	rddreg [dreg:$0x4]  }
0x1b5: {  	s0 =	sadd.s32 @!p0 $0x100000, s0  }
0x1b6: {  	[sflag:s0] =	ssyncadd.tile.s32 @!p0 $0x1;
	_ =	shalt  }
.Lfunc_end2:
_tile_overlayer_lowered:
.L_overlay_start_2:
0x1b7: {  	(tag) =	ssettag $0x2  }
0x1b8: {  	s0 =	rddreg [dreg:$0x0];
	s2 =	stileid.u32  }
0x1b9: {  	s1 =	rddreg [dreg:$0x1];
	p0 =	sne.s32 s2, $0x0  }
0x1ba: {  	s3 =	rddreg [dreg:$0x2];
	[bflag:$0x3] =	sbarrier.arrive $0xFFFF;
	s2 =	simm.s32 @!p0 $0x1C03  }
0x1bb: {  	[timem:s3], [sflag:s2] =	dma.local @!p0 [hbm:s0], s1  }
0x1bc: {  	s0 =	simm.s32 @!p0 $0x3  }
0x1bd: {  	_ =	swait.ge @!p0 [sflag:s0], s1  }
0x1be: {  	s1 =	ssub.s32 @!p0 $0x0, s1;
	[sflag:s0] =	ssyncset.done @!p0 $0x0  }
0x1bf: {  	[sflag:s0] =	ssyncadd.s32 @!p0 s1  }
0x1c0: {  	[bflag:$0x3] =	sbarrier.arrive $0xFFFF  }
0x1c1: {  	_ =	shalt  }

// kernel: kernel.9.cloned.1.call-start
scs
__scs_entry_jumppad:
0x0: {  	(pc) =	sbr.rel $0x88, $3  }
0x1: {  	(tag) =	ssettag $0x0;
	lr =	simm.s32 $0x1  }
0x2: {  	[smem:$0x3F99] =	sst lr;
	_ =	strace $0xD0000000  }
0x3: {  	_ = 	snop  }
0x4: {  	_ = 	snop  }
0x5: {  	_ = 	snop  }
0x6: {  	_ = 	snop  }
0x7: {  	_ = 	snop  }
__scs_overlays_trampoline_lowered:
0x8: {  	[smem:$0x3FA8] =	sst s0  }
0x9: {  	[smem:$0x3FA9] =	sst s1  }
0xa: {  	[smem:$0x3FAA] =	sst s2  }
0xb: {  	[smem:$0x3FAB] =	sst s3  }
0xc: {  	[smem:$0x3FAC] =	sst s4  }
0xd: {  	[smem:$0x3FAD] =	sst s5  }
0xe: {  	[smem:$0x3FAE] =	sst s6  }
0xf: {  	[smem:$0x3FAF] =	sst s7  }
0x10: {  	[smem:$0x3FB0] =	sst s8  }
0x11: {  	[smem:$0x3FB1] =	sst s9;
	s0 =	simm.s32 @!p0 $0x0  }
0x12: {  	s1 =	sld [smem:$0x3F97];
	s0 =	simm.s32 @p0 $0x1  }
0x13: {  	[smem:$0x3FB2] =	sst s0;
	s0 =	simm.s32 @!p1 $0x0  }
0x14: {  	s2 =	sld [smem:$0x3F96];
	s0 =	simm.s32 @p1 $0x1  }
0x15: {  	[smem:$0x3FB3] =	sst s0;
	s0 =	simm.s32 @!p2 $0x0  }
0x16: {  	s3 =	sld [smem:$0x3FDB];
	s0 =	simm.s32 @p2 $0x1  }
0x17: {  	s4 =	simm.s32 $0x1BF5;
	[smem:$0x3FB5] =	sst s0  }
0x18: {  	s0 =	sld [smem:$0x3F98];
	_ =	swait.ge [sflag:s4], $0x0  }
0x19: {  	s7 =	sld [smem:$0x3F99]  }
0x1a: {  	s8 =	sadd.s32 $0xFFFFE003, lr  }
0x1b: {  	s9 =	sadd.s32 $0xFFFFFEF7, lr;
	s5 =	simm.s32 $0xFFFFFFFF;
	p2 =	slt.u32 s8, $0xFFFFF086  }
0x1c: {  	p1 =	slt.u32 s9, $0xF7A;
	s5 =	simm.s32 @!p2 $0x0  }
0x1d: {  	s5 =	simm.s32 @p1 $0x1;
	p0 =	seq.s32 s7, s2  }
0x1e: {  	s7 =	smul.u32 @!p0 $0xF7A, s2;
	p2 =	seq.s32 @!p0 s5, $0x0  }
0x1f: {  	s9 =	smul.u32 $0xF7A, s1;
	s8 =	simm.s32 @!p0 $0x1BF5;
	p2 =	por !p2, p0  }
0x20: {  	[sflag:s8] =	ssyncset.s32 @!p0 $0xFFFFF086;
	s6 =	sadd.s32 @!p0 s3, s7;
	s7 =	simm.s32 @!p0 $0x108  }
0x21: {  	s3 =	sadd.s32 s3, s9;
	s6 =	sadd.s32 @!p0 $0x88, s6;
	s7 =	simm.s32 @p2 $0x1082  }
0x22: {  	[simem:s7], [sflag:s8] =	dma.local @!p0 [hbm:s6], $0xF7A  }
0x23: {  	s9 =	sor.u32 $0xD0000000, s2;
	s6 =	simm.s32 $0x108;
	_ =	swait.ge @!p0 [sflag:s8], $0x0  }
0x24: {  	s3 =	sadd.s32 $0x88, s3;
	s6 =	simm.s32 @!p1 $0x1082;
	[sflag:s4] =	ssyncset.s32 $0xFFFFF086  }
0x25: {  	[simem:s6], [sflag:s4] =	dma.local [hbm:s3], $0xF7A  }
0x26: {  	[smem:$0x3F99] =	sst s1;
	(tag) =	ssettag s2;
	_ =	strace s9  }
0x27: {  	s1 =	sld [smem:$0x3FA9]  }
0x28: {  	s2 =	sld [smem:$0x3FAA]  }
0x29: {  	s4 =	sld [smem:$0x3FAC]  }
0x2a: {  	p0 =	seq.s32 s5, $0x0;
	s5 =	sld [smem:$0x3FAD]  }
0x2b: {  	s6 =	sld [smem:$0x3FAE]  }
0x2c: {  	s7 =	sld [smem:$0x3FAF]  }
0x2d: {  	s3 =	simm.s32 $0x108;
	s8 =	sld [smem:$0x3FB0]  }
0x2e: {  	s3 =	simm.s32 @!p0 $0x1082;
	s9 =	sld [smem:$0x3FB1]  }
0x2f: {  	lr =	sadd.s32 s0, s3;
	s0 =	sld [smem:$0x3FA8]  }
0x30: {  	s3 =	sld [smem:$0x3FAB]  }
0x31: {  	[smem:$0x3FB4] =	sst s10  }
0x32: {  	s10 =	sld [smem:$0x3FB2];
	_ =	sdelay $0x3  }
0x33: {  	p0 =	seq.s32 s10, $0x1;
	s10 =	sld [smem:$0x3FB4];
	_ =	sdelay $0x3  }
0x34: {  	[smem:$0x3FB4] =	sst s10  }
0x35: {  	s10 =	sld [smem:$0x3FB3];
	_ =	sdelay $0x3  }
0x36: {  	p1 =	seq.s32 s10, $0x1;
	s10 =	sld [smem:$0x3FB4];
	_ =	sdelay $0x3  }
0x37: {  	[smem:$0x3FB4] =	sst s10  }
0x38: {  	s10 =	sld [smem:$0x3FB5]  }
0x39: {  	_ = 	snop;
	(pc) =	sbr.ind lr, $3  }
0x3a: {  	_ = 	snop  }
0x3b: {  	_ = 	snop  }
0x3c: {  	p2 =	seq.s32 s10, $0x1;
	s10 =	sld [smem:$0x3FB4]  }
0x3d: {  	_ =	shalt  }
0x3e: {  	_ =	shalt  }
0x3f: {  	_ =	shalt  }
0x40: {  	_ =	shalt  }
0x41: {  	_ =	shalt  }
0x42: {  	_ =	shalt  }
0x43: {  	_ =	shalt  }
0x44: {  	_ =	shalt  }
0x45: {  	_ =	shalt  }
0x46: {  	_ =	shalt  }
0x47: {  	_ =	shalt  }
0x48: {  	_ =	shalt  }
0x49: {  	_ =	shalt  }
0x4a: {  	_ =	shalt  }
0x4b: {  	_ =	shalt  }
0x4c: {  	_ =	shalt  }
0x4d: {  	_ =	shalt  }
0x4e: {  	_ =	shalt  }
0x4f: {  	_ =	shalt  }
0x50: {  	_ =	shalt  }
0x51: {  	_ =	shalt  }
0x52: {  	_ =	shalt  }
0x53: {  	_ =	shalt  }
0x54: {  	_ =	shalt  }
0x55: {  	_ =	shalt  }
0x56: {  	_ =	shalt  }
0x57: {  	_ =	shalt  }
0x58: {  	_ =	shalt  }
0x59: {  	_ =	shalt  }
0x5a: {  	_ =	shalt  }
0x5b: {  	_ =	shalt  }
0x5c: {  	_ =	shalt  }
0x5d: {  	_ =	shalt  }
0x5e: {  	_ =	shalt  }
0x5f: {  	_ =	shalt  }
0x60: {  	_ =	shalt  }
0x61: {  	_ =	shalt  }
0x62: {  	_ =	shalt  }
0x63: {  	_ =	shalt  }
0x64: {  	_ =	shalt  }
0x65: {  	_ =	shalt  }
0x66: {  	_ =	shalt  }
0x67: {  	_ =	shalt  }
0x68: {  	_ =	shalt  }
0x69: {  	_ =	shalt  }
0x6a: {  	_ =	shalt  }
0x6b: {  	_ =	shalt  }
0x6c: {  	_ =	shalt  }
0x6d: {  	_ =	shalt  }
0x6e: {  	_ =	shalt  }
0x6f: {  	_ =	shalt  }
0x70: {  	_ =	shalt  }
0x71: {  	_ =	shalt  }
0x72: {  	_ =	shalt  }
0x73: {  	_ =	shalt  }
0x74: {  	_ =	shalt  }
0x75: {  	_ =	shalt  }
0x76: {  	_ =	shalt  }
0x77: {  	_ =	shalt  }
0x78: {  	_ =	shalt  }
0x79: {  	_ =	shalt  }
0x7a: {  	_ =	shalt  }
0x7b: {  	_ =	shalt  }
0x7c: {  	_ =	shalt  }
0x7d: {  	_ =	shalt  }
0x7e: {  	_ =	shalt  }
0x7f: {  	_ =	shalt  }
0x80: {  	_ =	shalt  }
0x81: {  	_ =	shalt  }
0x82: {  	_ =	shalt  }
0x83: {  	_ =	shalt  }
0x84: {  	_ =	shalt  }
0x85: {  	_ =	shalt  }
0x86: {  	_ =	shalt  }
0x87: {  	_ =	shalt  }
.Lfunc_end0:
.L_simem_size_0:
called_computation.1_lowered:
.L_overlay_start_0:
0x88: {  	s2 =	sld [smem:$0x3FD9]  }
0x89: {  	s3 =	sld [smem:$0x3FFE];
	_ =	sdelay $0x1  }
0x8a: {  	s1 =	srdreg.scid  }
0x8b: {  	s0 =	sand.u32 $0x1, s1  }
0x8c: {  	s17 =	sshll.u32 s0, $0xA;
	s2 =	sadd.s32 s3, s2  }
0x8d: {  	s2 =	sadd.s32 s2, s17  }
0x8e: {  	[smem:$0x3FC0] =	sst s2  }
0x8f: {  	_ = 	snop  }
0x90: {  	s2 =	sld [smem:$0x3FD0];
	(tm) =	ssettm $0x1  }
0x91: {  	s18 =	sld [smem:$0x3FFB];
	_ =	sdelay $0x3  }
0x92: {  	_ =	strace s18  }
0x93: {  	s3 =	sld [smem:$0x3FFC];
	_ =	sdelay $0x3  }
0x94: {  	_ =	strace s3  }
0x95: {  	s3 =	sld [smem:$0x3FFD];
	_ =	sdelay $0x3  }
0x96: {  	_ =	strace s3  }
0x97: {  	_ =	strace $0x8FFFFFFF  }
0x98: {  	s19 =	sld [smem:$0x3FDB];
	_ =	sdelay $0x1  }
0x99: {  	s4 =	simm.s32 $_scs_section_size  }
0x9a: {  	s5 =	simm.s32 $_size__tile_overlayer_lowered;
	s6 =	simm.s32 $_tile_overlayer_lowered  }
0x9b: {  	s22 =	simm.s32 $0x1BFF;
	s21 =	sshll.u32 s6, $0x1;
	s3 =	sadd.s32 s4, s19  }
0x9c: {  	s7 =	simm.s32 $0x0;
	s20 =	sshll.u32 s5, $0x1;
	s5 =	sadd.s32 s21, s3  }
0x9d: {  	[timem:s7], [sflag:s22] =	dma.local [hbm:s5], s20  }
0x9e: {  	_ =	swait.ge [sflag:s22], s20  }
0x9f: {  	s4 =	ssub.s32 $0x0, s20;
	[sflag:s22] =	ssyncset.done $0x0  }
0xa0: {  	[sflag:s22] =	ssyncadd.s32 s4;
	_ =	sdelay $0x1  }
0xa1: {  	s23 =	simm.s32 $0x1B8B  }
0xa2: {  	_ =	swait.ge [sflag:s23], $0x1  }
0xa3: {  	[sflag:s23] =	ssyncset.done $0x0  }
0xa4: {  	s25 =	simm.s32 $0x1B8E;
	s24 =	sld [smem:$0x3FFE];
	[sflag:s23] =	ssyncadd.s32 $0xFFFFFFFF  }
0xa5: {  	s26 =	simm.s32 $execute0_lowered;
	[smem:$0x3FD2] =	sst s25  }
0xa6: {  	s5 =	sshll.u32 s26, $0x1;
	_ =	strace $0x80000049;
	[dreg:$0x1] =	wrdreg $0xFFFFFFFF  }
0xa7: {  	s28 =	simm.s32 $_size_execute0_lowered;
	s3 =	sadd.s32 s3, s5;
	[dreg:$0x0] =	wrdreg $0x0  }
0xa8: {  	s5 =	sshll.u32 s28, $0x1;
	[dreg:$0x2] =	wrdreg s3  }
0xa9: {  	[dreg:$0x3] =	wrdreg s5  }
0xaa: {  	[dreg:$0x4] =	wrdreg $0xC0  }
0xab: {  	_ =	task [dreg:s7], $0x5FFFF  }
0xac: {  	[dreg:$0x1] =	wrdreg $0xFFFFFFFF  }
0xad: {  	[dreg:$0x0] =	wrdreg $0x60  }
0xae: {  	[dreg:$0x2] =	wrdreg s2  }
0xaf: {  	[dreg:$0x3] =	wrdreg s24  }
0xb0: {  	[dreg:$0x4] =	wrdreg $0x42000  }
0xb1: {  	[dreg:$0x5] =	wrdreg $0x9  }
0xb2: {  	_ =	task.clear_ibuf [dreg:s7], $0x6FFFF;
	_ =	strace $0x90000049  }
0xb3: {  	s29 =	simm.s32 $0x9;
	_ =	strace $0x8000004B  }
0xb4: {  	_ =	swait.ge [sflag:s29], $0x1  }
0xb5: {  	[sflag:s29] =	ssyncadd.s32 $0xFFFFFFFF  }
0xb6: {  	_ =	strace $0x9000004B  }
0xb7: {  	_ =	sfence  }
0xb8: {  	s30 =	sld [smem:$0x0];
	_ =	sdelay $0x2  }
0xb9: {  	s31 =	sshll.u32 s1, $0xD;
	s1 =	sshrl.u32 s1, $0x2  }
0xba: {  	s3 =	sand.u32 $0x4000, s31;
	s1 =	sadd.s32 s1, s30  }
0xbb: {  	s0 =	sor.u32 s3, s0;
	s1 =	sshll.u32 s1, $0x11  }
0xbc: {  	s0 =	sor.u32 s1, s0  }
0xbd: {  	s0 =	sadd.s32 $0x8F2B, s0  }
0xbe: {  	[sflag:s0] =	ssyncadd.remote.s32 $0x1  }
0xbf: {  	_ =	sfence.sel $0xFFFF  }
0xc0: {  	[dreg:$0x0] =	wrdreg $0xFFFFFFFF;
	(pc) =	sbr.abs _section_cstart, $3  }
0xc1: {  	[dreg:$0x1] =	wrdreg $0xFFFFFFFF  }
0xc2: {  	_ =	task.clear_ibuf [dreg:s7], $0x2FFFF;
	_ =	strace $0x9FFFFFFF  }
0xc3: {  	(tm) =	ssettm $0x7FFFFFFF  }
tec
execute0_lowered:
.L_overlay_start_1:
0x0: {  	(tag) =	ssettag $0x1  }
0x1: {  	s1 =	rddreg [dreg:$0x0]  }
0x2: {  	s0 =	rddreg [dreg:$0x1];
	s19 =	stileid.u32  }
0x3: {  	s4 =	srdreg.scid;
	s2 =	simm.s32 $0x0;
	s3 =	smul.u32 $0x13C0, s19  }
0x4: {  	s4 =	sand.u32 $0x1, s4;
	s5 =	smul.u32 $0x270, s19;
	[smem:$0x7FF] =	sst s2  }
0x5: {  	p0 =	sne.s32 s19, $0xF;
	s21 =	smul.u32 $0x2710, s4;
	s6 =	ssub.s32 $0x2, s4  }
0x6: {  	s4 =	smul.u32 $0x138800, s4;
	s3 =	sadd.s32 s3, s0;
	s7 =	sadd.s32 $0x240, s5  }
0x7: {  	s8 =	sshrl.u32 s6, $0x1;
	s0 =	sadd.s32 $0x16200, s0;
	s10 =	sadd.s32 $0x80, s5  }
0x8: {  	s12 =	sadd.s32 $0xC0, s5;
	s14 =	sadd.s32 $0x140, s5;
	s9 =	sadd.s32 s21, s7  }
0x9: {  	s6 =	ssub.s32 s6, s8;
	s4 =	sshrl.u32 s4, $0x3;
	s18 =	sadd.s32 s21, s5  }
0xa: {  	s11 =	sadd.s32 s21, s10;
	s23 =	sadd.s32 s21, s12;
	s13 =	sadd.s32 s21, s14  }
0xb: {  	s12 =	sshll.u32 s12, $0x7;
	s17 =	sshll.u32 s9, $0x4;
	s4 =	sadd.s32 s0, s4  }
0xc: {  	s9 =	sadd.s32 $0x40, s5;
	s22 =	sshll.u32 s11, $0x4;
	s24 =	sshll.u32 s23, $0x4  }
0xd: {  	s11 =	sadd.s32 $0x100, s5;
	s26 =	sshll.u32 s13, $0x4;
	s13 =	rddreg [dreg:$0x2]  }
0xe: {  	s8 =	sadd.s32 s0, s17;
	s20 =	sadd.s32 s21, s9;
	s25 =	sadd.s32 s21, s11  }
0xf: {  	s17 =	sadd.s32 $0x180, s5;
	[dreg:$0x4] =	wrdreg s8;
	s8 =	sshll.u32 s18, $0x4  }
0x10: {  	s28 =	sadd.s32 s21, s17;
	s18 =	sadd.s32 $0x1C0, s5;
	s5 =	sadd.s32 $0x200, s5  }
0x11: {  	s8 =	sadd.s32 s0, s8;
	s15 =	sshll.u32 s28, $0x4;
	s16 =	sadd.s32 s21, s18  }
0x12: {  	s28 =	sadd.s32 $0x27000, s4;
	[dreg:$0x5] =	wrdreg s8;
	s8 =	sshll.u32 s20, $0x4  }
0x13: {  	s4 =	smax.u32 s6, $0x1;
	s20 =	sadd.s32 s21, s5;
	s8 =	sadd.s32 s0, s8  }
0x14: {  	v0 =	vmov s21;
	s21 =	simm.s32 $0x2;
	[dreg:$0x6] =	wrdreg s8;
	s8 =	sadd.s32 s0, s22  }
0x15: {  	s22 =	sshll.u32 s20, $0x4;
	[dreg:$0x7] =	wrdreg s8;
	s8 =	sadd.s32 s0, s24  }
0x16: {  	s20 =	sshll.u32 s11, $0x7;
	s11 =	sadd.s32 $0x138000, s13;
	[dreg:$0x8] =	wrdreg s8  }
0x17: {  	s8 =	sshll.u32 s25, $0x4;
	s25 =	sshll.u32 s7, $0x7;
	s7 =	sshll.u32 s9, $0x7  }
0x18: {  	s24 =	sadd.s32 $0x2620, s3;
	s8 =	sadd.s32 s0, s8;
	s9 =	sadd.s32 s7, s13  }
0x19: {  	[dreg:$0x9] =	wrdreg s8;
	s8 =	sadd.s32 s0, s26;
	s26 =	smul.u32 $0x4E000, s19  }
0x1a: {  	[dreg:$0xa] =	wrdreg s8;
	s8 =	sadd.s32 s0, s15;
	s15 =	smul.u32 $0x4F000, s19  }
0x1b: {  	s19 =	simm.s32 $0x1;
	[dreg:$0xb] =	wrdreg s8;
	s8 =	sshll.u32 s16, $0x4  }
0x1c: {  	s16 =	sadd.s32 $0x2600, s3;
	s6 =	sshrl.u32 s26, $0x2;
	s26 =	sshll.u32 s18, $0x7  }
0x1d: {  	s18 =	simm.s32 $0x2200;
	s8 =	sadd.s32 s0, s8;
	s0 =	sadd.s32 s0, s22  }
0x1e: {  	s23 =	sshrl.u32 s15, $0x2;
	s22 =	sshll.u32 s14, $0x7;
	[dreg:$0xc] =	wrdreg s8  }
0x1f: {  	s29 =	sadd.s32 s26, s13;
	s14 =	simm.s32 $0x40;
	[dreg:$0xd] =	wrdreg s0  }
0x20: {  	s0 =	sadd.s32 s25, s13;
	_ =	strace $0x8000004A;
	[dreg:$0xe] =	wrdreg s24  }
0x21: {  	s15 =	sadd.s32 s23, s13;
	s8 =	sshll.u32 s10, $0x7;
	[dreg:$0xf] =	wrdreg s0  }
0x22: {  	s23 =	sadd.s32 s20, s13;
	s25 =	sshll.u32 s17, $0x7;
	[dreg:$0x10] =	wrdreg s28  }
0x23: {  	s17 =	simm.s32 $0x100;
	s20 =	simm.s32 $0x80;
	[dreg:$0x11] =	wrdreg s4  }
0x24: {  	s0 =	sadd.s32 s6, s13;
	[dreg:$0x13] =	wrdreg s9;
	s10 =	sadd.s32 s8, s13  }
0x25: {  	[dreg:$0x16] =	wrdreg s23;
	s24 =	sadd.s32 s22, s13;
	s28 =	sshll.u32 s5, $0x7  }
0x26: {  	s31 =	sadd.s32 $0x12000, s15;
	s3 =	sadd.s32 $0x4000, s15;
	s4 =	sadd.s32 $0x6000, s15  }
0x27: {  	s5 =	sadd.s32 $0x8000, s15;
	s6 =	sadd.s32 $0xA000, s15;
	s7 =	sadd.s32 $0xC000, s15  }
0x28: {  	s8 =	sadd.s32 $0xE000, s15;
	s9 =	sadd.s32 $0x10000, s15;
	[dreg:$0x12] =	wrdreg s0  }
0x29: {  	s22 =	simm.s32 $0x180;
	s23 =	simm.s32 $0x0;
	[dreg:$0x14] =	wrdreg s10  }
0x2a: {  	s0 =	sadd.s32 s12, s13;
	[dreg:$0x17] =	wrdreg s24;
	s30 =	sadd.s32 s28, s13  }
0x2b: {  	s10 =	simm.s32 $0x200;
	[dreg:$0x15] =	wrdreg s0;
	s0 =	sadd.s32 s25, s13  }
0x2c: {  	v1 =	vimm.f32 $0.0e+00;
	s12 =	simm.s32 $0x3;
	[dreg:$0x18] =	wrdreg s0;
	s0 =	sadd.s32 $0x2000, s15  }
.LBB2_1:
0x2d: {  	s24 =	simm.s32 $0x0;
	s25 =	simm.s32 $0x200  }
.LBB2_2:
0x2e: {  	p1 =	sne.s32 s25, $0x7E00;
	[tilespmem:s24+$0x270] =	vst v1  }
0x2f: {  	[tilespmem:s24+$0x200] =	vst v1  }
0x30: {  	[tilespmem:s24+$0x210] =	vst v1  }
.Ltmp0:
0x31: {  	[tilespmem:s24+$0x220] =	vst v1;
	(pc) =	sbr.rel @p1 .LBB2_2-.Ltmp0, $4  }
0x32: {  	[tilespmem:s24+$0x230] =	vst v1  }
0x33: {  	[tilespmem:s24+$0x240] =	vst v1  }
0x34: {  	[tilespmem:s24+$0x250] =	vst v1  }
0x35: {  	[tilespmem:s24+$0x260] =	vst v1;
	s24 =	sshra.s32 s25, $0x2;
	s25 =	sadd.s32 $0x200, s25  }
0x36: {  	[tilespmem:s24+$0x270] =	vst v1  }
0x37: {  	[tilespmem:s24+$0x200] =	vst v1  }
0x38: {  	[tilespmem:s24+$0x210] =	vst v1  }
0x39: {  	[tilespmem:s24+$0x220] =	vst v1  }
0x3a: {  	[tilespmem:s24+$0x230] =	vst v1  }
0x3b: {  	[tilespmem:s24+$0x240] =	vst v1  }
0x3c: {  	[tilespmem:s24+$0x250] =	vst v1  }
0x3d: {  	[tilespmem:s24+$0x260] =	vst v1  }
0x3e: {  	[spmem:s15] =	stream.linear.scatter [tilespmem:s10], [sflag:$0x3], $0x2000, $0x38;
	[tilespmem:$0x17E00] =	vst v63  }
0x3f: {  	_ =	swait.ge [sflag:s12], $0x2000  }
0x40: {  	[sflag:s12] =	ssyncset.done $0x0  }
0x41: {  	[sflag:s12] =	ssyncadd.s32 $0xFFFFE000  }
0x42: {  	[spmem:s0] =	stream.linear.scatter [tilespmem:s10], [sflag:$0x3], $0x2000, $0x38;
	[tilespmem:$0x17E00] =	vst v63  }
0x43: {  	_ =	swait.ge [sflag:s12], $0x2000  }
0x44: {  	[sflag:s12] =	ssyncset.done $0x0  }
0x45: {  	[sflag:s12] =	ssyncadd.s32 $0xFFFFE000  }
0x46: {  	[spmem:s3] =	stream.linear.scatter [tilespmem:s10], [sflag:$0x3], $0x2000, $0x38;
	[tilespmem:$0x17E00] =	vst v63  }
0x47: {  	_ =	swait.ge [sflag:s12], $0x2000  }
0x48: {  	[sflag:s12] =	ssyncset.done $0x0  }
0x49: {  	[sflag:s12] =	ssyncadd.s32 $0xFFFFE000  }
0x4a: {  	[spmem:s4] =	stream.linear.scatter [tilespmem:s10], [sflag:$0x3], $0x2000, $0x38;
	[tilespmem:$0x17E00] =	vst v63  }
0x4b: {  	_ =	swait.ge [sflag:s12], $0x2000  }
0x4c: {  	[sflag:s12] =	ssyncset.done $0x0  }
0x4d: {  	[sflag:s12] =	ssyncadd.s32 $0xFFFFE000  }
0x4e: {  	[spmem:s5] =	stream.linear.scatter [tilespmem:s10], [sflag:$0x3], $0x2000, $0x38;
	[tilespmem:$0x17E00] =	vst v63  }
0x4f: {  	_ =	swait.ge [sflag:s12], $0x2000  }
0x50: {  	[sflag:s12] =	ssyncset.done $0x0  }
0x51: {  	[sflag:s12] =	ssyncadd.s32 $0xFFFFE000  }
0x52: {  	[spmem:s6] =	stream.linear.scatter [tilespmem:s10], [sflag:$0x3], $0x2000, $0x38;
	[tilespmem:$0x17E00] =	vst v63  }
0x53: {  	_ =	swait.ge [sflag:s12], $0x2000  }
0x54: {  	[sflag:s12] =	ssyncset.done $0x0  }
0x55: {  	[sflag:s12] =	ssyncadd.s32 $0xFFFFE000  }
0x56: {  	[spmem:s7] =	stream.linear.scatter [tilespmem:s10], [sflag:$0x3], $0x2000, $0x38;
	[tilespmem:$0x17E00] =	vst v63  }
0x57: {  	_ =	swait.ge [sflag:s12], $0x2000  }
0x58: {  	[sflag:s12] =	ssyncset.done $0x0  }
0x59: {  	[sflag:s12] =	ssyncadd.s32 $0xFFFFE000  }
0x5a: {  	[spmem:s8] =	stream.linear.scatter [tilespmem:s10], [sflag:$0x3], $0x2000, $0x38;
	[tilespmem:$0x17E00] =	vst v63  }
0x5b: {  	_ =	swait.ge [sflag:s12], $0x2000  }
0x5c: {  	[sflag:s12] =	ssyncset.done $0x0  }
0x5d: {  	[sflag:s12] =	ssyncadd.s32 $0xFFFFE000  }
0x5e: {  	[spmem:s9] =	stream.linear.scatter [tilespmem:s10], [sflag:$0x3], $0x2000, $0x38;
	[tilespmem:$0x17E00] =	vst v63  }
0x5f: {  	_ =	swait.ge [sflag:s12], $0x2000  }
0x60: {  	[sflag:s12] =	ssyncset.done $0x0  }
0x61: {  	[sflag:s12] =	ssyncadd.s32 $0xFFFFE000  }
0x62: {  	[spmem:s31] =	stream.linear.scatter [tilespmem:s10], [sflag:$0x3], $0x1C00, $0x38;
	[tilespmem:$0x17E00] =	vst v63  }
0x63: {  	_ =	swait.ge [sflag:s12], $0x1C00  }
0x64: {  	[sflag:s12] =	ssyncset.done $0x0  }
0x65: {  	[sflag:s12] =	ssyncadd.s32 $0xFFFFE400  }
0x66: {  	[bflag:$0x0] =	sbarrier.arrive $0xFFFF  }
0x67: {  	[tilespmem:s2], [sflag:$0x3] =	stream.linear.gather [hbm4b:s16+s2], $0x100, $0x38;
	[tilespmem:$0x17E00] =	vst v63  }
0x68: {  	_ =	swait.ge [sflag:s12], $0x100  }
0x69: {  	[sflag:s12] =	ssyncset.done $0x0  }
0x6a: {  	[sflag:s12] =	ssyncadd.s32 $0xFFFFFF00  }
0x6b: {  	v2 =	vld [tilespmem:$0x0]  }
0x6c: {  	v3 =	vld [tilespmem:$0x10]  }
0x6d: {  	v4 =	vld [tilespmem:$0x20]  }
0x6e: {  	v5 =	vld [tilespmem:$0x30];
	_ =	sdelay $0x1  }
0x6f: {  	v2 =	vadd.s32 v0, v2  }
0x70: {  	[tilespmem:$0x0] =	vst v2;
	v2 =	vadd.s32 v0, v3  }
0x71: {  	[tilespmem:$0x10] =	vst v2;
	v2 =	vadd.s32 v0, v4  }
0x72: {  	[tilespmem:$0x20] =	vst v2;
	v2 =	vadd.s32 v0, v5  }
0x73: {  	[tilespmem:$0x30] =	vst v2  }
0x74: {  	[tilespmem:s10], [sflag:$0x1] =	stream.indirect.gather [hbm4b:s1+s14], $0x80, s2, s14, $0xb8;
	[tilespmem:$0x17E00] =	vst v63  }
0x75: {  	s26 =	rddreg [dreg:$0xe]  }
0x76: {  	[tilespmem:s17], [sflag:$0x3] =	stream.linear.gather [hbm4b:s26+s2], $0x100, $0x38;
	[tilespmem:$0x17E00] =	vst v63  }
0x77: {  	_ =	swait.ge [sflag:s12], $0x100  }
0x78: {  	[sflag:s12] =	ssyncset.done $0x0  }
0x79: {  	[sflag:s12] =	ssyncadd.s32 $0xFFFFFF00  }
0x7a: {  	v2 =	vld [tilespmem:$0x100]  }
0x7b: {  	v3 =	vld [tilespmem:$0x110]  }
0x7c: {  	v4 =	vld [tilespmem:$0x120]  }
0x7d: {  	v5 =	vld [tilespmem:$0x130];
	_ =	sdelay $0x1  }
0x7e: {  	v2 =	vadd.s32 v0, v2  }
0x7f: {  	[tilespmem:$0x100] =	vst v2;
	v2 =	vadd.s32 v0, v3  }
0x80: {  	[tilespmem:$0x110] =	vst v2;
	v2 =	vadd.s32 v0, v4  }
0x81: {  	[tilespmem:$0x120] =	vst v2;
	v2 =	vadd.s32 v0, v5  }
0x82: {  	[tilespmem:$0x130] =	vst v2  }
0x83: {  	[tilespmem:s18], [sflag:$0x2] =	stream.indirect.gather [hbm4b:s1+s14], $0x80, s17, s14, $0xb8;
	[tilespmem:$0x17E00] =	vst v63  }
0x84: {  	_ =	swait.ge [sflag:s19], $0x2000  }
0x85: {  	[sflag:s19] =	ssyncset.done $0x0  }
0x86: {  	[sflag:s19] =	ssyncadd.s32 $0xFFFFE000  }
0x87: {  	[spmem:s13] =	stream.indirect.scatter.add.f32 [tilespmem:s10], [sflag:$0x3], $0x80, s20, s14, $0xb8;
	[tilespmem:$0x17E00] =	vst v63  }
0x88: {  	_ =	swait.ge [sflag:s12], $0x2000  }
0x89: {  	s28 =	sadd.s32 $0xFFFFEC80, s16;
	[sflag:s12] =	ssyncset.done $0x0  }
0x8a: {  	s25 =	sadd.s32 $0x13C0, s28;
	[sflag:s12] =	ssyncadd.s32 $0xFFFFE000  }
0x8b: {  	[tilespmem:s2], [sflag:$0x3] =	stream.linear.gather [hbm4b:s25+s2], $0x100, $0x38;
	[tilespmem:$0x17E00] =	vst v63  }
0x8c: {  	_ =	swait.ge [sflag:s12], $0x100  }
0x8d: {  	[sflag:s12] =	ssyncset.done $0x0  }
0x8e: {  	[sflag:s12] =	ssyncadd.s32 $0xFFFFFF00  }
0x8f: {  	v2 =	vld [tilespmem:$0x30]  }
0x90: {  	v3 =	vld [tilespmem:$0x0]  }
0x91: {  	v4 =	vld [tilespmem:$0x20]  }
0x92: {  	v5 =	vld [tilespmem:$0x10];
	_ =	sdelay $0x1  }
0x93: {  	v2 =	vadd.s32 v0, v2  }
0x94: {  	v3 =	vadd.s32 v0, v3;
	[tilespmem:$0x30] =	vst v2  }
0x95: {  	[tilespmem:$0x0] =	vst v3;
	v2 =	vadd.s32 v0, v4  }
0x96: {  	v3 =	vadd.s32 v0, v5;
	[tilespmem:$0x20] =	vst v2  }
0x97: {  	[tilespmem:$0x10] =	vst v3  }
0x98: {  	[tilespmem:s10], [sflag:$0x1] =	stream.indirect.gather [hbm4b:s1+s14], $0x80, s2, s14, $0xb8;
	[tilespmem:$0x17E00] =	vst v63  }
0x99: {  	_ =	swait.ge [sflag:s21], $0x2000  }
0x9a: {  	[sflag:s21] =	ssyncset.done $0x0  }
0x9b: {  	[sflag:s21] =	ssyncadd.s32 $0xFFFFE000  }
0x9c: {  	[spmem:s13] =	stream.indirect.scatter.add.f32 [tilespmem:s18], [sflag:$0x3], $0x80, s22, s14, $0xb8;
	[tilespmem:$0x17E00] =	vst v63  }
0x9d: {  	_ =	swait.ge [sflag:s12], $0x2000  }
0x9e: {  	[sflag:s12] =	ssyncset.done $0x0  }
0x9f: {  	s24 =	sadd.s32 $0x13E0, s28;
	[sflag:s12] =	ssyncadd.s32 $0xFFFFE000  }
0xa0: {  	[tilespmem:s17], [sflag:$0x3] =	stream.linear.gather [hbm4b:s24+s2], $0x100, $0x38;
	[tilespmem:$0x17E00] =	vst v63  }
0xa1: {  	_ =	swait.ge [sflag:s12], $0x100  }
0xa2: {  	[sflag:s12] =	ssyncset.done $0x0  }
0xa3: {  	[sflag:s12] =	ssyncadd.s32 $0xFFFFFF00  }
0xa4: {  	v5 =	vld [tilespmem:$0x100]  }
0xa5: {  	v3 =	vld [tilespmem:$0x130]  }
0xa6: {  	v4 =	vld [tilespmem:$0x120]  }
0xa7: {  	s24 =	simm.s32 $0xFFFFECC0;
	v2 =	vld [tilespmem:$0x110]  }
.LBB2_4:
0xa8: {  	p1 =	sne.s32 s24, $0xFFFFFFC0;
	s25 =	smov.u32 s24;
	s24 =	sadd.s32 $0x40, s24  }
0xa9: {  	v5 =	vadd.s32 v0, v5  }
0xaa: {  	[tilespmem:$0x100] =	vst v5;
	v3 =	vadd.s32 v0, v3  }
0xab: {  	v4 =	vadd.s32 v0, v4;
	[tilespmem:$0x130] =	vst v3  }
0xac: {  	v2 =	vadd.s32 v0, v2;
	[tilespmem:$0x120] =	vst v4  }
0xad: {  	[tilespmem:$0x110] =	vst v2  }
0xae: {  	[tilespmem:s18], [sflag:$0x2] =	stream.indirect.gather [hbm4b:s1+s14], $0x80, s17, s14, $0xb8;
	[tilespmem:$0x17E00] =	vst v63  }
0xaf: {  	_ =	swait.ge [sflag:s19], $0x2000  }
0xb0: {  	[sflag:s19] =	ssyncset.done $0x0  }
0xb1: {  	[sflag:s19] =	ssyncadd.s32 $0xFFFFE000  }
0xb2: {  	[spmem:s13] =	stream.indirect.scatter.add.f32 [tilespmem:s10], [sflag:$0x3], $0x80, s20, s14, $0xb8;
	[tilespmem:$0x17E00] =	vst v63  }
0xb3: {  	_ =	swait.ge [sflag:s12], $0x2000  }
0xb4: {  	s25 =	sadd.s32 s25, s16;
	[sflag:s12] =	ssyncset.done $0x0  }
0xb5: {  	s26 =	sadd.s32 $0x13C0, s25;
	[sflag:s12] =	ssyncadd.s32 $0xFFFFE000  }
0xb6: {  	[tilespmem:s2], [sflag:$0x3] =	stream.linear.gather [hbm4b:s26+s2], $0x100, $0x38;
	[tilespmem:$0x17E00] =	vst v63  }
0xb7: {  	_ =	swait.ge [sflag:s12], $0x100  }
0xb8: {  	[sflag:s12] =	ssyncset.done $0x0  }
0xb9: {  	[sflag:s12] =	ssyncadd.s32 $0xFFFFFF00  }
0xba: {  	v2 =	vld [tilespmem:$0x30]  }
0xbb: {  	v3 =	vld [tilespmem:$0x0]  }
0xbc: {  	v4 =	vld [tilespmem:$0x20]  }
0xbd: {  	v5 =	vld [tilespmem:$0x10];
	_ =	sdelay $0x1  }
0xbe: {  	v2 =	vadd.s32 v0, v2  }
0xbf: {  	v3 =	vadd.s32 v0, v3;
	[tilespmem:$0x30] =	vst v2  }
0xc0: {  	[tilespmem:$0x0] =	vst v3;
	v2 =	vadd.s32 v0, v4  }
0xc1: {  	v3 =	vadd.s32 v0, v5;
	[tilespmem:$0x20] =	vst v2  }
0xc2: {  	[tilespmem:$0x10] =	vst v3  }
0xc3: {  	[tilespmem:s10], [sflag:$0x1] =	stream.indirect.gather [hbm4b:s1+s14], $0x80, s2, s14, $0xb8;
	[tilespmem:$0x17E00] =	vst v63  }
0xc4: {  	_ =	swait.ge [sflag:s21], $0x2000  }
0xc5: {  	[sflag:s21] =	ssyncset.done $0x0  }
0xc6: {  	[sflag:s21] =	ssyncadd.s32 $0xFFFFE000  }
0xc7: {  	[spmem:s13] =	stream.indirect.scatter.add.f32 [tilespmem:s18], [sflag:$0x3], $0x80, s22, s14, $0xb8;
	[tilespmem:$0x17E00] =	vst v63  }
0xc8: {  	_ =	swait.ge [sflag:s12], $0x2000  }
0xc9: {  	[sflag:s12] =	ssyncset.done $0x0  }
0xca: {  	s25 =	sadd.s32 $0x13E0, s25;
	[sflag:s12] =	ssyncadd.s32 $0xFFFFE000  }
0xcb: {  	[tilespmem:s17], [sflag:$0x3] =	stream.linear.gather [hbm4b:s25+s2], $0x100, $0x38;
	[tilespmem:$0x17E00] =	vst v63  }
0xcc: {  	_ =	swait.ge [sflag:s12], $0x100  }
0xcd: {  	[sflag:s12] =	ssyncset.done $0x0  }
.Ltmp1:
0xce: {  	[sflag:s12] =	ssyncadd.s32 $0xFFFFFF00;
	(pc) =	sbr.rel @p1 .LBB2_4-.Ltmp1, $4  }
0xcf: {  	v5 =	vld [tilespmem:$0x100]  }
0xd0: {  	v3 =	vld [tilespmem:$0x130]  }
0xd1: {  	v4 =	vld [tilespmem:$0x120]  }
0xd2: {  	v2 =	vld [tilespmem:$0x110]  }
0xd3: {  	_ = 	snop  }
0xd4: {  	v5 =	vadd.s32 v0, v5  }
0xd5: {  	[tilespmem:$0x100] =	vst v5;
	v3 =	vadd.s32 v0, v3  }
0xd6: {  	v4 =	vadd.s32 v0, v4;
	[tilespmem:$0x130] =	vst v3  }
0xd7: {  	v2 =	vadd.s32 v0, v2;
	[tilespmem:$0x120] =	vst v4  }
0xd8: {  	[tilespmem:$0x110] =	vst v2  }
0xd9: {  	[tilespmem:s18], [sflag:$0x2] =	stream.indirect.gather [hbm4b:s1+s14], $0x80, s17, s14, $0xb8;
	[tilespmem:$0x17E00] =	vst v63  }
0xda: {  	_ =	swait.ge [sflag:s19], $0x2000  }
0xdb: {  	[sflag:s19] =	ssyncset.done $0x0  }
0xdc: {  	[sflag:s19] =	ssyncadd.s32 $0xFFFFE000  }
0xdd: {  	[spmem:s13] =	stream.indirect.scatter.add.f32 [tilespmem:s10], [sflag:$0x3], $0x80, s20, s14, $0xb8;
	[tilespmem:$0x17E00] =	vst v63  }
0xde: {  	_ =	swait.ge [sflag:s12], $0x2000  }
0xdf: {  	[sflag:s12] =	ssyncset.done $0x0  }
0xe0: {  	[sflag:s12] =	ssyncadd.s32 $0xFFFFE000  }
0xe1: {  	_ =	swait.ge [sflag:s21], $0x2000  }
0xe2: {  	[sflag:s21] =	ssyncset.done $0x0  }
0xe3: {  	[sflag:s21] =	ssyncadd.s32 $0xFFFFE000  }
0xe4: {  	[spmem:s13] =	stream.indirect.scatter.add.f32 [tilespmem:s18], [sflag:$0x3], $0x80, s22, s14, $0xb8;
	[tilespmem:$0x17E00] =	vst v63  }
0xe5: {  	_ =	swait.ge [sflag:s12], $0x2000  }
0xe6: {  	[sflag:s12] =	ssyncset.done $0x0  }
0xe7: {  	[sflag:s12] =	ssyncadd.s32 $0xFFFFE000  }
0xe8: {  	[bflag:$0x0] =	sbarrier.arrive $0xFFFF  }
0xe9: {  	s24 =	rddreg [dreg:$0x12]  }
0xea: {  	[tilespmem:s10], [sflag:$0x3] =	stream.linear.gather [spmem:s24], $0x2000, $0x38;
	[tilespmem:$0x17E00] =	vst v63  }
0xeb: {  	_ =	swait.ge [sflag:s12], $0x2000  }
0xec: {  	[sflag:s12] =	ssyncset.done $0x0  }
0xed: {  	s25 =	rddreg [dreg:$0x5];
	[sflag:s12] =	ssyncadd.s32 $0xFFFFE000  }
0xee: {  	[hbm4b:s25+s2] =	stream.linear.scatter [tilespmem:s10], [sflag:$0x3], $0x2000, $0x38;
	[tilespmem:$0x17E00] =	vst v63  }
0xef: {  	_ =	swait.ge [sflag:s12], $0x2000  }
0xf0: {  	[sflag:s12] =	ssyncset.done $0x0  }
0xf1: {  	s26 =	rddreg [dreg:$0x13];
	[sflag:s12] =	ssyncadd.s32 $0xFFFFE000  }
0xf2: {  	[tilespmem:s10], [sflag:$0x3] =	stream.linear.gather [spmem:s26], $0x2000, $0x38;
	[tilespmem:$0x17E00] =	vst v63  }
0xf3: {  	_ =	swait.ge [sflag:s12], $0x2000  }
0xf4: {  	[sflag:s12] =	ssyncset.done $0x0  }
0xf5: {  	s28 =	rddreg [dreg:$0x6];
	[sflag:s12] =	ssyncadd.s32 $0xFFFFE000  }
0xf6: {  	[hbm4b:s28+s2] =	stream.linear.scatter [tilespmem:s10], [sflag:$0x3], $0x2000, $0x38;
	[tilespmem:$0x17E00] =	vst v63  }
0xf7: {  	_ =	swait.ge [sflag:s12], $0x2000  }
0xf8: {  	[sflag:s12] =	ssyncset.done $0x0  }
0xf9: {  	s25 =	rddreg [dreg:$0x14];
	[sflag:s12] =	ssyncadd.s32 $0xFFFFE000  }
0xfa: {  	[tilespmem:s10], [sflag:$0x3] =	stream.linear.gather [spmem:s25], $0x2000, $0x38;
	[tilespmem:$0x17E00] =	vst v63  }
0xfb: {  	_ =	swait.ge [sflag:s12], $0x2000  }
0xfc: {  	[sflag:s12] =	ssyncset.done $0x0  }
0xfd: {  	s26 =	rddreg [dreg:$0x7];
	[sflag:s12] =	ssyncadd.s32 $0xFFFFE000  }
0xfe: {  	[hbm4b:s26+s2] =	stream.linear.scatter [tilespmem:s10], [sflag:$0x3], $0x2000, $0x38;
	[tilespmem:$0x17E00] =	vst v63  }
0xff: {  	_ =	swait.ge [sflag:s12], $0x2000  }
0x100: {  	[sflag:s12] =	ssyncset.done $0x0  }
0x101: {  	s28 =	rddreg [dreg:$0x15];
	[sflag:s12] =	ssyncadd.s32 $0xFFFFE000  }
0x102: {  	[tilespmem:s10], [sflag:$0x3] =	stream.linear.gather [spmem:s28], $0x2000, $0x38;
	[tilespmem:$0x17E00] =	vst v63  }
0x103: {  	_ =	swait.ge [sflag:s12], $0x2000  }
0x104: {  	[sflag:s12] =	ssyncset.done $0x0  }
0x105: {  	s25 =	rddreg [dreg:$0x8];
	[sflag:s12] =	ssyncadd.s32 $0xFFFFE000  }
0x106: {  	[hbm4b:s25+s2] =	stream.linear.scatter [tilespmem:s10], [sflag:$0x3], $0x2000, $0x38;
	[tilespmem:$0x17E00] =	vst v63  }
0x107: {  	_ =	swait.ge [sflag:s12], $0x2000  }
0x108: {  	[sflag:s12] =	ssyncset.done $0x0  }
0x109: {  	s26 =	rddreg [dreg:$0x16];
	[sflag:s12] =	ssyncadd.s32 $0xFFFFE000  }
0x10a: {  	[tilespmem:s10], [sflag:$0x3] =	stream.linear.gather [spmem:s26], $0x2000, $0x38;
	[tilespmem:$0x17E00] =	vst v63  }
0x10b: {  	_ =	swait.ge [sflag:s12], $0x2000  }
0x10c: {  	[sflag:s12] =	ssyncset.done $0x0  }
0x10d: {  	s28 =	rddreg [dreg:$0x9];
	[sflag:s12] =	ssyncadd.s32 $0xFFFFE000  }
0x10e: {  	[hbm4b:s28+s2] =	stream.linear.scatter [tilespmem:s10], [sflag:$0x3], $0x2000, $0x38;
	[tilespmem:$0x17E00] =	vst v63  }
0x10f: {  	_ =	swait.ge [sflag:s12], $0x2000  }
0x110: {  	[sflag:s12] =	ssyncset.done $0x0  }
0x111: {  	s25 =	rddreg [dreg:$0x17];
	[sflag:s12] =	ssyncadd.s32 $0xFFFFE000  }
0x112: {  	[tilespmem:s10], [sflag:$0x3] =	stream.linear.gather [spmem:s25], $0x2000, $0x38;
	[tilespmem:$0x17E00] =	vst v63  }
0x113: {  	_ =	swait.ge [sflag:s12], $0x2000  }
0x114: {  	[sflag:s12] =	ssyncset.done $0x0  }
0x115: {  	s26 =	rddreg [dreg:$0xa];
	[sflag:s12] =	ssyncadd.s32 $0xFFFFE000  }
0x116: {  	[hbm4b:s26+s2] =	stream.linear.scatter [tilespmem:s10], [sflag:$0x3], $0x2000, $0x38;
	[tilespmem:$0x17E00] =	vst v63  }
0x117: {  	_ =	swait.ge [sflag:s12], $0x2000  }
0x118: {  	[sflag:s12] =	ssyncset.done $0x0  }
0x119: {  	s28 =	rddreg [dreg:$0x18];
	[sflag:s12] =	ssyncadd.s32 $0xFFFFE000  }
0x11a: {  	[tilespmem:s10], [sflag:$0x3] =	stream.linear.gather [spmem:s28], $0x2000, $0x38;
	[tilespmem:$0x17E00] =	vst v63  }
0x11b: {  	_ =	swait.ge [sflag:s12], $0x2000  }
0x11c: {  	[sflag:s12] =	ssyncset.done $0x0  }
0x11d: {  	s25 =	rddreg [dreg:$0xb];
	[sflag:s12] =	ssyncadd.s32 $0xFFFFE000  }
0x11e: {  	[hbm4b:s25+s2] =	stream.linear.scatter [tilespmem:s10], [sflag:$0x3], $0x2000, $0x38;
	[tilespmem:$0x17E00] =	vst v63  }
0x11f: {  	_ =	swait.ge [sflag:s12], $0x2000  }
0x120: {  	[sflag:s12] =	ssyncset.done $0x0  }
0x121: {  	[sflag:s12] =	ssyncadd.s32 $0xFFFFE000  }
0x122: {  	[tilespmem:s10], [sflag:$0x3] =	stream.linear.gather [spmem:s29], $0x2000, $0x38;
	[tilespmem:$0x17E00] =	vst v63  }
0x123: {  	_ =	swait.ge [sflag:s12], $0x2000  }
0x124: {  	[sflag:s12] =	ssyncset.done $0x0  }
0x125: {  	s26 =	rddreg [dreg:$0xc];
	[sflag:s12] =	ssyncadd.s32 $0xFFFFE000  }
0x126: {  	[hbm4b:s26+s2] =	stream.linear.scatter [tilespmem:s10], [sflag:$0x3], $0x2000, $0x38;
	[tilespmem:$0x17E00] =	vst v63  }
0x127: {  	_ =	swait.ge [sflag:s12], $0x2000  }
0x128: {  	[sflag:s12] =	ssyncset.done $0x0  }
0x129: {  	[sflag:s12] =	ssyncadd.s32 $0xFFFFE000  }
0x12a: {  	[tilespmem:s10], [sflag:$0x3] =	stream.linear.gather [spmem:s30], $0x2000, $0x38;
	[tilespmem:$0x17E00] =	vst v63  }
0x12b: {  	_ =	swait.ge [sflag:s12], $0x2000  }
0x12c: {  	[sflag:s12] =	ssyncset.done $0x0  }
0x12d: {  	s28 =	rddreg [dreg:$0xd];
	[sflag:s12] =	ssyncadd.s32 $0xFFFFE000  }
0x12e: {  	[hbm4b:s28+s2] =	stream.linear.scatter [tilespmem:s10], [sflag:$0x3], $0x2000, $0x38;
	[tilespmem:$0x17E00] =	vst v63  }
0x12f: {  	_ =	swait.ge [sflag:s12], $0x2000  }
0x130: {  	[sflag:s12] =	ssyncset.done $0x0  }
0x131: {  	s25 =	rddreg [dreg:$0xf];
	[sflag:s12] =	ssyncadd.s32 $0xFFFFE000  }
0x132: {  	[tilespmem:s10], [sflag:$0x3] =	stream.linear.gather [spmem:s25], $0x1800, $0x38;
	[tilespmem:$0x17E00] =	vst v63  }
0x133: {  	_ =	swait.ge [sflag:s12], $0x1800  }
0x134: {  	[sflag:s12] =	ssyncset.done $0x0  }
0x135: {  	s26 =	rddreg [dreg:$0x4];
	[sflag:s12] =	ssyncadd.s32 $0xFFFFE800  }
0x136: {  	[hbm4b:s26+s2] =	stream.linear.scatter [tilespmem:s10], [sflag:$0x3], $0x1800, $0x38;
	[tilespmem:$0x17E00] =	vst v63  }
0x137: {  	_ =	swait.ge [sflag:s12], $0x1800  }
0x138: {  	[sflag:s12] =	ssyncset.done $0x0  }
0x139: {  	s24 =	simm.s32 @!p0 $0x200;
	s25 =	simm.s32 @!p0 $0x3;
	[sflag:s12] =	ssyncadd.s32 $0xFFFFE800  }
0x13a: {  	[tilespmem:s24], [sflag:$0x3] =	stream.linear.gather @!p0 [spmem:s11], $0x800, $0x38;
	[tilespmem:$0x17E00] =	vst v63  }
0x13b: {  	_ =	swait.ge @!p0 [sflag:s25], $0x800  }
0x13c: {  	[sflag:s25] =	ssyncset.done @!p0 $0x0  }
0x13d: {  	s26 =	simm.s32 @!p0 $0x0;
	s28 =	rddreg [dreg:$0x10];
	[sflag:s25] =	ssyncadd.s32 @!p0 $0xFFFFF800  }
0x13e: {  	[hbm4b:s28+s26] =	stream.linear.scatter @!p0 [tilespmem:s24], [sflag:$0x3], $0x800, $0x38;
	[tilespmem:$0x17E00] =	vst v63  }
0x13f: {  	_ =	swait.ge @!p0 [sflag:s25], $0x800  }
0x140: {  	s23 =	sadd.s32 $0x1, s23;
	s28 =	rddreg [dreg:$0x11]  }
0x141: {  	p1 =	sne.s32 s23, s28  }
.Ltmp2:
0x142: {  	_ = 	snop;
	(pc) =	sbr.rel @p1 .LBB2_1-.Ltmp2, $3  }
0x143: {  	_ =	sdelay $0x1  }
0x144: {  	[sflag:s25] =	ssyncset.done @!p0 $0x0  }
0x145: {  	[sflag:s25] =	ssyncadd.s32 @!p0 $0xFFFFF800  }
0x146: {  	_ =	sfence.sel $0x180000  }
0x147: {  	[bflag:$0x0] =	sbarrier.arrive $0xFFFF  }
0x148: {  	_ =	strace $0x9000004A  }
0x149: {  	s0 =	stileid.u32;
	[bflag:$0x2] =	sbarrier.arrive $0xFFFF  }
0x14a: {  	p0 =	sne.s32 s0, $0x0;
	s0 =	rddreg [dreg:$0x3]  }
0x14b: {  	s0 =	sadd.s32 @!p0 $0x100000, s0  }
0x14c: {  	[sflag:s0] =	ssyncadd.tile.s32 @!p0 $0x1;
	_ =	shalt  }
.Lfunc_end2:
_tile_overlayer_lowered:
.L_overlay_start_2:
0x14d: {  	(tag) =	ssettag $0x2  }
0x14e: {  	s0 =	rddreg [dreg:$0x0];
	s2 =	stileid.u32  }
0x14f: {  	s1 =	rddreg [dreg:$0x1];
	p0 =	sne.s32 s2, $0x0  }
0x150: {  	s3 =	rddreg [dreg:$0x2];
	[bflag:$0x3] =	sbarrier.arrive $0xFFFF;
	s2 =	simm.s32 @!p0 $0x1C03  }
0x151: {  	[timem:s3], [sflag:s2] =	dma.local @!p0 [hbm:s0], s1  }
0x152: {  	s0 =	simm.s32 @!p0 $0x3  }
0x153: {  	_ =	swait.ge @!p0 [sflag:s0], s1  }
0x154: {  	s1 =	ssub.s32 @!p0 $0x0, s1;
	[sflag:s0] =	ssyncset.done @!p0 $0x0  }
0x155: {  	[sflag:s0] =	ssyncadd.s32 @!p0 s1  }
0x156: {  	[bflag:$0x3] =	sbarrier.arrive $0xFFFF  }
0x157: {  	_ =	shalt  }

</sc_bundles>
